<compile_context>
chip_gen: v7x
topology: tpu7x:2x2x1
jax: 0.10.2.dev20260603
libtpu: 0.0.44.dev20260713+nightly
codegen_flags: <defaults>
</compile_context>

<pallas_src>
import functools

import jax
import jax.numpy as jnp
from jax import lax
from jax.experimental import pallas as pl
from jax.experimental.pallas import tpu as pltpu
from jax.experimental.pallas import tpu_sc as plsc

N = 10000
E = 320000
D = 128

NC = 2
NS = 16

CW = 125
ROWS = E // CW
RPW = ROWS // NS
CPW = ROWS // (NC * NS)
NP = 10240
DS = NP // 8
DPS = DS // NS
QN = NP // 4
QP = QN + 8 * NS
SPS = QN // NS

_MESH = plsc.VectorSubcoreMesh(core_axis_name="c", subcore_axis_name="s")

_f32 = jnp.float32


@functools.partial(
    pl.kernel,
    out_type=(
        jax.ShapeDtypeStruct((NC * DS, D), _f32),
        jax.ShapeDtypeStruct((NC * DS, D), _f32),
    ),
    mesh=_MESH,
    scratch_types=[
        pltpu.VMEM((CPW, CW), jnp.int32),
        pltpu.VMEM((CPW, CW), jnp.int32),
        pltpu.VMEM((CW, D), _f32),
        pltpu.VMEM((CW, D), _f32),
        pltpu.VMEM((DPS, D), _f32),
        pltpu.VMEM_SHARED((DS, D), _f32),
        pltpu.SemaphoreType.DMA,
        pltpu.SemaphoreType.DMA,
    ],
)
def _sc_deg(e8_hbm, i8s_hbm, ids_hbm, i8d_hbm, idd_hbm, zero_hbm,
            dop_hbm, dip_hbm,
            i8_v, id_v, buf0, buf1, zb, acc, sem0, sem1):
    c = lax.axis_index("c")
    s = lax.axis_index("s")
    w = s * NC + c
    base = w * CPW
    bufs = (buf0, buf1)
    sems = (sem0, sem1)

    def gather(i8_v2, j, b):
        return pltpu.make_async_copy(
            e8_hbm.at[i8_v2.at[j]], bufs[b], sems[b])

    for i8_hbm, id_hbm, o_hbm in ((i8s_hbm, ids_hbm, dop_hbm),
                                  (i8d_hbm, idd_hbm, dip_hbm)):
        pltpu.sync_copy(i8_hbm.at[pl.ds(base, CPW)], i8_v)
        pltpu.sync_copy(id_hbm.at[pl.ds(base, CPW)], id_v)
        pltpu.sync_copy(zero_hbm, zb)
        pltpu.sync_copy(zb, acc.at[pl.ds(s * DPS, DPS)])
        plsc.subcore_barrier()

        gather(i8_v, 0, 0).start()
        gather(i8_v, 1, 1).start()

        def body(t, _):
            for b in range(2):
                j = 2 * t + b
                gather(i8_v, j, b).wait()
                pltpu.sync_copy(bufs[b], acc.at[id_v.at[j]], add=True)
                gather(i8_v, j + 2, b).start()
            return 0

        lax.fori_loop(0, CPW // 2 - 1, body, 0)
        for b in range(2):
            j = CPW - 2 + b
            gather(i8_v, j, b).wait()
            pltpu.sync_copy(bufs[b], acc.at[id_v.at[j]], add=True)

        plsc.subcore_barrier()
        pltpu.sync_copy(acc.at[pl.ds(s * DPS, DPS)], zb)
        pltpu.sync_copy(zb, o_hbm.at[pl.ds(c * DS + s * DPS, DPS)])


@functools.partial(
    pl.kernel,
    out_type=jax.ShapeDtypeStruct((4 * QN, D), _f32),
    mesh=_MESH,
    scratch_types=[
        pltpu.VMEM((RPW, CW), jnp.int32),
        pltpu.VMEM((RPW, CW), jnp.int32),
        pltpu.VMEM((CW, D), _f32),
        pltpu.VMEM((CW, D), _f32),
        pltpu.VMEM((SPS, D), _f32),
        pltpu.VMEM_SHARED((QP, D), _f32),
        pltpu.SemaphoreType.DMA,
        pltpu.SemaphoreType.DMA,
    ],
)
def _sc_feat(h_hbm, src_hbm, dstl_hbm, zero_hbm,
             out_hbm,
             src_idx, dst_idx, buf0, buf1, zb, acc, sem0, sem1):
    c = lax.axis_index("c")
    s = lax.axis_index("s")
    base = s * RPW

    pltpu.sync_copy(src_hbm.at[pl.ds(base, RPW)], src_idx)
    pltpu.sync_copy(zero_hbm, zb)
    bufs = (buf0, buf1)
    sems = (sem0, sem1)

    def gather(j, b):
        return pltpu.make_async_copy(
            h_hbm.at[src_idx.at[j]], bufs[b], sems[b])

    for p in range(2):
        q = 2 * p + c
        pltpu.sync_copy(dstl_hbm.at[pl.ds(q * ROWS + base, RPW)], dst_idx)
        pltpu.sync_copy(zb, acc.at[pl.ds(s * SPS, SPS)])
        pltpu.sync_copy(zb.at[pl.ds(0, 8)], acc.at[pl.ds(QN + 8 * s, 8)])
        plsc.subcore_barrier()

        gather(0, 0).start()
        gather(1, 1).start()

        def body(t, _):
            for b in range(2):
                j = 2 * t + b
                gather(j, b).wait()
                pltpu.sync_copy(bufs[b], acc.at[dst_idx.at[j]], add=True)
                gather(j + 2, b).start()
            return 0

        lax.fori_loop(0, RPW // 2 - 1, body, 0)
        for b in range(2):
            j = RPW - 2 + b
            gather(j, b).wait()
            pltpu.sync_copy(bufs[b], acc.at[dst_idx.at[j]], add=True)

        plsc.subcore_barrier()
        pltpu.sync_copy(acc.at[pl.ds(s * SPS, SPS)], zb)
        pltpu.sync_copy(zb, out_hbm.at[pl.ds(q * QN + s * SPS, SPS)])
        pltpu.sync_copy(zero_hbm, zb)


_R = 2000


def _deg_r(p_ref):
    return lax.rsqrt(jnp.maximum(p_ref[:, 0], 1.0))


def _prep_body(x_ref, dop_ref, o_ref):
    o_ref[...] = x_ref[...] * _deg_r(dop_ref)[:, None]


def _gcn_post(aggp_ref, dip_ref, w_ref, b_ref):
    agg = aggp_ref[...] * _deg_r(dip_ref)[:, None]
    z = jnp.dot(agg, w_ref[...], preferred_element_type=_f32) + b_ref[...]
    h = jnp.maximum(z, 0.0)
    nrm = jnp.sqrt(jnp.sum(h * h, axis=1, keepdims=True))
    return h / jnp.maximum(nrm, 1e-12)


def _layer_body(aggp_ref, dip_ref, dop_ref, w_ref, b_ref, o_ref):
    h = _gcn_post(aggp_ref, dip_ref, w_ref, b_ref)
    o_ref[...] = h * _deg_r(dop_ref)[:, None]


def _final_body(aggp_ref, dip_ref, x_ref, w_ref, b_ref, o_ref):
    h = _gcn_post(aggp_ref, dip_ref, w_ref, b_ref)
    y = jnp.maximum(h + x_ref[...], 0.0)
    nrm = jnp.sqrt(jnp.sum(y * y, axis=1, keepdims=True))
    o_ref[...] = y / jnp.maximum(nrm, 1e-12)


_spec_rows = pl.BlockSpec((_R, D), lambda i: (i, 0))
_spec_deg = pl.BlockSpec((_R, 16), lambda i: (i, 0))
_spec_w = pl.BlockSpec((D, D), lambda i: (0, 0))
_spec_b = pl.BlockSpec((1, D), lambda i: (0, 0))
_out_rows = jax.ShapeDtypeStruct((N, D), _f32)

_tc_prep = pl.pallas_call(
    _prep_body,
    grid=(N // _R,),
    in_specs=[_spec_rows, _spec_deg],
    out_specs=_spec_rows,
    out_shape=_out_rows,
)

_tc_layer = pl.pallas_call(
    _layer_body,
    grid=(N // _R,),
    in_specs=[_spec_rows, _spec_deg, _spec_deg, _spec_w, _spec_b],
    out_specs=_spec_rows,
    out_shape=_out_rows,
)

_tc_final = pl.pallas_call(
    _final_body,
    grid=(N // _R,),
    in_specs=[_spec_rows, _spec_deg, _spec_rows, _spec_w, _spec_b],
    out_specs=_spec_rows,
    out_shape=_out_rows,
)


def kernel(x, edge_index, W1, b1, W2, b2):
    src = edge_index[0]
    dst = edge_index[1]
    src2d = src.reshape(ROWS, CW)
    e8 = jnp.zeros((8, D), _f32).at[jnp.arange(8), jnp.arange(8) * 16].set(1.0)
    e8 = jnp.tile(e8, (NC * NS, 1))
    woff = 8 * (jnp.arange(E, dtype=jnp.int32) // (CPW * CW))
    i8s = (src % 8 + woff).reshape(ROWS, CW)
    ids_ = (src // 8).reshape(ROWS, CW)
    i8d = (dst % 8 + woff).reshape(ROWS, CW)
    idd = (dst // 8).reshape(ROWS, CW)
    dump = QN + 8 * (jnp.arange(E, dtype=jnp.int32) // (RPW * CW))
    loc = dst[None, :] - (jnp.arange(4, dtype=jnp.int32) * QN)[:, None]
    dstl = jnp.where((loc >= 0) & (loc < QN), loc, dump[None, :])
    dstl = dstl.reshape(4 * ROWS, CW)
    zero_deg = jnp.zeros((DPS, D), _f32)
    zero_q = jnp.zeros((SPS, D), _f32)

    dop8, dip8 = _sc_deg(e8, i8s, ids_, i8d, idd, zero_deg)
    dop = dop8.reshape(NC, NP, 16).sum(axis=0)[:N]
    dip = dip8.reshape(NC, NP, 16).sum(axis=0)[:N]
    xp = _tc_prep(x, dop)
    agg1 = _sc_feat(xp, src2d, dstl, zero_q)[:N]
    h1s = _tc_layer(agg1, dip, dop, W1, b1.reshape(1, D))
    agg2 = _sc_feat(h1s, src2d, dstl, zero_q)[:N]
    out = _tc_final(agg2, dip, x, W2, b2.reshape(1, D))
    return out

# --- scband reference (transcript-rebuilt; emitter-appended) ---
"""Pipeline reference for scband-gnnskip-stage-67310727462926 (READ-ONLY COPY).

The authoritative reference and input builder live on the scoring server;
editing this copy changes nothing except your own understanding.
"""

import jax, jax.numpy as jnp
import numpy as np

N = 10000
E = 320000
D = 128


def setup_inputs(seed: int = 0) -> dict:
    key = jax.random.key(seed)
    ks = jax.random.split(key, 6)
    x = jax.random.normal(ks[0], (N, D), dtype=jnp.float32)
    edge_index = jax.random.randint(ks[1], (2, E), 0, N, dtype=jnp.int32)
    scale = 1.0 / np.sqrt(D)
    W1 = jax.random.normal(ks[2], (D, D), dtype=jnp.float32) * scale
    b1 = jnp.zeros((D,), dtype=jnp.float32)
    W2 = jax.random.normal(ks[3], (D, D), dtype=jnp.float32) * scale
    b2 = jnp.zeros((D,), dtype=jnp.float32)
    return {"x": x, "edge_index": edge_index, "W1": W1, "b1": b1, "W2": W2, "b2": b2}


def _l2norm(h):
    n = jnp.linalg.norm(h, axis=-1, keepdims=True)
    return h / jnp.maximum(n, 1e-12)


def reference(x, edge_index, W1, b1, W2, b2):
    src = edge_index[0]
    dst = edge_index[1]
    n_nodes = x.shape[0]
    n_edges = src.shape[0]
    ones = jnp.ones((n_edges,), dtype=jnp.float32)
    deg_out = jnp.clip(jax.ops.segment_sum(ones, src, num_segments=n_nodes), 1.0, None)
    deg_in = jnp.clip(jax.ops.segment_sum(ones, dst, num_segments=n_nodes), 1.0, None)
    norm = jax.lax.rsqrt(deg_out)[src] * jax.lax.rsqrt(deg_in)[dst]

    def gcn(h, W, b):
        # gather source features, apply symmetric GCN normalization, scatter-add to dst
        m = h[src] * norm[:, None]
        agg = jax.ops.segment_sum(m, dst, num_segments=n_nodes)
        return agg @ W + b

    # GNNSkipBlock with skip_every=2 layers, stage_type='skipsum'
    h0 = x
    h = _l2norm(jax.nn.relu(gcn(x, W1, b1)))    # GeneralLayer 1: conv + relu + l2norm (no bn, dropout=0)
    h = _l2norm(jax.nn.relu(gcn(h, W2, b2)))    # GeneralLayer 2
    h = jax.nn.relu(h + h0)                      # skipsum residual + block act
    # Stage-level final l2norm (has_l2norm=True)
    h = _l2norm(h)
    return h

if __name__ == "__main__":
    import jax
    _d = setup_inputs()
    print(jax.jit(kernel)(*tuple(_d.values())))

</pallas_src>

<mosaic_0001>
#map = affine_map<(d0, d1) -> (0, 0)>
module attributes {stable_mosaic.version = 14 : i64} {
  func.func @_sc_feat(%arg0: i32, %arg1: i32, %arg2: memref<10000x128xf32, #tpu.memory_space<hbm>>, %arg3: memref<2560x125xi32, #tpu.memory_space<hbm>>, %arg4: memref<10240x125xi32, #tpu.memory_space<hbm>>, %arg5: memref<160x128xf32, #tpu.memory_space<hbm>>, %arg6: memref<10240x128xf32, #tpu.memory_space<hbm>>, %arg7: memref<160x125xi32, #tpu.memory_space<vmem>>, %arg8: memref<160x125xi32, #tpu.memory_space<vmem>>, %arg9: memref<125x128xf32, #tpu.memory_space<vmem>>, %arg10: memref<125x128xf32, #tpu.memory_space<vmem>>, %arg11: memref<160x128xf32, #tpu.memory_space<vmem>>, %arg12: memref<2688x128xf32, #tpu.memory_space<vmem_shared>>, %arg13: memref<!tpu.dma_semaphore, #tpu.memory_space<semaphore_mem>>, %arg14: memref<!tpu.dma_semaphore, #tpu.memory_space<semaphore_mem>>) attributes {dimension_semantics = [#tpu.dimension_semantics<core_parallel>, #tpu.dimension_semantics<subcore_parallel>], iteration_bounds = array<i64: 2, 16>, scalar_prefetch = 0 : i64, scratch_operands = 8 : i64, tpu.core_type = #tpu.core_type<sc_vector_subcore>, window_params = [{transform_indices = #map}, {transform_indices = #map}, {transform_indices = #map}, {transform_indices = #map}, {transform_indices = #map}]} {
    %mul3A = arith.constant 160 : i32
    %mul3A_0 = arith.muli %arg1, %mul3A : i32
    "tpu.region"() ({
      %run_scoped3A_109 = tpu.sem_alloc : memref<!tpu.dma_semaphore, #tpu.memory_space<semaphore_mem>>
      %dma_start3A_110 = arith.constant 0 : i32
      %dma_start3A_111 = tpu.memref_slice %arg3[%mul3A_0, %dma_start3A_110] : memref<2560x125xi32, #tpu.memory_space<hbm>> -> memref<160x125xi32, #tpu.memory_space<hbm>>
      %dma_start3A_112 = arith.constant 0 : i32
      %dma_start3A_113 = tpu.memref_slice %arg3[%mul3A_0, %dma_start3A_112] : memref<2560x125xi32, #tpu.memory_space<hbm>> -> memref<160x125xi32, #tpu.memory_space<hbm>>
      tpu.enqueue_dma source(%dma_start3A_113 : memref<160x125xi32, #tpu.memory_space<hbm>>) target(%arg7 : memref<160x125xi32, #tpu.memory_space<vmem>>) target_semaphore(%run_scoped3A_109 : memref<!tpu.dma_semaphore, #tpu.memory_space<semaphore_mem>>)
      %dma_wait3A_114 = arith.constant 0 : i32
      %dma_wait3A_115 = tpu.memref_slice %arg3[%mul3A_0, %dma_wait3A_114] : memref<2560x125xi32, #tpu.memory_space<hbm>> -> memref<160x125xi32, #tpu.memory_space<hbm>>
      %dma_wait3A_116 = arith.constant 0 : i32
      %dma_wait3A_117 = tpu.memref_slice %arg3[%mul3A_0, %dma_wait3A_116] : memref<2560x125xi32, #tpu.memory_space<hbm>> -> memref<160x125xi32, #tpu.memory_space<hbm>>
      tpu.wait_dma2 semaphore(%run_scoped3A_109 : memref<!tpu.dma_semaphore, #tpu.memory_space<semaphore_mem>>) src(%dma_wait3A_117 : memref<160x125xi32, #tpu.memory_space<hbm>>) dst(%arg7 : memref<160x125xi32, #tpu.memory_space<vmem>>)
      tpu.yield
    }) : () -> ()
    "tpu.region"() ({
      %run_scoped3A_109 = tpu.sem_alloc : memref<!tpu.dma_semaphore, #tpu.memory_space<semaphore_mem>>
      tpu.enqueue_dma source(%arg5 : memref<160x128xf32, #tpu.memory_space<hbm>>) target(%arg11 : memref<160x128xf32, #tpu.memory_space<vmem>>) target_semaphore(%run_scoped3A_109 : memref<!tpu.dma_semaphore, #tpu.memory_space<semaphore_mem>>)
      tpu.wait_dma2 semaphore(%run_scoped3A_109 : memref<!tpu.dma_semaphore, #tpu.memory_space<semaphore_mem>>) src(%arg5 : memref<160x128xf32, #tpu.memory_space<hbm>>) dst(%arg11 : memref<160x128xf32, #tpu.memory_space<vmem>>)
      tpu.yield
    }) : () -> ()
    %add3A = arith.constant 0 : i32
    %add3A_1 = arith.addi %add3A, %arg0 : i32
    %mul3A_2 = arith.constant 2560 : i32
    %mul3A_3 = arith.muli %add3A_1, %mul3A_2 : i32
    %add3A_4 = arith.addi %mul3A_3, %mul3A_0 : i32
    "tpu.region"() ({
      %run_scoped3A_109 = tpu.sem_alloc : memref<!tpu.dma_semaphore, #tpu.memory_space<semaphore_mem>>
      %dma_start3A_110 = arith.constant 0 : i32
      %dma_start3A_111 = tpu.memref_slice %arg4[%add3A_4, %dma_start3A_110] : memref<10240x125xi32, #tpu.memory_space<hbm>> -> memref<160x125xi32, #tpu.memory_space<hbm>>
      %dma_start3A_112 = arith.constant 0 : i32
      %dma_start3A_113 = tpu.memref_slice %arg4[%add3A_4, %dma_start3A_112] : memref<10240x125xi32, #tpu.memory_space<hbm>> -> memref<160x125xi32, #tpu.memory_space<hbm>>
      tpu.enqueue_dma source(%dma_start3A_113 : memref<160x125xi32, #tpu.memory_space<hbm>>) target(%arg8 : memref<160x125xi32, #tpu.memory_space<vmem>>) target_semaphore(%run_scoped3A_109 : memref<!tpu.dma_semaphore, #tpu.memory_space<semaphore_mem>>)
      %dma_wait3A_114 = arith.constant 0 : i32
      %dma_wait3A_115 = tpu.memref_slice %arg4[%add3A_4, %dma_wait3A_114] : memref<10240x125xi32, #tpu.memory_space<hbm>> -> memref<160x125xi32, #tpu.memory_space<hbm>>
      %dma_wait3A_116 = arith.constant 0 : i32
      %dma_wait3A_117 = tpu.memref_slice %arg4[%add3A_4, %dma_wait3A_116] : memref<10240x125xi32, #tpu.memory_space<hbm>> -> memref<160x125xi32, #tpu.memory_space<hbm>>
      tpu.wait_dma2 semaphore(%run_scoped3A_109 : memref<!tpu.dma_semaphore, #tpu.memory_space<semaphore_mem>>) src(%dma_wait3A_117 : memref<160x125xi32, #tpu.memory_space<hbm>>) dst(%arg8 : memref<160x125xi32, #tpu.memory_space<vmem>>)
      tpu.yield
    }) : () -> ()
    %mul3A_5 = arith.constant 160 : i32
    %mul3A_6 = arith.muli %arg1, %mul3A_5 : i32
    "tpu.region"() ({
      %run_scoped3A_109 = tpu.sem_alloc : memref<!tpu.dma_semaphore, #tpu.memory_space<semaphore_mem>>
      %dma_start3A_110 = arith.constant 0 : i32
      %dma_start3A_111 = tpu.memref_slice %arg12[%mul3A_6, %dma_start3A_110] : memref<2688x128xf32, #tpu.memory_space<vmem_shared>> -> memref<160x128xf32, #tpu.memory_space<vmem_shared>>
      %dma_start3A_112 = arith.constant 0 : i32
      %dma_start3A_113 = tpu.memref_slice %arg12[%mul3A_6, %dma_start3A_112] : memref<2688x128xf32, #tpu.memory_space<vmem_shared>> -> memref<160x128xf32, #tpu.memory_space<vmem_shared>>
      tpu.enqueue_dma source(%arg11 : memref<160x128xf32, #tpu.memory_space<vmem>>) target(%dma_start3A_113 : memref<160x128xf32, #tpu.memory_space<vmem_shared>>) target_semaphore(%run_scoped3A_109 : memref<!tpu.dma_semaphore, #tpu.memory_space<semaphore_mem>>)
      %dma_wait3A_114 = arith.constant 0 : i32
      %dma_wait3A_115 = tpu.memref_slice %arg12[%mul3A_6, %dma_wait3A_114] : memref<2688x128xf32, #tpu.memory_space<vmem_shared>> -> memref<160x128xf32, #tpu.memory_space<vmem_shared>>
      %dma_wait3A_116 = arith.constant 0 : i32
      %dma_wait3A_117 = tpu.memref_slice %arg12[%mul3A_6, %dma_wait3A_116] : memref<2688x128xf32, #tpu.memory_space<vmem_shared>> -> memref<160x128xf32, #tpu.memory_space<vmem_shared>>
      tpu.wait_dma2 semaphore(%run_scoped3A_109 : memref<!tpu.dma_semaphore, #tpu.memory_space<semaphore_mem>>) src(%arg11 : memref<160x128xf32, #tpu.memory_space<vmem>>) dst(%dma_wait3A_117 : memref<160x128xf32, #tpu.memory_space<vmem_shared>>)
      tpu.yield
    }) : () -> ()
    %mul3A_7 = arith.constant 8 : i32
    %mul3A_8 = arith.muli %mul3A_7, %arg1 : i32
    %add3A_9 = arith.constant 2560 : i32
    %add3A_10 = arith.addi %add3A_9, %mul3A_8 : i32
    "tpu.region"() ({
      %run_scoped3A_109 = tpu.sem_alloc : memref<!tpu.dma_semaphore, #tpu.memory_space<semaphore_mem>>
      %dma_start3A_110 = arith.constant 0 : i32
      %dma_start3A_111 = arith.constant 0 : i32
      %dma_start3A_112 = tpu.memref_slice %arg11[%dma_start3A_110, %dma_start3A_111] : memref<160x128xf32, #tpu.memory_space<vmem>> -> memref<8x128xf32, #tpu.memory_space<vmem>>
      %dma_start3A_113 = arith.constant 0 : i32
      %dma_start3A_114 = tpu.memref_slice %arg12[%add3A_10, %dma_start3A_113] : memref<2688x128xf32, #tpu.memory_space<vmem_shared>> -> memref<8x128xf32, #tpu.memory_space<vmem_shared>>
      %dma_start3A_115 = arith.constant 0 : i32
      %dma_start3A_116 = tpu.memref_slice %arg12[%add3A_10, %dma_start3A_115] : memref<2688x128xf32, #tpu.memory_space<vmem_shared>> -> memref<8x128xf32, #tpu.memory_space<vmem_shared>>
      %dma_start3A_117 = arith.constant 0 : i32
      %dma_start3A_118 = arith.constant 0 : i32
      %dma_start3A_119 = tpu.memref_slice %arg11[%dma_start3A_117, %dma_start3A_118] : memref<160x128xf32, #tpu.memory_space<vmem>> -> memref<8x128xf32, #tpu.memory_space<vmem>>
      tpu.enqueue_dma source(%dma_start3A_119 : memref<8x128xf32, #tpu.memory_space<vmem>>) target(%dma_start3A_116 : memref<8x128xf32, #tpu.memory_space<vmem_shared>>) target_semaphore(%run_scoped3A_109 : memref<!tpu.dma_semaphore, #tpu.memory_space<semaphore_mem>>)
      %dma_wait3A_120 = arith.constant 0 : i32
      %dma_wait3A_121 = arith.constant 0 : i32
      %dma_wait3A_122 = tpu.memref_slice %arg11[%dma_wait3A_120, %dma_wait3A_121] : memref<160x128xf32, #tpu.memory_space<vmem>> -> memref<8x128xf32, #tpu.memory_space<vmem>>
      %dma_wait3A_123 = arith.constant 0 : i32
      %dma_wait3A_124 = tpu.memref_slice %arg12[%add3A_10, %dma_wait3A_123] : memref<2688x128xf32, #tpu.memory_space<vmem_shared>> -> memref<8x128xf32, #tpu.memory_space<vmem_shared>>
      %dma_wait3A_125 = arith.constant 0 : i32
      %dma_wait3A_126 = tpu.memref_slice %arg12[%add3A_10, %dma_wait3A_125] : memref<2688x128xf32, #tpu.memory_space<vmem_shared>> -> memref<8x128xf32, #tpu.memory_space<vmem_shared>>
      %dma_wait3A_127 = arith.constant 0 : i32
      %dma_wait3A_128 = arith.constant 0 : i32
      %dma_wait3A_129 = tpu.memref_slice %arg11[%dma_wait3A_127, %dma_wait3A_128] : memref<160x128xf32, #tpu.memory_space<vmem>> -> memref<8x128xf32, #tpu.memory_space<vmem>>
      tpu.wait_dma2 semaphore(%run_scoped3A_109 : memref<!tpu.dma_semaphore, #tpu.memory_space<semaphore_mem>>) src(%dma_wait3A_129 : memref<8x128xf32, #tpu.memory_space<vmem>>) dst(%dma_wait3A_126 : memref<8x128xf32, #tpu.memory_space<vmem_shared>>)
      tpu.yield
    }) : () -> ()
    %barrier3A = arith.constant 0 : index
    tpu.barrier barrier_id(%barrier3A)
    %dma_start3A = arith.constant 0 : i32
    %dma_start3A_11 = arith.constant 0 : i32
    %dma_start3A_12 = tpu.memref_slice %arg7[%dma_start3A, %dma_start3A_11] : memref<160x125xi32, #tpu.memory_space<vmem>> -> memref<1x125xi32, #tpu.memory_space<vmem>>
    %dma_start3A_13 = tpu.memref_squeeze %dma_start3A_12 : memref<1x125xi32, #tpu.memory_space<vmem>> -> memref<125xi32, #tpu.memory_space<vmem>>
    %dma_start3A_14 = arith.constant 0 : i32
    %dma_start3A_15 = arith.constant 0 : i32
    %dma_start3A_16 = tpu.memref_slice %arg2[%dma_start3A_14, %dma_start3A_15] : memref<10000x128xf32, #tpu.memory_space<hbm>> -> memref<10000x128xf32, #tpu.memory_space<hbm>>
    tpu.enqueue_indirect_dma source(%dma_start3A_16 : memref<10000x128xf32, #tpu.memory_space<hbm>>) target(%arg9 : memref<125x128xf32, #tpu.memory_space<vmem>>) offsets(%dma_start3A_13 : memref<125xi32, #tpu.memory_space<vmem>>) semaphore(%arg13 : memref<!tpu.dma_semaphore, #tpu.memory_space<semaphore_mem>>)
    %dma_start3A_17 = arith.constant 1 : i32
    %dma_start3A_18 = arith.constant 0 : i32
    %dma_start3A_19 = tpu.memref_slice %arg7[%dma_start3A_17, %dma_start3A_18] : memref<160x125xi32, #tpu.memory_space<vmem>> -> memref<1x125xi32, #tpu.memory_space<vmem>>
    %dma_start3A_20 = tpu.memref_squeeze %dma_start3A_19 : memref<1x125xi32, #tpu.memory_space<vmem>> -> memref<125xi32, #tpu.memory_space<vmem>>
    %dma_start3A_21 = arith.constant 0 : i32
    %dma_start3A_22 = arith.constant 0 : i32
    %dma_start3A_23 = tpu.memref_slice %arg2[%dma_start3A_21, %dma_start3A_22] : memref<10000x128xf32, #tpu.memory_space<hbm>> -> memref<10000x128xf32, #tpu.memory_space<hbm>>
    tpu.enqueue_indirect_dma source(%dma_start3A_23 : memref<10000x128xf32, #tpu.memory_space<hbm>>) target(%arg10 : memref<125x128xf32, #tpu.memory_space<vmem>>) offsets(%dma_start3A_20 : memref<125xi32, #tpu.memory_space<vmem>>) semaphore(%arg14 : memref<!tpu.dma_semaphore, #tpu.memory_space<semaphore_mem>>)
    %scan3A = arith.constant 0 : i32
    %scan3A_24 = arith.constant 0 : i32
    %scan3A_25 = arith.constant 79 : i32
    %scan3A_26 = arith.addi %scan3A_24, %scan3A_25 : i32
    %scan3A_27 = arith.constant 1 : i32
    %scan3A_28 = scf.for %scan3A_109 = %scan3A_24 to %scan3A_26 step %scan3A_27 iter_args(%scan3A_110 = %scan3A) -> (i32)  : i32 {
      %mul3A_111 = arith.constant 2 : i32
      %mul3A_112 = arith.muli %mul3A_111, %scan3A_109 : i32
      %add3A_113 = arith.constant 0 : i32
      %add3A_114 = arith.addi %mul3A_112, %add3A_113 : i32
      %dma_wait3A_115 = arith.constant 0 : i32
      %dma_wait3A_116 = tpu.memref_slice %arg7[%add3A_114, %dma_wait3A_115] : memref<160x125xi32, #tpu.memory_space<vmem>> -> memref<1x125xi32, #tpu.memory_space<vmem>>
      %dma_wait3A_117 = tpu.memref_squeeze %dma_wait3A_116 : memref<1x125xi32, #tpu.memory_space<vmem>> -> memref<125xi32, #tpu.memory_space<vmem>>
      %dma_wait3A_118 = arith.constant 0 : i32
      %dma_wait3A_119 = arith.constant 0 : i32
      %dma_wait3A_120 = tpu.memref_slice %arg2[%dma_wait3A_118, %dma_wait3A_119] : memref<10000x128xf32, #tpu.memory_space<hbm>> -> memref<10000x128xf32, #tpu.memory_space<hbm>>
      tpu.wait_indirect_dma semaphore(%arg13 : memref<!tpu.dma_semaphore, #tpu.memory_space<semaphore_mem>>) src(%dma_wait3A_120 : memref<10000x128xf32, #tpu.memory_space<hbm>>) dst(%arg9 : memref<125x128xf32, #tpu.memory_space<vmem>>)
      "tpu.region"() ({
        %run_scoped3A_148 = tpu.sem_alloc : memref<!tpu.dma_semaphore, #tpu.memory_space<semaphore_mem>>
        %dma_start3A_149 = arith.constant 0 : i32
        %dma_start3A_150 = tpu.memref_slice %arg8[%add3A_114, %dma_start3A_149] : memref<160x125xi32, #tpu.memory_space<vmem>> -> memref<1x125xi32, #tpu.memory_space<vmem>>
        %dma_start3A_151 = tpu.memref_squeeze %dma_start3A_150 : memref<1x125xi32, #tpu.memory_space<vmem>> -> memref<125xi32, #tpu.memory_space<vmem>>
        %dma_start3A_152 = arith.constant 0 : i32
        %dma_start3A_153 = arith.constant 0 : i32
        %dma_start3A_154 = tpu.memref_slice %arg12[%dma_start3A_152, %dma_start3A_153] : memref<2688x128xf32, #tpu.memory_space<vmem_shared>> -> memref<2688x128xf32, #tpu.memory_space<vmem_shared>>
        tpu.enqueue_indirect_dma source(%arg9 : memref<125x128xf32, #tpu.memory_space<vmem>>) target(%dma_start3A_154 : memref<2688x128xf32, #tpu.memory_space<vmem_shared>>) offsets(%dma_start3A_151 : memref<125xi32, #tpu.memory_space<vmem>>) semaphore(%run_scoped3A_148 : memref<!tpu.dma_semaphore, #tpu.memory_space<semaphore_mem>>) {add = true}
        %dma_wait3A_155 = arith.constant 0 : i32
        %dma_wait3A_156 = tpu.memref_slice %arg8[%add3A_114, %dma_wait3A_155] : memref<160x125xi32, #tpu.memory_space<vmem>> -> memref<1x125xi32, #tpu.memory_space<vmem>>
        %dma_wait3A_157 = tpu.memref_squeeze %dma_wait3A_156 : memref<1x125xi32, #tpu.memory_space<vmem>> -> memref<125xi32, #tpu.memory_space<vmem>>
        %dma_wait3A_158 = arith.constant 0 : i32
        %dma_wait3A_159 = arith.constant 0 : i32
        %dma_wait3A_160 = tpu.memref_slice %arg12[%dma_wait3A_158, %dma_wait3A_159] : memref<2688x128xf32, #tpu.memory_space<vmem_shared>> -> memref<2688x128xf32, #tpu.memory_space<vmem_shared>>
        tpu.wait_indirect_dma semaphore(%run_scoped3A_148 : memref<!tpu.dma_semaphore, #tpu.memory_space<semaphore_mem>>) src(%arg9 : memref<125x128xf32, #tpu.memory_space<vmem>>) dst(%dma_wait3A_160 : memref<2688x128xf32, #tpu.memory_space<vmem_shared>>)
        tpu.yield
      }) : () -> ()
      %add3A_121 = arith.constant 2 : i32
      %add3A_122 = arith.addi %add3A_114, %add3A_121 : i32
      %dma_start3A_123 = arith.constant 0 : i32
      %dma_start3A_124 = tpu.memref_slice %arg7[%add3A_122, %dma_start3A_123] : memref<160x125xi32, #tpu.memory_space<vmem>> -> memref<1x125xi32, #tpu.memory_space<vmem>>
      %dma_start3A_125 = tpu.memref_squeeze %dma_start3A_124 : memref<1x125xi32, #tpu.memory_space<vmem>> -> memref<125xi32, #tpu.memory_space<vmem>>
      %dma_start3A_126 = arith.constant 0 : i32
      %dma_start3A_127 = arith.constant 0 : i32
      %dma_start3A_128 = tpu.memref_slice %arg2[%dma_start3A_126, %dma_start3A_127] : memref<10000x128xf32, #tpu.memory_space<hbm>> -> memref<10000x128xf32, #tpu.memory_space<hbm>>
      tpu.enqueue_indirect_dma source(%dma_start3A_128 : memref<10000x128xf32, #tpu.memory_space<hbm>>) target(%arg9 : memref<125x128xf32, #tpu.memory_space<vmem>>) offsets(%dma_start3A_125 : memref<125xi32, #tpu.memory_space<vmem>>) semaphore(%arg13 : memref<!tpu.dma_semaphore, #tpu.memory_space<semaphore_mem>>)
      %mul3A_129 = arith.constant 2 : i32
      %mul3A_130 = arith.muli %mul3A_129, %scan3A_109 : i32
      %add3A_131 = arith.constant 1 : i32
      %add3A_132 = arith.addi %mul3A_130, %add3A_131 : i32
      %dma_wait3A_133 = arith.constant 0 : i32
      %dma_wait3A_134 = tpu.memref_slice %arg7[%add3A_132, %dma_wait3A_133] : memref<160x125xi32, #tpu.memory_space<vmem>> -> memref<1x125xi32, #tpu.memory_space<vmem>>
      %dma_wait3A_135 = tpu.memref_squeeze %dma_wait3A_134 : memref<1x125xi32, #tpu.memory_space<vmem>> -> memref<125xi32, #tpu.memory_space<vmem>>
      %dma_wait3A_136 = arith.constant 0 : i32
      %dma_wait3A_137 = arith.constant 0 : i32
      %dma_wait3A_138 = tpu.memref_slice %arg2[%dma_wait3A_136, %dma_wait3A_137] : memref<10000x128xf32, #tpu.memory_space<hbm>> -> memref<10000x128xf32, #tpu.memory_space<hbm>>
      tpu.wait_indirect_dma semaphore(%arg14 : memref<!tpu.dma_semaphore, #tpu.memory_space<semaphore_mem>>) src(%dma_wait3A_138 : memref<10000x128xf32, #tpu.memory_space<hbm>>) dst(%arg10 : memref<125x128xf32, #tpu.memory_space<vmem>>)
      "tpu.region"() ({
        %run_scoped3A_148 = tpu.sem_alloc : memref<!tpu.dma_semaphore, #tpu.memory_space<semaphore_mem>>
        %dma_start3A_149 = arith.constant 0 : i32
        %dma_start3A_150 = tpu.memref_slice %arg8[%add3A_132, %dma_start3A_149] : memref<160x125xi32, #tpu.memory_space<vmem>> -> memref<1x125xi32, #tpu.memory_space<vmem>>
        %dma_start3A_151 = tpu.memref_squeeze %dma_start3A_150 : memref<1x125xi32, #tpu.memory_space<vmem>> -> memref<125xi32, #tpu.memory_space<vmem>>
        %dma_start3A_152 = arith.constant 0 : i32
        %dma_start3A_153 = arith.constant 0 : i32
        %dma_start3A_154 = tpu.memref_slice %arg12[%dma_start3A_152, %dma_start3A_153] : memref<2688x128xf32, #tpu.memory_space<vmem_shared>> -> memref<2688x128xf32, #tpu.memory_space<vmem_shared>>
        tpu.enqueue_indirect_dma source(%arg10 : memref<125x128xf32, #tpu.memory_space<vmem>>) target(%dma_start3A_154 : memref<2688x128xf32, #tpu.memory_space<vmem_shared>>) offsets(%dma_start3A_151 : memref<125xi32, #tpu.memory_space<vmem>>) semaphore(%run_scoped3A_148 : memref<!tpu.dma_semaphore, #tpu.memory_space<semaphore_mem>>) {add = true}
        %dma_wait3A_155 = arith.constant 0 : i32
        %dma_wait3A_156 = tpu.memref_slice %arg8[%add3A_132, %dma_wait3A_155] : memref<160x125xi32, #tpu.memory_space<vmem>> -> memref<1x125xi32, #tpu.memory_space<vmem>>
        %dma_wait3A_157 = tpu.memref_squeeze %dma_wait3A_156 : memref<1x125xi32, #tpu.memory_space<vmem>> -> memref<125xi32, #tpu.memory_space<vmem>>
        %dma_wait3A_158 = arith.constant 0 : i32
        %dma_wait3A_159 = arith.constant 0 : i32
        %dma_wait3A_160 = tpu.memref_slice %arg12[%dma_wait3A_158, %dma_wait3A_159] : memref<2688x128xf32, #tpu.memory_space<vmem_shared>> -> memref<2688x128xf32, #tpu.memory_space<vmem_shared>>
        tpu.wait_indirect_dma semaphore(%run_scoped3A_148 : memref<!tpu.dma_semaphore, #tpu.memory_space<semaphore_mem>>) src(%arg10 : memref<125x128xf32, #tpu.memory_space<vmem>>) dst(%dma_wait3A_160 : memref<2688x128xf32, #tpu.memory_space<vmem_shared>>)
        tpu.yield
      }) : () -> ()
      %add3A_139 = arith.constant 2 : i32
      %add3A_140 = arith.addi %add3A_132, %add3A_139 : i32
      %dma_start3A_141 = arith.constant 0 : i32
      %dma_start3A_142 = tpu.memref_slice %arg7[%add3A_140, %dma_start3A_141] : memref<160x125xi32, #tpu.memory_space<vmem>> -> memref<1x125xi32, #tpu.memory_space<vmem>>
      %dma_start3A_143 = tpu.memref_squeeze %dma_start3A_142 : memref<1x125xi32, #tpu.memory_space<vmem>> -> memref<125xi32, #tpu.memory_space<vmem>>
      %dma_start3A_144 = arith.constant 0 : i32
      %dma_start3A_145 = arith.constant 0 : i32
      %dma_start3A_146 = tpu.memref_slice %arg2[%dma_start3A_144, %dma_start3A_145] : memref<10000x128xf32, #tpu.memory_space<hbm>> -> memref<10000x128xf32, #tpu.memory_space<hbm>>
      tpu.enqueue_indirect_dma source(%dma_start3A_146 : memref<10000x128xf32, #tpu.memory_space<hbm>>) target(%arg10 : memref<125x128xf32, #tpu.memory_space<vmem>>) offsets(%dma_start3A_143 : memref<125xi32, #tpu.memory_space<vmem>>) semaphore(%arg14 : memref<!tpu.dma_semaphore, #tpu.memory_space<semaphore_mem>>)
      %scan3A_147 = arith.constant 0 : i32
      scf.yield %scan3A_147 : i32
    }
    %scan3A_29 = arith.constant 79 : i32
    %dma_wait3A = arith.constant 158 : i32
    %dma_wait3A_30 = arith.constant 0 : i32
    %dma_wait3A_31 = tpu.memref_slice %arg7[%dma_wait3A, %dma_wait3A_30] : memref<160x125xi32, #tpu.memory_space<vmem>> -> memref<1x125xi32, #tpu.memory_space<vmem>>
    %dma_wait3A_32 = tpu.memref_squeeze %dma_wait3A_31 : memref<1x125xi32, #tpu.memory_space<vmem>> -> memref<125xi32, #tpu.memory_space<vmem>>
    %dma_wait3A_33 = arith.constant 0 : i32
    %dma_wait3A_34 = arith.constant 0 : i32
    %dma_wait3A_35 = tpu.memref_slice %arg2[%dma_wait3A_33, %dma_wait3A_34] : memref<10000x128xf32, #tpu.memory_space<hbm>> -> memref<10000x128xf32, #tpu.memory_space<hbm>>
    tpu.wait_indirect_dma semaphore(%arg13 : memref<!tpu.dma_semaphore, #tpu.memory_space<semaphore_mem>>) src(%dma_wait3A_35 : memref<10000x128xf32, #tpu.memory_space<hbm>>) dst(%arg9 : memref<125x128xf32, #tpu.memory_space<vmem>>)
    %run_scoped3A = arith.constant 158 : i32
    "tpu.region"() ({
      %run_scoped3A_109 = tpu.sem_alloc : memref<!tpu.dma_semaphore, #tpu.memory_space<semaphore_mem>>
      %dma_start3A_110 = arith.constant 0 : i32
      %dma_start3A_111 = tpu.memref_slice %arg8[%run_scoped3A, %dma_start3A_110] : memref<160x125xi32, #tpu.memory_space<vmem>> -> memref<1x125xi32, #tpu.memory_space<vmem>>
      %dma_start3A_112 = tpu.memref_squeeze %dma_start3A_111 : memref<1x125xi32, #tpu.memory_space<vmem>> -> memref<125xi32, #tpu.memory_space<vmem>>
      %dma_start3A_113 = arith.constant 0 : i32
      %dma_start3A_114 = arith.constant 0 : i32
      %dma_start3A_115 = tpu.memref_slice %arg12[%dma_start3A_113, %dma_start3A_114] : memref<2688x128xf32, #tpu.memory_space<vmem_shared>> -> memref<2688x128xf32, #tpu.memory_space<vmem_shared>>
      tpu.enqueue_indirect_dma source(%arg9 : memref<125x128xf32, #tpu.memory_space<vmem>>) target(%dma_start3A_115 : memref<2688x128xf32, #tpu.memory_space<vmem_shared>>) offsets(%dma_start3A_112 : memref<125xi32, #tpu.memory_space<vmem>>) semaphore(%run_scoped3A_109 : memref<!tpu.dma_semaphore, #tpu.memory_space<semaphore_mem>>) {add = true}
      %dma_wait3A_116 = arith.constant 0 : i32
      %dma_wait3A_117 = tpu.memref_slice %arg8[%run_scoped3A, %dma_wait3A_116] : memref<160x125xi32, #tpu.memory_space<vmem>> -> memref<1x125xi32, #tpu.memory_space<vmem>>
      %dma_wait3A_118 = tpu.memref_squeeze %dma_wait3A_117 : memref<1x125xi32, #tpu.memory_space<vmem>> -> memref<125xi32, #tpu.memory_space<vmem>>
      %dma_wait3A_119 = arith.constant 0 : i32
      %dma_wait3A_120 = arith.constant 0 : i32
      %dma_wait3A_121 = tpu.memref_slice %arg12[%dma_wait3A_119, %dma_wait3A_120] : memref<2688x128xf32, #tpu.memory_space<vmem_shared>> -> memref<2688x128xf32, #tpu.memory_space<vmem_shared>>
      tpu.wait_indirect_dma semaphore(%run_scoped3A_109 : memref<!tpu.dma_semaphore, #tpu.memory_space<semaphore_mem>>) src(%arg9 : memref<125x128xf32, #tpu.memory_space<vmem>>) dst(%dma_wait3A_121 : memref<2688x128xf32, #tpu.memory_space<vmem_shared>>)
      tpu.yield
    }) : () -> ()
    %dma_wait3A_36 = arith.constant 159 : i32
    %dma_wait3A_37 = arith.constant 0 : i32
    %dma_wait3A_38 = tpu.memref_slice %arg7[%dma_wait3A_36, %dma_wait3A_37] : memref<160x125xi32, #tpu.memory_space<vmem>> -> memref<1x125xi32, #tpu.memory_space<vmem>>
    %dma_wait3A_39 = tpu.memref_squeeze %dma_wait3A_38 : memref<1x125xi32, #tpu.memory_space<vmem>> -> memref<125xi32, #tpu.memory_space<vmem>>
    %dma_wait3A_40 = arith.constant 0 : i32
    %dma_wait3A_41 = arith.constant 0 : i32
    %dma_wait3A_42 = tpu.memref_slice %arg2[%dma_wait3A_40, %dma_wait3A_41] : memref<10000x128xf32, #tpu.memory_space<hbm>> -> memref<10000x128xf32, #tpu.memory_space<hbm>>
    tpu.wait_indirect_dma semaphore(%arg14 : memref<!tpu.dma_semaphore, #tpu.memory_space<semaphore_mem>>) src(%dma_wait3A_42 : memref<10000x128xf32, #tpu.memory_space<hbm>>) dst(%arg10 : memref<125x128xf32, #tpu.memory_space<vmem>>)
    %run_scoped3A_43 = arith.constant 159 : i32
    "tpu.region"() ({
      %run_scoped3A_109 = tpu.sem_alloc : memref<!tpu.dma_semaphore, #tpu.memory_space<semaphore_mem>>
      %dma_start3A_110 = arith.constant 0 : i32
      %dma_start3A_111 = tpu.memref_slice %arg8[%run_scoped3A_43, %dma_start3A_110] : memref<160x125xi32, #tpu.memory_space<vmem>> -> memref<1x125xi32, #tpu.memory_space<vmem>>
      %dma_start3A_112 = tpu.memref_squeeze %dma_start3A_111 : memref<1x125xi32, #tpu.memory_space<vmem>> -> memref<125xi32, #tpu.memory_space<vmem>>
      %dma_start3A_113 = arith.constant 0 : i32
      %dma_start3A_114 = arith.constant 0 : i32
      %dma_start3A_115 = tpu.memref_slice %arg12[%dma_start3A_113, %dma_start3A_114] : memref<2688x128xf32, #tpu.memory_space<vmem_shared>> -> memref<2688x128xf32, #tpu.memory_space<vmem_shared>>
      tpu.enqueue_indirect_dma source(%arg10 : memref<125x128xf32, #tpu.memory_space<vmem>>) target(%dma_start3A_115 : memref<2688x128xf32, #tpu.memory_space<vmem_shared>>) offsets(%dma_start3A_112 : memref<125xi32, #tpu.memory_space<vmem>>) semaphore(%run_scoped3A_109 : memref<!tpu.dma_semaphore, #tpu.memory_space<semaphore_mem>>) {add = true}
      %dma_wait3A_116 = arith.constant 0 : i32
      %dma_wait3A_117 = tpu.memref_slice %arg8[%run_scoped3A_43, %dma_wait3A_116] : memref<160x125xi32, #tpu.memory_space<vmem>> -> memref<1x125xi32, #tpu.memory_space<vmem>>
      %dma_wait3A_118 = tpu.memref_squeeze %dma_wait3A_117 : memref<1x125xi32, #tpu.memory_space<vmem>> -> memref<125xi32, #tpu.memory_space<vmem>>
      %dma_wait3A_119 = arith.constant 0 : i32
      %dma_wait3A_120 = arith.constant 0 : i32
      %dma_wait3A_121 = tpu.memref_slice %arg12[%dma_wait3A_119, %dma_wait3A_120] : memref<2688x128xf32, #tpu.memory_space<vmem_shared>> -> memref<2688x128xf32, #tpu.memory_space<vmem_shared>>
      tpu.wait_indirect_dma semaphore(%run_scoped3A_109 : memref<!tpu.dma_semaphore, #tpu.memory_space<semaphore_mem>>) src(%arg10 : memref<125x128xf32, #tpu.memory_space<vmem>>) dst(%dma_wait3A_121 : memref<2688x128xf32, #tpu.memory_space<vmem_shared>>)
      tpu.yield
    }) : () -> ()
    %barrier3A_44 = arith.constant 0 : index
    tpu.barrier barrier_id(%barrier3A_44)
    %mul3A_45 = arith.constant 160 : i32
    %mul3A_46 = arith.muli %arg1, %mul3A_45 : i32
    "tpu.region"() ({
      %run_scoped3A_109 = tpu.sem_alloc : memref<!tpu.dma_semaphore, #tpu.memory_space<semaphore_mem>>
      %dma_start3A_110 = arith.constant 0 : i32
      %dma_start3A_111 = tpu.memref_slice %arg12[%mul3A_46, %dma_start3A_110] : memref<2688x128xf32, #tpu.memory_space<vmem_shared>> -> memref<160x128xf32, #tpu.memory_space<vmem_shared>>
      %dma_start3A_112 = arith.constant 0 : i32
      %dma_start3A_113 = tpu.memref_slice %arg12[%mul3A_46, %dma_start3A_112] : memref<2688x128xf32, #tpu.memory_space<vmem_shared>> -> memref<160x128xf32, #tpu.memory_space<vmem_shared>>
      tpu.enqueue_dma source(%dma_start3A_113 : memref<160x128xf32, #tpu.memory_space<vmem_shared>>) target(%arg11 : memref<160x128xf32, #tpu.memory_space<vmem>>) target_semaphore(%run_scoped3A_109 : memref<!tpu.dma_semaphore, #tpu.memory_space<semaphore_mem>>)
      %dma_wait3A_114 = arith.constant 0 : i32
      %dma_wait3A_115 = tpu.memref_slice %arg12[%mul3A_46, %dma_wait3A_114] : memref<2688x128xf32, #tpu.memory_space<vmem_shared>> -> memref<160x128xf32, #tpu.memory_space<vmem_shared>>
      %dma_wait3A_116 = arith.constant 0 : i32
      %dma_wait3A_117 = tpu.memref_slice %arg12[%mul3A_46, %dma_wait3A_116] : memref<2688x128xf32, #tpu.memory_space<vmem_shared>> -> memref<160x128xf32, #tpu.memory_space<vmem_shared>>
      tpu.wait_dma2 semaphore(%run_scoped3A_109 : memref<!tpu.dma_semaphore, #tpu.memory_space<semaphore_mem>>) src(%dma_wait3A_117 : memref<160x128xf32, #tpu.memory_space<vmem_shared>>) dst(%arg11 : memref<160x128xf32, #tpu.memory_space<vmem>>)
      tpu.yield
    }) : () -> ()
    %mul3A_47 = arith.constant 2560 : i32
    %mul3A_48 = arith.muli %add3A_1, %mul3A_47 : i32
    %mul3A_49 = arith.constant 160 : i32
    %mul3A_50 = arith.muli %arg1, %mul3A_49 : i32
    %add3A_51 = arith.addi %mul3A_48, %mul3A_50 : i32
    "tpu.region"() ({
      %run_scoped3A_109 = tpu.sem_alloc : memref<!tpu.dma_semaphore, #tpu.memory_space<semaphore_mem>>
      %dma_start3A_110 = arith.constant 0 : i32
      %dma_start3A_111 = tpu.memref_slice %arg6[%add3A_51, %dma_start3A_110] : memref<10240x128xf32, #tpu.memory_space<hbm>> -> memref<160x128xf32, #tpu.memory_space<hbm>>
      %dma_start3A_112 = arith.constant 0 : i32
      %dma_start3A_113 = tpu.memref_slice %arg6[%add3A_51, %dma_start3A_112] : memref<10240x128xf32, #tpu.memory_space<hbm>> -> memref<160x128xf32, #tpu.memory_space<hbm>>
      tpu.enqueue_dma source(%arg11 : memref<160x128xf32, #tpu.memory_space<vmem>>) target(%dma_start3A_113 : memref<160x128xf32, #tpu.memory_space<hbm>>) target_semaphore(%run_scoped3A_109 : memref<!tpu.dma_semaphore, #tpu.memory_space<semaphore_mem>>)
      %dma_wait3A_114 = arith.constant 0 : i32
      %dma_wait3A_115 = tpu.memref_slice %arg6[%add3A_51, %dma_wait3A_114] : memref<10240x128xf32, #tpu.memory_space<hbm>> -> memref<160x128xf32, #tpu.memory_space<hbm>>
      %dma_wait3A_116 = arith.constant 0 : i32
      %dma_wait3A_117 = tpu.memref_slice %arg6[%add3A_51, %dma_wait3A_116] : memref<10240x128xf32, #tpu.memory_space<hbm>> -> memref<160x128xf32, #tpu.memory_space<hbm>>
      tpu.wait_dma2 semaphore(%run_scoped3A_109 : memref<!tpu.dma_semaphore, #tpu.memory_space<semaphore_mem>>) src(%arg11 : memref<160x128xf32, #tpu.memory_space<vmem>>) dst(%dma_wait3A_117 : memref<160x128xf32, #tpu.memory_space<hbm>>)
      tpu.yield
    }) : () -> ()
    "tpu.region"() ({
      %run_scoped3A_109 = tpu.sem_alloc : memref<!tpu.dma_semaphore, #tpu.memory_space<semaphore_mem>>
      tpu.enqueue_dma source(%arg5 : memref<160x128xf32, #tpu.memory_space<hbm>>) target(%arg11 : memref<160x128xf32, #tpu.memory_space<vmem>>) target_semaphore(%run_scoped3A_109 : memref<!tpu.dma_semaphore, #tpu.memory_space<semaphore_mem>>)
      tpu.wait_dma2 semaphore(%run_scoped3A_109 : memref<!tpu.dma_semaphore, #tpu.memory_space<semaphore_mem>>) src(%arg5 : memref<160x128xf32, #tpu.memory_space<hbm>>) dst(%arg11 : memref<160x128xf32, #tpu.memory_space<vmem>>)
      tpu.yield
    }) : () -> ()
    %add3A_52 = arith.constant 2 : i32
    %add3A_53 = arith.addi %add3A_52, %arg0 : i32
    %mul3A_54 = arith.constant 2560 : i32
    %mul3A_55 = arith.muli %add3A_53, %mul3A_54 : i32
    %add3A_56 = arith.addi %mul3A_55, %mul3A_0 : i32
    "tpu.region"() ({
      %run_scoped3A_109 = tpu.sem_alloc : memref<!tpu.dma_semaphore, #tpu.memory_space<semaphore_mem>>
      %dma_start3A_110 = arith.constant 0 : i32
      %dma_start3A_111 = tpu.memref_slice %arg4[%add3A_56, %dma_start3A_110] : memref<10240x125xi32, #tpu.memory_space<hbm>> -> memref<160x125xi32, #tpu.memory_space<hbm>>
      %dma_start3A_112 = arith.constant 0 : i32
      %dma_start3A_113 = tpu.memref_slice %arg4[%add3A_56, %dma_start3A_112] : memref<10240x125xi32, #tpu.memory_space<hbm>> -> memref<160x125xi32, #tpu.memory_space<hbm>>
      tpu.enqueue_dma source(%dma_start3A_113 : memref<160x125xi32, #tpu.memory_space<hbm>>) target(%arg8 : memref<160x125xi32, #tpu.memory_space<vmem>>) target_semaphore(%run_scoped3A_109 : memref<!tpu.dma_semaphore, #tpu.memory_space<semaphore_mem>>)
      %dma_wait3A_114 = arith.constant 0 : i32
      %dma_wait3A_115 = tpu.memref_slice %arg4[%add3A_56, %dma_wait3A_114] : memref<10240x125xi32, #tpu.memory_space<hbm>> -> memref<160x125xi32, #tpu.memory_space<hbm>>
      %dma_wait3A_116 = arith.constant 0 : i32
      %dma_wait3A_117 = tpu.memref_slice %arg4[%add3A_56, %dma_wait3A_116] : memref<10240x125xi32, #tpu.memory_space<hbm>> -> memref<160x125xi32, #tpu.memory_space<hbm>>
      tpu.wait_dma2 semaphore(%run_scoped3A_109 : memref<!tpu.dma_semaphore, #tpu.memory_space<semaphore_mem>>) src(%dma_wait3A_117 : memref<160x125xi32, #tpu.memory_space<hbm>>) dst(%arg8 : memref<160x125xi32, #tpu.memory_space<vmem>>)
      tpu.yield
    }) : () -> ()
    %mul3A_57 = arith.constant 160 : i32
    %mul3A_58 = arith.muli %arg1, %mul3A_57 : i32
    "tpu.region"() ({
      %run_scoped3A_109 = tpu.sem_alloc : memref<!tpu.dma_semaphore, #tpu.memory_space<semaphore_mem>>
      %dma_start3A_110 = arith.constant 0 : i32
      %dma_start3A_111 = tpu.memref_slice %arg12[%mul3A_58, %dma_start3A_110] : memref<2688x128xf32, #tpu.memory_space<vmem_shared>> -> memref<160x128xf32, #tpu.memory_space<vmem_shared>>
      %dma_start3A_112 = arith.constant 0 : i32
      %dma_start3A_113 = tpu.memref_slice %arg12[%mul3A_58, %dma_start3A_112] : memref<2688x128xf32, #tpu.memory_space<vmem_shared>> -> memref<160x128xf32, #tpu.memory_space<vmem_shared>>
      tpu.enqueue_dma source(%arg11 : memref<160x128xf32, #tpu.memory_space<vmem>>) target(%dma_start3A_113 : memref<160x128xf32, #tpu.memory_space<vmem_shared>>) target_semaphore(%run_scoped3A_109 : memref<!tpu.dma_semaphore, #tpu.memory_space<semaphore_mem>>)
      %dma_wait3A_114 = arith.constant 0 : i32
      %dma_wait3A_115 = tpu.memref_slice %arg12[%mul3A_58, %dma_wait3A_114] : memref<2688x128xf32, #tpu.memory_space<vmem_shared>> -> memref<160x128xf32, #tpu.memory_space<vmem_shared>>
      %dma_wait3A_116 = arith.constant 0 : i32
      %dma_wait3A_117 = tpu.memref_slice %arg12[%mul3A_58, %dma_wait3A_116] : memref<2688x128xf32, #tpu.memory_space<vmem_shared>> -> memref<160x128xf32, #tpu.memory_space<vmem_shared>>
      tpu.wait_dma2 semaphore(%run_scoped3A_109 : memref<!tpu.dma_semaphore, #tpu.memory_space<semaphore_mem>>) src(%arg11 : memref<160x128xf32, #tpu.memory_space<vmem>>) dst(%dma_wait3A_117 : memref<160x128xf32, #tpu.memory_space<vmem_shared>>)
      tpu.yield
    }) : () -> ()
    %mul3A_59 = arith.constant 8 : i32
    %mul3A_60 = arith.muli %mul3A_59, %arg1 : i32
    %add3A_61 = arith.constant 2560 : i32
    %add3A_62 = arith.addi %add3A_61, %mul3A_60 : i32
    "tpu.region"() ({
      %run_scoped3A_109 = tpu.sem_alloc : memref<!tpu.dma_semaphore, #tpu.memory_space<semaphore_mem>>
      %dma_start3A_110 = arith.constant 0 : i32
      %dma_start3A_111 = arith.constant 0 : i32
      %dma_start3A_112 = tpu.memref_slice %arg11[%dma_start3A_110, %dma_start3A_111] : memref<160x128xf32, #tpu.memory_space<vmem>> -> memref<8x128xf32, #tpu.memory_space<vmem>>
      %dma_start3A_113 = arith.constant 0 : i32
      %dma_start3A_114 = tpu.memref_slice %arg12[%add3A_62, %dma_start3A_113] : memref<2688x128xf32, #tpu.memory_space<vmem_shared>> -> memref<8x128xf32, #tpu.memory_space<vmem_shared>>
      %dma_start3A_115 = arith.constant 0 : i32
      %dma_start3A_116 = tpu.memref_slice %arg12[%add3A_62, %dma_start3A_115] : memref<2688x128xf32, #tpu.memory_space<vmem_shared>> -> memref<8x128xf32, #tpu.memory_space<vmem_shared>>
      %dma_start3A_117 = arith.constant 0 : i32
      %dma_start3A_118 = arith.constant 0 : i32
      %dma_start3A_119 = tpu.memref_slice %arg11[%dma_start3A_117, %dma_start3A_118] : memref<160x128xf32, #tpu.memory_space<vmem>> -> memref<8x128xf32, #tpu.memory_space<vmem>>
      tpu.enqueue_dma source(%dma_start3A_119 : memref<8x128xf32, #tpu.memory_space<vmem>>) target(%dma_start3A_116 : memref<8x128xf32, #tpu.memory_space<vmem_shared>>) target_semaphore(%run_scoped3A_109 : memref<!tpu.dma_semaphore, #tpu.memory_space<semaphore_mem>>)
      %dma_wait3A_120 = arith.constant 0 : i32
      %dma_wait3A_121 = arith.constant 0 : i32
      %dma_wait3A_122 = tpu.memref_slice %arg11[%dma_wait3A_120, %dma_wait3A_121] : memref<160x128xf32, #tpu.memory_space<vmem>> -> memref<8x128xf32, #tpu.memory_space<vmem>>
      %dma_wait3A_123 = arith.constant 0 : i32
      %dma_wait3A_124 = tpu.memref_slice %arg12[%add3A_62, %dma_wait3A_123] : memref<2688x128xf32, #tpu.memory_space<vmem_shared>> -> memref<8x128xf32, #tpu.memory_space<vmem_shared>>
      %dma_wait3A_125 = arith.constant 0 : i32
      %dma_wait3A_126 = tpu.memref_slice %arg12[%add3A_62, %dma_wait3A_125] : memref<2688x128xf32, #tpu.memory_space<vmem_shared>> -> memref<8x128xf32, #tpu.memory_space<vmem_shared>>
      %dma_wait3A_127 = arith.constant 0 : i32
      %dma_wait3A_128 = arith.constant 0 : i32
      %dma_wait3A_129 = tpu.memref_slice %arg11[%dma_wait3A_127, %dma_wait3A_128] : memref<160x128xf32, #tpu.memory_space<vmem>> -> memref<8x128xf32, #tpu.memory_space<vmem>>
      tpu.wait_dma2 semaphore(%run_scoped3A_109 : memref<!tpu.dma_semaphore, #tpu.memory_space<semaphore_mem>>) src(%dma_wait3A_129 : memref<8x128xf32, #tpu.memory_space<vmem>>) dst(%dma_wait3A_126 : memref<8x128xf32, #tpu.memory_space<vmem_shared>>)
      tpu.yield
    }) : () -> ()
    %barrier3A_63 = arith.constant 0 : index
    tpu.barrier barrier_id(%barrier3A_63)
    %dma_start3A_64 = arith.constant 0 : i32
    %dma_start3A_65 = arith.constant 0 : i32
    %dma_start3A_66 = tpu.memref_slice %arg7[%dma_start3A_64, %dma_start3A_65] : memref<160x125xi32, #tpu.memory_space<vmem>> -> memref<1x125xi32, #tpu.memory_space<vmem>>
    %dma_start3A_67 = tpu.memref_squeeze %dma_start3A_66 : memref<1x125xi32, #tpu.memory_space<vmem>> -> memref<125xi32, #tpu.memory_space<vmem>>
    %dma_start3A_68 = arith.constant 0 : i32
    %dma_start3A_69 = arith.constant 0 : i32
    %dma_start3A_70 = tpu.memref_slice %arg2[%dma_start3A_68, %dma_start3A_69] : memref<10000x128xf32, #tpu.memory_space<hbm>> -> memref<10000x128xf32, #tpu.memory_space<hbm>>
    tpu.enqueue_indirect_dma source(%dma_start3A_70 : memref<10000x128xf32, #tpu.memory_space<hbm>>) target(%arg9 : memref<125x128xf32, #tpu.memory_space<vmem>>) offsets(%dma_start3A_67 : memref<125xi32, #tpu.memory_space<vmem>>) semaphore(%arg13 : memref<!tpu.dma_semaphore, #tpu.memory_space<semaphore_mem>>)
    %dma_start3A_71 = arith.constant 1 : i32
    %dma_start3A_72 = arith.constant 0 : i32
    %dma_start3A_73 = tpu.memref_slice %arg7[%dma_start3A_71, %dma_start3A_72] : memref<160x125xi32, #tpu.memory_space<vmem>> -> memref<1x125xi32, #tpu.memory_space<vmem>>
    %dma_start3A_74 = tpu.memref_squeeze %dma_start3A_73 : memref<1x125xi32, #tpu.memory_space<vmem>> -> memref<125xi32, #tpu.memory_space<vmem>>
    %dma_start3A_75 = arith.constant 0 : i32
    %dma_start3A_76 = arith.constant 0 : i32
    %dma_start3A_77 = tpu.memref_slice %arg2[%dma_start3A_75, %dma_start3A_76] : memref<10000x128xf32, #tpu.memory_space<hbm>> -> memref<10000x128xf32, #tpu.memory_space<hbm>>
    tpu.enqueue_indirect_dma source(%dma_start3A_77 : memref<10000x128xf32, #tpu.memory_space<hbm>>) target(%arg10 : memref<125x128xf32, #tpu.memory_space<vmem>>) offsets(%dma_start3A_74 : memref<125xi32, #tpu.memory_space<vmem>>) semaphore(%arg14 : memref<!tpu.dma_semaphore, #tpu.memory_space<semaphore_mem>>)
    %scan3A_78 = arith.constant 0 : i32
    %scan3A_79 = arith.constant 0 : i32
    %scan3A_80 = arith.constant 79 : i32
    %scan3A_81 = arith.addi %scan3A_79, %scan3A_80 : i32
    %scan3A_82 = arith.constant 1 : i32
    %scan3A_83 = scf.for %scan3A_109 = %scan3A_79 to %scan3A_81 step %scan3A_82 iter_args(%scan3A_110 = %scan3A_78) -> (i32)  : i32 {
      %mul3A_111 = arith.constant 2 : i32
      %mul3A_112 = arith.muli %mul3A_111, %scan3A_109 : i32
      %add3A_113 = arith.constant 0 : i32
      %add3A_114 = arith.addi %mul3A_112, %add3A_113 : i32
      %dma_wait3A_115 = arith.constant 0 : i32
      %dma_wait3A_116 = tpu.memref_slice %arg7[%add3A_114, %dma_wait3A_115] : memref<160x125xi32, #tpu.memory_space<vmem>> -> memref<1x125xi32, #tpu.memory_space<vmem>>
      %dma_wait3A_117 = tpu.memref_squeeze %dma_wait3A_116 : memref<1x125xi32, #tpu.memory_space<vmem>> -> memref<125xi32, #tpu.memory_space<vmem>>
      %dma_wait3A_118 = arith.constant 0 : i32
      %dma_wait3A_119 = arith.constant 0 : i32
      %dma_wait3A_120 = tpu.memref_slice %arg2[%dma_wait3A_118, %dma_wait3A_119] : memref<10000x128xf32, #tpu.memory_space<hbm>> -> memref<10000x128xf32, #tpu.memory_space<hbm>>
      tpu.wait_indirect_dma semaphore(%arg13 : memref<!tpu.dma_semaphore, #tpu.memory_space<semaphore_mem>>) src(%dma_wait3A_120 : memref<10000x128xf32, #tpu.memory_space<hbm>>) dst(%arg9 : memref<125x128xf32, #tpu.memory_space<vmem>>)
      "tpu.region"() ({
        %run_scoped3A_148 = tpu.sem_alloc : memref<!tpu.dma_semaphore, #tpu.memory_space<semaphore_mem>>
        %dma_start3A_149 = arith.constant 0 : i32
        %dma_start3A_150 = tpu.memref_slice %arg8[%add3A_114, %dma_start3A_149] : memref<160x125xi32, #tpu.memory_space<vmem>> -> memref<1x125xi32, #tpu.memory_space<vmem>>
        %dma_start3A_151 = tpu.memref_squeeze %dma_start3A_150 : memref<1x125xi32, #tpu.memory_space<vmem>> -> memref<125xi32, #tpu.memory_space<vmem>>
        %dma_start3A_152 = arith.constant 0 : i32
        %dma_start3A_153 = arith.constant 0 : i32
        %dma_start3A_154 = tpu.memref_slice %arg12[%dma_start3A_152, %dma_start3A_153] : memref<2688x128xf32, #tpu.memory_space<vmem_shared>> -> memref<2688x128xf32, #tpu.memory_space<vmem_shared>>
        tpu.enqueue_indirect_dma source(%arg9 : memref<125x128xf32, #tpu.memory_space<vmem>>) target(%dma_start3A_154 : memref<2688x128xf32, #tpu.memory_space<vmem_shared>>) offsets(%dma_start3A_151 : memref<125xi32, #tpu.memory_space<vmem>>) semaphore(%run_scoped3A_148 : memref<!tpu.dma_semaphore, #tpu.memory_space<semaphore_mem>>) {add = true}
        %dma_wait3A_155 = arith.constant 0 : i32
        %dma_wait3A_156 = tpu.memref_slice %arg8[%add3A_114, %dma_wait3A_155] : memref<160x125xi32, #tpu.memory_space<vmem>> -> memref<1x125xi32, #tpu.memory_space<vmem>>
        %dma_wait3A_157 = tpu.memref_squeeze %dma_wait3A_156 : memref<1x125xi32, #tpu.memory_space<vmem>> -> memref<125xi32, #tpu.memory_space<vmem>>
        %dma_wait3A_158 = arith.constant 0 : i32
        %dma_wait3A_159 = arith.constant 0 : i32
        %dma_wait3A_160 = tpu.memref_slice %arg12[%dma_wait3A_158, %dma_wait3A_159] : memref<2688x128xf32, #tpu.memory_space<vmem_shared>> -> memref<2688x128xf32, #tpu.memory_space<vmem_shared>>
        tpu.wait_indirect_dma semaphore(%run_scoped3A_148 : memref<!tpu.dma_semaphore, #tpu.memory_space<semaphore_mem>>) src(%arg9 : memref<125x128xf32, #tpu.memory_space<vmem>>) dst(%dma_wait3A_160 : memref<2688x128xf32, #tpu.memory_space<vmem_shared>>)
        tpu.yield
      }) : () -> ()
      %add3A_121 = arith.constant 2 : i32
      %add3A_122 = arith.addi %add3A_114, %add3A_121 : i32
      %dma_start3A_123 = arith.constant 0 : i32
      %dma_start3A_124 = tpu.memref_slice %arg7[%add3A_122, %dma_start3A_123] : memref<160x125xi32, #tpu.memory_space<vmem>> -> memref<1x125xi32, #tpu.memory_space<vmem>>
      %dma_start3A_125 = tpu.memref_squeeze %dma_start3A_124 : memref<1x125xi32, #tpu.memory_space<vmem>> -> memref<125xi32, #tpu.memory_space<vmem>>
      %dma_start3A_126 = arith.constant 0 : i32
      %dma_start3A_127 = arith.constant 0 : i32
      %dma_start3A_128 = tpu.memref_slice %arg2[%dma_start3A_126, %dma_start3A_127] : memref<10000x128xf32, #tpu.memory_space<hbm>> -> memref<10000x128xf32, #tpu.memory_space<hbm>>
      tpu.enqueue_indirect_dma source(%dma_start3A_128 : memref<10000x128xf32, #tpu.memory_space<hbm>>) target(%arg9 : memref<125x128xf32, #tpu.memory_space<vmem>>) offsets(%dma_start3A_125 : memref<125xi32, #tpu.memory_space<vmem>>) semaphore(%arg13 : memref<!tpu.dma_semaphore, #tpu.memory_space<semaphore_mem>>)
      %mul3A_129 = arith.constant 2 : i32
      %mul3A_130 = arith.muli %mul3A_129, %scan3A_109 : i32
      %add3A_131 = arith.constant 1 : i32
      %add3A_132 = arith.addi %mul3A_130, %add3A_131 : i32
      %dma_wait3A_133 = arith.constant 0 : i32
      %dma_wait3A_134 = tpu.memref_slice %arg7[%add3A_132, %dma_wait3A_133] : memref<160x125xi32, #tpu.memory_space<vmem>> -> memref<1x125xi32, #tpu.memory_space<vmem>>
      %dma_wait3A_135 = tpu.memref_squeeze %dma_wait3A_134 : memref<1x125xi32, #tpu.memory_space<vmem>> -> memref<125xi32, #tpu.memory_space<vmem>>
      %dma_wait3A_136 = arith.constant 0 : i32
      %dma_wait3A_137 = arith.constant 0 : i32
      %dma_wait3A_138 = tpu.memref_slice %arg2[%dma_wait3A_136, %dma_wait3A_137] : memref<10000x128xf32, #tpu.memory_space<hbm>> -> memref<10000x128xf32, #tpu.memory_space<hbm>>
      tpu.wait_indirect_dma semaphore(%arg14 : memref<!tpu.dma_semaphore, #tpu.memory_space<semaphore_mem>>) src(%dma_wait3A_138 : memref<10000x128xf32, #tpu.memory_space<hbm>>) dst(%arg10 : memref<125x128xf32, #tpu.memory_space<vmem>>)
      "tpu.region"() ({
        %run_scoped3A_148 = tpu.sem_alloc : memref<!tpu.dma_semaphore, #tpu.memory_space<semaphore_mem>>
        %dma_start3A_149 = arith.constant 0 : i32
        %dma_start3A_150 = tpu.memref_slice %arg8[%add3A_132, %dma_start3A_149] : memref<160x125xi32, #tpu.memory_space<vmem>> -> memref<1x125xi32, #tpu.memory_space<vmem>>
        %dma_start3A_151 = tpu.memref_squeeze %dma_start3A_150 : memref<1x125xi32, #tpu.memory_space<vmem>> -> memref<125xi32, #tpu.memory_space<vmem>>
        %dma_start3A_152 = arith.constant 0 : i32
        %dma_start3A_153 = arith.constant 0 : i32
        %dma_start3A_154 = tpu.memref_slice %arg12[%dma_start3A_152, %dma_start3A_153] : memref<2688x128xf32, #tpu.memory_space<vmem_shared>> -> memref<2688x128xf32, #tpu.memory_space<vmem_shared>>
        tpu.enqueue_indirect_dma source(%arg10 : memref<125x128xf32, #tpu.memory_space<vmem>>) target(%dma_start3A_154 : memref<2688x128xf32, #tpu.memory_space<vmem_shared>>) offsets(%dma_start3A_151 : memref<125xi32, #tpu.memory_space<vmem>>) semaphore(%run_scoped3A_148 : memref<!tpu.dma_semaphore, #tpu.memory_space<semaphore_mem>>) {add = true}
        %dma_wait3A_155 = arith.constant 0 : i32
        %dma_wait3A_156 = tpu.memref_slice %arg8[%add3A_132, %dma_wait3A_155] : memref<160x125xi32, #tpu.memory_space<vmem>> -> memref<1x125xi32, #tpu.memory_space<vmem>>
        %dma_wait3A_157 = tpu.memref_squeeze %dma_wait3A_156 : memref<1x125xi32, #tpu.memory_space<vmem>> -> memref<125xi32, #tpu.memory_space<vmem>>
        %dma_wait3A_158 = arith.constant 0 : i32
        %dma_wait3A_159 = arith.constant 0 : i32
        %dma_wait3A_160 = tpu.memref_slice %arg12[%dma_wait3A_158, %dma_wait3A_159] : memref<2688x128xf32, #tpu.memory_space<vmem_shared>> -> memref<2688x128xf32, #tpu.memory_space<vmem_shared>>
        tpu.wait_indirect_dma semaphore(%run_scoped3A_148 : memref<!tpu.dma_semaphore, #tpu.memory_space<semaphore_mem>>) src(%arg10 : memref<125x128xf32, #tpu.memory_space<vmem>>) dst(%dma_wait3A_160 : memref<2688x128xf32, #tpu.memory_space<vmem_shared>>)
        tpu.yield
      }) : () -> ()
      %add3A_139 = arith.constant 2 : i32
      %add3A_140 = arith.addi %add3A_132, %add3A_139 : i32
      %dma_start3A_141 = arith.constant 0 : i32
      %dma_start3A_142 = tpu.memref_slice %arg7[%add3A_140, %dma_start3A_141] : memref<160x125xi32, #tpu.memory_space<vmem>> -> memref<1x125xi32, #tpu.memory_space<vmem>>
      %dma_start3A_143 = tpu.memref_squeeze %dma_start3A_142 : memref<1x125xi32, #tpu.memory_space<vmem>> -> memref<125xi32, #tpu.memory_space<vmem>>
      %dma_start3A_144 = arith.constant 0 : i32
      %dma_start3A_145 = arith.constant 0 : i32
      %dma_start3A_146 = tpu.memref_slice %arg2[%dma_start3A_144, %dma_start3A_145] : memref<10000x128xf32, #tpu.memory_space<hbm>> -> memref<10000x128xf32, #tpu.memory_space<hbm>>
      tpu.enqueue_indirect_dma source(%dma_start3A_146 : memref<10000x128xf32, #tpu.memory_space<hbm>>) target(%arg10 : memref<125x128xf32, #tpu.memory_space<vmem>>) offsets(%dma_start3A_143 : memref<125xi32, #tpu.memory_space<vmem>>) semaphore(%arg14 : memref<!tpu.dma_semaphore, #tpu.memory_space<semaphore_mem>>)
      %scan3A_147 = arith.constant 0 : i32
      scf.yield %scan3A_147 : i32
    }
    %scan3A_84 = arith.constant 79 : i32
    %dma_wait3A_85 = arith.constant 158 : i32
    %dma_wait3A_86 = arith.constant 0 : i32
    %dma_wait3A_87 = tpu.memref_slice %arg7[%dma_wait3A_85, %dma_wait3A_86] : memref<160x125xi32, #tpu.memory_space<vmem>> -> memref<1x125xi32, #tpu.memory_space<vmem>>
    %dma_wait3A_88 = tpu.memref_squeeze %dma_wait3A_87 : memref<1x125xi32, #tpu.memory_space<vmem>> -> memref<125xi32, #tpu.memory_space<vmem>>
    %dma_wait3A_89 = arith.constant 0 : i32
    %dma_wait3A_90 = arith.constant 0 : i32
    %dma_wait3A_91 = tpu.memref_slice %arg2[%dma_wait3A_89, %dma_wait3A_90] : memref<10000x128xf32, #tpu.memory_space<hbm>> -> memref<10000x128xf32, #tpu.memory_space<hbm>>
    tpu.wait_indirect_dma semaphore(%arg13 : memref<!tpu.dma_semaphore, #tpu.memory_space<semaphore_mem>>) src(%dma_wait3A_91 : memref<10000x128xf32, #tpu.memory_space<hbm>>) dst(%arg9 : memref<125x128xf32, #tpu.memory_space<vmem>>)
    %run_scoped3A_92 = arith.constant 158 : i32
    "tpu.region"() ({
      %run_scoped3A_109 = tpu.sem_alloc : memref<!tpu.dma_semaphore, #tpu.memory_space<semaphore_mem>>
      %dma_start3A_110 = arith.constant 0 : i32
      %dma_start3A_111 = tpu.memref_slice %arg8[%run_scoped3A_92, %dma_start3A_110] : memref<160x125xi32, #tpu.memory_space<vmem>> -> memref<1x125xi32, #tpu.memory_space<vmem>>
      %dma_start3A_112 = tpu.memref_squeeze %dma_start3A_111 : memref<1x125xi32, #tpu.memory_space<vmem>> -> memref<125xi32, #tpu.memory_space<vmem>>
      %dma_start3A_113 = arith.constant 0 : i32
      %dma_start3A_114 = arith.constant 0 : i32
      %dma_start3A_115 = tpu.memref_slice %arg12[%dma_start3A_113, %dma_start3A_114] : memref<2688x128xf32, #tpu.memory_space<vmem_shared>> -> memref<2688x128xf32, #tpu.memory_space<vmem_shared>>
      tpu.enqueue_indirect_dma source(%arg9 : memref<125x128xf32, #tpu.memory_space<vmem>>) target(%dma_start3A_115 : memref<2688x128xf32, #tpu.memory_space<vmem_shared>>) offsets(%dma_start3A_112 : memref<125xi32, #tpu.memory_space<vmem>>) semaphore(%run_scoped3A_109 : memref<!tpu.dma_semaphore, #tpu.memory_space<semaphore_mem>>) {add = true}
      %dma_wait3A_116 = arith.constant 0 : i32
      %dma_wait3A_117 = tpu.memref_slice %arg8[%run_scoped3A_92, %dma_wait3A_116] : memref<160x125xi32, #tpu.memory_space<vmem>> -> memref<1x125xi32, #tpu.memory_space<vmem>>
      %dma_wait3A_118 = tpu.memref_squeeze %dma_wait3A_117 : memref<1x125xi32, #tpu.memory_space<vmem>> -> memref<125xi32, #tpu.memory_space<vmem>>
      %dma_wait3A_119 = arith.constant 0 : i32
      %dma_wait3A_120 = arith.constant 0 : i32
      %dma_wait3A_121 = tpu.memref_slice %arg12[%dma_wait3A_119, %dma_wait3A_120] : memref<2688x128xf32, #tpu.memory_space<vmem_shared>> -> memref<2688x128xf32, #tpu.memory_space<vmem_shared>>
      tpu.wait_indirect_dma semaphore(%run_scoped3A_109 : memref<!tpu.dma_semaphore, #tpu.memory_space<semaphore_mem>>) src(%arg9 : memref<125x128xf32, #tpu.memory_space<vmem>>) dst(%dma_wait3A_121 : memref<2688x128xf32, #tpu.memory_space<vmem_shared>>)
      tpu.yield
    }) : () -> ()
    %dma_wait3A_93 = arith.constant 159 : i32
    %dma_wait3A_94 = arith.constant 0 : i32
    %dma_wait3A_95 = tpu.memref_slice %arg7[%dma_wait3A_93, %dma_wait3A_94] : memref<160x125xi32, #tpu.memory_space<vmem>> -> memref<1x125xi32, #tpu.memory_space<vmem>>
    %dma_wait3A_96 = tpu.memref_squeeze %dma_wait3A_95 : memref<1x125xi32, #tpu.memory_space<vmem>> -> memref<125xi32, #tpu.memory_space<vmem>>
    %dma_wait3A_97 = arith.constant 0 : i32
    %dma_wait3A_98 = arith.constant 0 : i32
    %dma_wait3A_99 = tpu.memref_slice %arg2[%dma_wait3A_97, %dma_wait3A_98] : memref<10000x128xf32, #tpu.memory_space<hbm>> -> memref<10000x128xf32, #tpu.memory_space<hbm>>
    tpu.wait_indirect_dma semaphore(%arg14 : memref<!tpu.dma_semaphore, #tpu.memory_space<semaphore_mem>>) src(%dma_wait3A_99 : memref<10000x128xf32, #tpu.memory_space<hbm>>) dst(%arg10 : memref<125x128xf32, #tpu.memory_space<vmem>>)
    %run_scoped3A_100 = arith.constant 159 : i32
    "tpu.region"() ({
      %run_scoped3A_109 = tpu.sem_alloc : memref<!tpu.dma_semaphore, #tpu.memory_space<semaphore_mem>>
      %dma_start3A_110 = arith.constant 0 : i32
      %dma_start3A_111 = tpu.memref_slice %arg8[%run_scoped3A_100, %dma_start3A_110] : memref<160x125xi32, #tpu.memory_space<vmem>> -> memref<1x125xi32, #tpu.memory_space<vmem>>
      %dma_start3A_112 = tpu.memref_squeeze %dma_start3A_111 : memref<1x125xi32, #tpu.memory_space<vmem>> -> memref<125xi32, #tpu.memory_space<vmem>>
      %dma_start3A_113 = arith.constant 0 : i32
      %dma_start3A_114 = arith.constant 0 : i32
      %dma_start3A_115 = tpu.memref_slice %arg12[%dma_start3A_113, %dma_start3A_114] : memref<2688x128xf32, #tpu.memory_space<vmem_shared>> -> memref<2688x128xf32, #tpu.memory_space<vmem_shared>>
      tpu.enqueue_indirect_dma source(%arg10 : memref<125x128xf32, #tpu.memory_space<vmem>>) target(%dma_start3A_115 : memref<2688x128xf32, #tpu.memory_space<vmem_shared>>) offsets(%dma_start3A_112 : memref<125xi32, #tpu.memory_space<vmem>>) semaphore(%run_scoped3A_109 : memref<!tpu.dma_semaphore, #tpu.memory_space<semaphore_mem>>) {add = true}
      %dma_wait3A_116 = arith.constant 0 : i32
      %dma_wait3A_117 = tpu.memref_slice %arg8[%run_scoped3A_100, %dma_wait3A_116] : memref<160x125xi32, #tpu.memory_space<vmem>> -> memref<1x125xi32, #tpu.memory_space<vmem>>
      %dma_wait3A_118 = tpu.memref_squeeze %dma_wait3A_117 : memref<1x125xi32, #tpu.memory_space<vmem>> -> memref<125xi32, #tpu.memory_space<vmem>>
      %dma_wait3A_119 = arith.constant 0 : i32
      %dma_wait3A_120 = arith.constant 0 : i32
      %dma_wait3A_121 = tpu.memref_slice %arg12[%dma_wait3A_119, %dma_wait3A_120] : memref<2688x128xf32, #tpu.memory_space<vmem_shared>> -> memref<2688x128xf32, #tpu.memory_space<vmem_shared>>
      tpu.wait_indirect_dma semaphore(%run_scoped3A_109 : memref<!tpu.dma_semaphore, #tpu.memory_space<semaphore_mem>>) src(%arg10 : memref<125x128xf32, #tpu.memory_space<vmem>>) dst(%dma_wait3A_121 : memref<2688x128xf32, #tpu.memory_space<vmem_shared>>)
      tpu.yield
    }) : () -> ()
    %barrier3A_101 = arith.constant 0 : index
    tpu.barrier barrier_id(%barrier3A_101)
    %mul3A_102 = arith.constant 160 : i32
    %mul3A_103 = arith.muli %arg1, %mul3A_102 : i32
    "tpu.region"() ({
      %run_scoped3A_109 = tpu.sem_alloc : memref<!tpu.dma_semaphore, #tpu.memory_space<semaphore_mem>>
      %dma_start3A_110 = arith.constant 0 : i32
      %dma_start3A_111 = tpu.memref_slice %arg12[%mul3A_103, %dma_start3A_110] : memref<2688x128xf32, #tpu.memory_space<vmem_shared>> -> memref<160x128xf32, #tpu.memory_space<vmem_shared>>
      %dma_start3A_112 = arith.constant 0 : i32
      %dma_start3A_113 = tpu.memref_slice %arg12[%mul3A_103, %dma_start3A_112] : memref<2688x128xf32, #tpu.memory_space<vmem_shared>> -> memref<160x128xf32, #tpu.memory_space<vmem_shared>>
      tpu.enqueue_dma source(%dma_start3A_113 : memref<160x128xf32, #tpu.memory_space<vmem_shared>>) target(%arg11 : memref<160x128xf32, #tpu.memory_space<vmem>>) target_semaphore(%run_scoped3A_109 : memref<!tpu.dma_semaphore, #tpu.memory_space<semaphore_mem>>)
      %dma_wait3A_114 = arith.constant 0 : i32
      %dma_wait3A_115 = tpu.memref_slice %arg12[%mul3A_103, %dma_wait3A_114] : memref<2688x128xf32, #tpu.memory_space<vmem_shared>> -> memref<160x128xf32, #tpu.memory_space<vmem_shared>>
      %dma_wait3A_116 = arith.constant 0 : i32
      %dma_wait3A_117 = tpu.memref_slice %arg12[%mul3A_103, %dma_wait3A_116] : memref<2688x128xf32, #tpu.memory_space<vmem_shared>> -> memref<160x128xf32, #tpu.memory_space<vmem_shared>>
      tpu.wait_dma2 semaphore(%run_scoped3A_109 : memref<!tpu.dma_semaphore, #tpu.memory_space<semaphore_mem>>) src(%dma_wait3A_117 : memref<160x128xf32, #tpu.memory_space<vmem_shared>>) dst(%arg11 : memref<160x128xf32, #tpu.memory_space<vmem>>)
      tpu.yield
    }) : () -> ()
    %mul3A_104 = arith.constant 2560 : i32
    %mul3A_105 = arith.muli %add3A_53, %mul3A_104 : i32
    %mul3A_106 = arith.constant 160 : i32
    %mul3A_107 = arith.muli %arg1, %mul3A_106 : i32
    %add3A_108 = arith.addi %mul3A_105, %mul3A_107 : i32
    "tpu.region"() ({
      %run_scoped3A_109 = tpu.sem_alloc : memref<!tpu.dma_semaphore, #tpu.memory_space<semaphore_mem>>
      %dma_start3A_110 = arith.constant 0 : i32
      %dma_start3A_111 = tpu.memref_slice %arg6[%add3A_108, %dma_start3A_110] : memref<10240x128xf32, #tpu.memory_space<hbm>> -> memref<160x128xf32, #tpu.memory_space<hbm>>
      %dma_start3A_112 = arith.constant 0 : i32
      %dma_start3A_113 = tpu.memref_slice %arg6[%add3A_108, %dma_start3A_112] : memref<10240x128xf32, #tpu.memory_space<hbm>> -> memref<160x128xf32, #tpu.memory_space<hbm>>
      tpu.enqueue_dma source(%arg11 : memref<160x128xf32, #tpu.memory_space<vmem>>) target(%dma_start3A_113 : memref<160x128xf32, #tpu.memory_space<hbm>>) target_semaphore(%run_scoped3A_109 : memref<!tpu.dma_semaphore, #tpu.memory_space<semaphore_mem>>)
      %dma_wait3A_114 = arith.constant 0 : i32
      %dma_wait3A_115 = tpu.memref_slice %arg6[%add3A_108, %dma_wait3A_114] : memref<10240x128xf32, #tpu.memory_space<hbm>> -> memref<160x128xf32, #tpu.memory_space<hbm>>
      %dma_wait3A_116 = arith.constant 0 : i32
      %dma_wait3A_117 = tpu.memref_slice %arg6[%add3A_108, %dma_wait3A_116] : memref<10240x128xf32, #tpu.memory_space<hbm>> -> memref<160x128xf32, #tpu.memory_space<hbm>>
      tpu.wait_dma2 semaphore(%run_scoped3A_109 : memref<!tpu.dma_semaphore, #tpu.memory_space<semaphore_mem>>) src(%arg11 : memref<160x128xf32, #tpu.memory_space<vmem>>) dst(%dma_wait3A_117 : memref<160x128xf32, #tpu.memory_space<hbm>>)
      tpu.yield
    }) : () -> ()
    "tpu.region"() ({
      %run_scoped3A_109 = tpu.sem_alloc : memref<!tpu.dma_semaphore, #tpu.memory_space<semaphore_mem>>
      tpu.enqueue_dma source(%arg5 : memref<160x128xf32, #tpu.memory_space<hbm>>) target(%arg11 : memref<160x128xf32, #tpu.memory_space<vmem>>) target_semaphore(%run_scoped3A_109 : memref<!tpu.dma_semaphore, #tpu.memory_space<semaphore_mem>>)
      tpu.wait_dma2 semaphore(%run_scoped3A_109 : memref<!tpu.dma_semaphore, #tpu.memory_space<semaphore_mem>>) src(%arg5 : memref<160x128xf32, #tpu.memory_space<hbm>>) dst(%arg11 : memref<160x128xf32, #tpu.memory_space<vmem>>)
      tpu.yield
    }) : () -> ()
    return
  }
}

#map = affine_map<(d0, d1) -> (0, 0)>
module attributes {stable_mosaic.version = 14 : i64} {
  func.func @_sc_deg(%arg0: i32, %arg1: i32, %arg2: memref<256x128xf32, #tpu.memory_space<hbm>>, %arg3: memref<2560x125xi32, #tpu.memory_space<hbm>>, %arg4: memref<2560x125xi32, #tpu.memory_space<hbm>>, %arg5: memref<2560x125xi32, #tpu.memory_space<hbm>>, %arg6: memref<2560x125xi32, #tpu.memory_space<hbm>>, %arg7: memref<80x128xf32, #tpu.memory_space<hbm>>, %arg8: memref<2560x128xf32, #tpu.memory_space<hbm>>, %arg9: memref<2560x128xf32, #tpu.memory_space<hbm>>, %arg10: memref<80x125xi32, #tpu.memory_space<vmem>>, %arg11: memref<80x125xi32, #tpu.memory_space<vmem>>, %arg12: memref<125x128xf32, #tpu.memory_space<vmem>>, %arg13: memref<125x128xf32, #tpu.memory_space<vmem>>, %arg14: memref<80x128xf32, #tpu.memory_space<vmem>>, %arg15: memref<1280x128xf32, #tpu.memory_space<vmem_shared>>, %arg16: memref<!tpu.dma_semaphore, #tpu.memory_space<semaphore_mem>>, %arg17: memref<!tpu.dma_semaphore, #tpu.memory_space<semaphore_mem>>) attributes {dimension_semantics = [#tpu.dimension_semantics<core_parallel>, #tpu.dimension_semantics<subcore_parallel>], iteration_bounds = array<i64: 2, 16>, scalar_prefetch = 0 : i64, scratch_operands = 8 : i64, tpu.core_type = #tpu.core_type<sc_vector_subcore>, window_params = [{transform_indices = #map}, {transform_indices = #map}, {transform_indices = #map}, {transform_indices = #map}, {transform_indices = #map}, {transform_indices = #map}, {transform_indices = #map}, {transform_indices = #map}]} {
    %mul3A = arith.constant 2 : i32
    %mul3A_0 = arith.muli %arg1, %mul3A : i32
    %add3A = arith.addi %mul3A_0, %arg0 : i32
    %mul3A_1 = arith.constant 80 : i32
    %mul3A_2 = arith.muli %add3A, %mul3A_1 : i32
    "tpu.region"() ({
      %run_scoped3A_94 = tpu.sem_alloc : memref<!tpu.dma_semaphore, #tpu.memory_space<semaphore_mem>>
      %dma_start3A_95 = arith.constant 0 : i32
      %dma_start3A_96 = tpu.memref_slice %arg3[%mul3A_2, %dma_start3A_95] : memref<2560x125xi32, #tpu.memory_space<hbm>> -> memref<80x125xi32, #tpu.memory_space<hbm>>
      %dma_start3A_97 = arith.constant 0 : i32
      %dma_start3A_98 = tpu.memref_slice %arg3[%mul3A_2, %dma_start3A_97] : memref<2560x125xi32, #tpu.memory_space<hbm>> -> memref<80x125xi32, #tpu.memory_space<hbm>>
      tpu.enqueue_dma source(%dma_start3A_98 : memref<80x125xi32, #tpu.memory_space<hbm>>) target(%arg10 : memref<80x125xi32, #tpu.memory_space<vmem>>) target_semaphore(%run_scoped3A_94 : memref<!tpu.dma_semaphore, #tpu.memory_space<semaphore_mem>>)
      %dma_wait3A_99 = arith.constant 0 : i32
      %dma_wait3A_100 = tpu.memref_slice %arg3[%mul3A_2, %dma_wait3A_99] : memref<2560x125xi32, #tpu.memory_space<hbm>> -> memref<80x125xi32, #tpu.memory_space<hbm>>
      %dma_wait3A_101 = arith.constant 0 : i32
      %dma_wait3A_102 = tpu.memref_slice %arg3[%mul3A_2, %dma_wait3A_101] : memref<2560x125xi32, #tpu.memory_space<hbm>> -> memref<80x125xi32, #tpu.memory_space<hbm>>
      tpu.wait_dma2 semaphore(%run_scoped3A_94 : memref<!tpu.dma_semaphore, #tpu.memory_space<semaphore_mem>>) src(%dma_wait3A_102 : memref<80x125xi32, #tpu.memory_space<hbm>>) dst(%arg10 : memref<80x125xi32, #tpu.memory_space<vmem>>)
      tpu.yield
    }) : () -> ()
    "tpu.region"() ({
      %run_scoped3A_94 = tpu.sem_alloc : memref<!tpu.dma_semaphore, #tpu.memory_space<semaphore_mem>>
      %dma_start3A_95 = arith.constant 0 : i32
      %dma_start3A_96 = tpu.memref_slice %arg4[%mul3A_2, %dma_start3A_95] : memref<2560x125xi32, #tpu.memory_space<hbm>> -> memref<80x125xi32, #tpu.memory_space<hbm>>
      %dma_start3A_97 = arith.constant 0 : i32
      %dma_start3A_98 = tpu.memref_slice %arg4[%mul3A_2, %dma_start3A_97] : memref<2560x125xi32, #tpu.memory_space<hbm>> -> memref<80x125xi32, #tpu.memory_space<hbm>>
      tpu.enqueue_dma source(%dma_start3A_98 : memref<80x125xi32, #tpu.memory_space<hbm>>) target(%arg11 : memref<80x125xi32, #tpu.memory_space<vmem>>) target_semaphore(%run_scoped3A_94 : memref<!tpu.dma_semaphore, #tpu.memory_space<semaphore_mem>>)
      %dma_wait3A_99 = arith.constant 0 : i32
      %dma_wait3A_100 = tpu.memref_slice %arg4[%mul3A_2, %dma_wait3A_99] : memref<2560x125xi32, #tpu.memory_space<hbm>> -> memref<80x125xi32, #tpu.memory_space<hbm>>
      %dma_wait3A_101 = arith.constant 0 : i32
      %dma_wait3A_102 = tpu.memref_slice %arg4[%mul3A_2, %dma_wait3A_101] : memref<2560x125xi32, #tpu.memory_space<hbm>> -> memref<80x125xi32, #tpu.memory_space<hbm>>
      tpu.wait_dma2 semaphore(%run_scoped3A_94 : memref<!tpu.dma_semaphore, #tpu.memory_space<semaphore_mem>>) src(%dma_wait3A_102 : memref<80x125xi32, #tpu.memory_space<hbm>>) dst(%arg11 : memref<80x125xi32, #tpu.memory_space<vmem>>)
      tpu.yield
    }) : () -> ()
    "tpu.region"() ({
      %run_scoped3A_94 = tpu.sem_alloc : memref<!tpu.dma_semaphore, #tpu.memory_space<semaphore_mem>>
      tpu.enqueue_dma source(%arg7 : memref<80x128xf32, #tpu.memory_space<hbm>>) target(%arg14 : memref<80x128xf32, #tpu.memory_space<vmem>>) target_semaphore(%run_scoped3A_94 : memref<!tpu.dma_semaphore, #tpu.memory_space<semaphore_mem>>)
      tpu.wait_dma2 semaphore(%run_scoped3A_94 : memref<!tpu.dma_semaphore, #tpu.memory_space<semaphore_mem>>) src(%arg7 : memref<80x128xf32, #tpu.memory_space<hbm>>) dst(%arg14 : memref<80x128xf32, #tpu.memory_space<vmem>>)
      tpu.yield
    }) : () -> ()
    %mul3A_3 = arith.constant 80 : i32
    %mul3A_4 = arith.muli %arg1, %mul3A_3 : i32
    "tpu.region"() ({
      %run_scoped3A_94 = tpu.sem_alloc : memref<!tpu.dma_semaphore, #tpu.memory_space<semaphore_mem>>
      %dma_start3A_95 = arith.constant 0 : i32
      %dma_start3A_96 = tpu.memref_slice %arg15[%mul3A_4, %dma_start3A_95] : memref<1280x128xf32, #tpu.memory_space<vmem_shared>> -> memref<80x128xf32, #tpu.memory_space<vmem_shared>>
      %dma_start3A_97 = arith.constant 0 : i32
      %dma_start3A_98 = tpu.memref_slice %arg15[%mul3A_4, %dma_start3A_97] : memref<1280x128xf32, #tpu.memory_space<vmem_shared>> -> memref<80x128xf32, #tpu.memory_space<vmem_shared>>
      tpu.enqueue_dma source(%arg14 : memref<80x128xf32, #tpu.memory_space<vmem>>) target(%dma_start3A_98 : memref<80x128xf32, #tpu.memory_space<vmem_shared>>) target_semaphore(%run_scoped3A_94 : memref<!tpu.dma_semaphore, #tpu.memory_space<semaphore_mem>>)
      %dma_wait3A_99 = arith.constant 0 : i32
      %dma_wait3A_100 = tpu.memref_slice %arg15[%mul3A_4, %dma_wait3A_99] : memref<1280x128xf32, #tpu.memory_space<vmem_shared>> -> memref<80x128xf32, #tpu.memory_space<vmem_shared>>
      %dma_wait3A_101 = arith.constant 0 : i32
      %dma_wait3A_102 = tpu.memref_slice %arg15[%mul3A_4, %dma_wait3A_101] : memref<1280x128xf32, #tpu.memory_space<vmem_shared>> -> memref<80x128xf32, #tpu.memory_space<vmem_shared>>
      tpu.wait_dma2 semaphore(%run_scoped3A_94 : memref<!tpu.dma_semaphore, #tpu.memory_space<semaphore_mem>>) src(%arg14 : memref<80x128xf32, #tpu.memory_space<vmem>>) dst(%dma_wait3A_102 : memref<80x128xf32, #tpu.memory_space<vmem_shared>>)
      tpu.yield
    }) : () -> ()
    %barrier3A = arith.constant 0 : index
    tpu.barrier barrier_id(%barrier3A)
    %dma_start3A = arith.constant 0 : i32
    %dma_start3A_5 = arith.constant 0 : i32
    %dma_start3A_6 = tpu.memref_slice %arg10[%dma_start3A, %dma_start3A_5] : memref<80x125xi32, #tpu.memory_space<vmem>> -> memref<1x125xi32, #tpu.memory_space<vmem>>
    %dma_start3A_7 = tpu.memref_squeeze %dma_start3A_6 : memref<1x125xi32, #tpu.memory_space<vmem>> -> memref<125xi32, #tpu.memory_space<vmem>>
    %dma_start3A_8 = arith.constant 0 : i32
    %dma_start3A_9 = arith.constant 0 : i32
    %dma_start3A_10 = tpu.memref_slice %arg2[%dma_start3A_8, %dma_start3A_9] : memref<256x128xf32, #tpu.memory_space<hbm>> -> memref<256x128xf32, #tpu.memory_space<hbm>>
    tpu.enqueue_indirect_dma source(%dma_start3A_10 : memref<256x128xf32, #tpu.memory_space<hbm>>) target(%arg12 : memref<125x128xf32, #tpu.memory_space<vmem>>) offsets(%dma_start3A_7 : memref<125xi32, #tpu.memory_space<vmem>>) semaphore(%arg16 : memref<!tpu.dma_semaphore, #tpu.memory_space<semaphore_mem>>)
    %dma_start3A_11 = arith.constant 1 : i32
    %dma_start3A_12 = arith.constant 0 : i32
    %dma_start3A_13 = tpu.memref_slice %arg10[%dma_start3A_11, %dma_start3A_12] : memref<80x125xi32, #tpu.memory_space<vmem>> -> memref<1x125xi32, #tpu.memory_space<vmem>>
    %dma_start3A_14 = tpu.memref_squeeze %dma_start3A_13 : memref<1x125xi32, #tpu.memory_space<vmem>> -> memref<125xi32, #tpu.memory_space<vmem>>
    %dma_start3A_15 = arith.constant 0 : i32
    %dma_start3A_16 = arith.constant 0 : i32
    %dma_start3A_17 = tpu.memref_slice %arg2[%dma_start3A_15, %dma_start3A_16] : memref<256x128xf32, #tpu.memory_space<hbm>> -> memref<256x128xf32, #tpu.memory_space<hbm>>
    tpu.enqueue_indirect_dma source(%dma_start3A_17 : memref<256x128xf32, #tpu.memory_space<hbm>>) target(%arg13 : memref<125x128xf32, #tpu.memory_space<vmem>>) offsets(%dma_start3A_14 : memref<125xi32, #tpu.memory_space<vmem>>) semaphore(%arg17 : memref<!tpu.dma_semaphore, #tpu.memory_space<semaphore_mem>>)
    %scan3A = arith.constant 0 : i32
    %scan3A_18 = arith.constant 0 : i32
    %scan3A_19 = arith.constant 39 : i32
    %scan3A_20 = arith.addi %scan3A_18, %scan3A_19 : i32
    %scan3A_21 = arith.constant 1 : i32
    %scan3A_22 = scf.for %scan3A_94 = %scan3A_18 to %scan3A_20 step %scan3A_21 iter_args(%scan3A_95 = %scan3A) -> (i32)  : i32 {
      %mul3A_96 = arith.constant 2 : i32
      %mul3A_97 = arith.muli %mul3A_96, %scan3A_94 : i32
      %add3A_98 = arith.constant 0 : i32
      %add3A_99 = arith.addi %mul3A_97, %add3A_98 : i32
      %dma_wait3A_100 = arith.constant 0 : i32
      %dma_wait3A_101 = tpu.memref_slice %arg10[%add3A_99, %dma_wait3A_100] : memref<80x125xi32, #tpu.memory_space<vmem>> -> memref<1x125xi32, #tpu.memory_space<vmem>>
      %dma_wait3A_102 = tpu.memref_squeeze %dma_wait3A_101 : memref<1x125xi32, #tpu.memory_space<vmem>> -> memref<125xi32, #tpu.memory_space<vmem>>
      %dma_wait3A_103 = arith.constant 0 : i32
      %dma_wait3A_104 = arith.constant 0 : i32
      %dma_wait3A_105 = tpu.memref_slice %arg2[%dma_wait3A_103, %dma_wait3A_104] : memref<256x128xf32, #tpu.memory_space<hbm>> -> memref<256x128xf32, #tpu.memory_space<hbm>>
      tpu.wait_indirect_dma semaphore(%arg16 : memref<!tpu.dma_semaphore, #tpu.memory_space<semaphore_mem>>) src(%dma_wait3A_105 : memref<256x128xf32, #tpu.memory_space<hbm>>) dst(%arg12 : memref<125x128xf32, #tpu.memory_space<vmem>>)
      "tpu.region"() ({
        %run_scoped3A_133 = tpu.sem_alloc : memref<!tpu.dma_semaphore, #tpu.memory_space<semaphore_mem>>
        %dma_start3A_134 = arith.constant 0 : i32
        %dma_start3A_135 = tpu.memref_slice %arg11[%add3A_99, %dma_start3A_134] : memref<80x125xi32, #tpu.memory_space<vmem>> -> memref<1x125xi32, #tpu.memory_space<vmem>>
        %dma_start3A_136 = tpu.memref_squeeze %dma_start3A_135 : memref<1x125xi32, #tpu.memory_space<vmem>> -> memref<125xi32, #tpu.memory_space<vmem>>
        %dma_start3A_137 = arith.constant 0 : i32
        %dma_start3A_138 = arith.constant 0 : i32
        %dma_start3A_139 = tpu.memref_slice %arg15[%dma_start3A_137, %dma_start3A_138] : memref<1280x128xf32, #tpu.memory_space<vmem_shared>> -> memref<1280x128xf32, #tpu.memory_space<vmem_shared>>
        tpu.enqueue_indirect_dma source(%arg12 : memref<125x128xf32, #tpu.memory_space<vmem>>) target(%dma_start3A_139 : memref<1280x128xf32, #tpu.memory_space<vmem_shared>>) offsets(%dma_start3A_136 : memref<125xi32, #tpu.memory_space<vmem>>) semaphore(%run_scoped3A_133 : memref<!tpu.dma_semaphore, #tpu.memory_space<semaphore_mem>>) {add = true}
        %dma_wait3A_140 = arith.constant 0 : i32
        %dma_wait3A_141 = tpu.memref_slice %arg11[%add3A_99, %dma_wait3A_140] : memref<80x125xi32, #tpu.memory_space<vmem>> -> memref<1x125xi32, #tpu.memory_space<vmem>>
        %dma_wait3A_142 = tpu.memref_squeeze %dma_wait3A_141 : memref<1x125xi32, #tpu.memory_space<vmem>> -> memref<125xi32, #tpu.memory_space<vmem>>
        %dma_wait3A_143 = arith.constant 0 : i32
        %dma_wait3A_144 = arith.constant 0 : i32
        %dma_wait3A_145 = tpu.memref_slice %arg15[%dma_wait3A_143, %dma_wait3A_144] : memref<1280x128xf32, #tpu.memory_space<vmem_shared>> -> memref<1280x128xf32, #tpu.memory_space<vmem_shared>>
        tpu.wait_indirect_dma semaphore(%run_scoped3A_133 : memref<!tpu.dma_semaphore, #tpu.memory_space<semaphore_mem>>) src(%arg12 : memref<125x128xf32, #tpu.memory_space<vmem>>) dst(%dma_wait3A_145 : memref<1280x128xf32, #tpu.memory_space<vmem_shared>>)
        tpu.yield
      }) : () -> ()
      %add3A_106 = arith.constant 2 : i32
      %add3A_107 = arith.addi %add3A_99, %add3A_106 : i32
      %dma_start3A_108 = arith.constant 0 : i32
      %dma_start3A_109 = tpu.memref_slice %arg10[%add3A_107, %dma_start3A_108] : memref<80x125xi32, #tpu.memory_space<vmem>> -> memref<1x125xi32, #tpu.memory_space<vmem>>
      %dma_start3A_110 = tpu.memref_squeeze %dma_start3A_109 : memref<1x125xi32, #tpu.memory_space<vmem>> -> memref<125xi32, #tpu.memory_space<vmem>>
      %dma_start3A_111 = arith.constant 0 : i32
      %dma_start3A_112 = arith.constant 0 : i32
      %dma_start3A_113 = tpu.memref_slice %arg2[%dma_start3A_111, %dma_start3A_112] : memref<256x128xf32, #tpu.memory_space<hbm>> -> memref<256x128xf32, #tpu.memory_space<hbm>>
      tpu.enqueue_indirect_dma source(%dma_start3A_113 : memref<256x128xf32, #tpu.memory_space<hbm>>) target(%arg12 : memref<125x128xf32, #tpu.memory_space<vmem>>) offsets(%dma_start3A_110 : memref<125xi32, #tpu.memory_space<vmem>>) semaphore(%arg16 : memref<!tpu.dma_semaphore, #tpu.memory_space<semaphore_mem>>)
      %mul3A_114 = arith.constant 2 : i32
      %mul3A_115 = arith.muli %mul3A_114, %scan3A_94 : i32
      %add3A_116 = arith.constant 1 : i32
      %add3A_117 = arith.addi %mul3A_115, %add3A_116 : i32
      %dma_wait3A_118 = arith.constant 0 : i32
      %dma_wait3A_119 = tpu.memref_slice %arg10[%add3A_117, %dma_wait3A_118] : memref<80x125xi32, #tpu.memory_space<vmem>> -> memref<1x125xi32, #tpu.memory_space<vmem>>
      %dma_wait3A_120 = tpu.memref_squeeze %dma_wait3A_119 : memref<1x125xi32, #tpu.memory_space<vmem>> -> memref<125xi32, #tpu.memory_space<vmem>>
      %dma_wait3A_121 = arith.constant 0 : i32
      %dma_wait3A_122 = arith.constant 0 : i32
      %dma_wait3A_123 = tpu.memref_slice %arg2[%dma_wait3A_121, %dma_wait3A_122] : memref<256x128xf32, #tpu.memory_space<hbm>> -> memref<256x128xf32, #tpu.memory_space<hbm>>
      tpu.wait_indirect_dma semaphore(%arg17 : memref<!tpu.dma_semaphore, #tpu.memory_space<semaphore_mem>>) src(%dma_wait3A_123 : memref<256x128xf32, #tpu.memory_space<hbm>>) dst(%arg13 : memref<125x128xf32, #tpu.memory_space<vmem>>)
      "tpu.region"() ({
        %run_scoped3A_133 = tpu.sem_alloc : memref<!tpu.dma_semaphore, #tpu.memory_space<semaphore_mem>>
        %dma_start3A_134 = arith.constant 0 : i32
        %dma_start3A_135 = tpu.memref_slice %arg11[%add3A_117, %dma_start3A_134] : memref<80x125xi32, #tpu.memory_space<vmem>> -> memref<1x125xi32, #tpu.memory_space<vmem>>
        %dma_start3A_136 = tpu.memref_squeeze %dma_start3A_135 : memref<1x125xi32, #tpu.memory_space<vmem>> -> memref<125xi32, #tpu.memory_space<vmem>>
        %dma_start3A_137 = arith.constant 0 : i32
        %dma_start3A_138 = arith.constant 0 : i32
        %dma_start3A_139 = tpu.memref_slice %arg15[%dma_start3A_137, %dma_start3A_138] : memref<1280x128xf32, #tpu.memory_space<vmem_shared>> -> memref<1280x128xf32, #tpu.memory_space<vmem_shared>>
        tpu.enqueue_indirect_dma source(%arg13 : memref<125x128xf32, #tpu.memory_space<vmem>>) target(%dma_start3A_139 : memref<1280x128xf32, #tpu.memory_space<vmem_shared>>) offsets(%dma_start3A_136 : memref<125xi32, #tpu.memory_space<vmem>>) semaphore(%run_scoped3A_133 : memref<!tpu.dma_semaphore, #tpu.memory_space<semaphore_mem>>) {add = true}
        %dma_wait3A_140 = arith.constant 0 : i32
        %dma_wait3A_141 = tpu.memref_slice %arg11[%add3A_117, %dma_wait3A_140] : memref<80x125xi32, #tpu.memory_space<vmem>> -> memref<1x125xi32, #tpu.memory_space<vmem>>
        %dma_wait3A_142 = tpu.memref_squeeze %dma_wait3A_141 : memref<1x125xi32, #tpu.memory_space<vmem>> -> memref<125xi32, #tpu.memory_space<vmem>>
        %dma_wait3A_143 = arith.constant 0 : i32
        %dma_wait3A_144 = arith.constant 0 : i32
        %dma_wait3A_145 = tpu.memref_slice %arg15[%dma_wait3A_143, %dma_wait3A_144] : memref<1280x128xf32, #tpu.memory_space<vmem_shared>> -> memref<1280x128xf32, #tpu.memory_space<vmem_shared>>
        tpu.wait_indirect_dma semaphore(%run_scoped3A_133 : memref<!tpu.dma_semaphore, #tpu.memory_space<semaphore_mem>>) src(%arg13 : memref<125x128xf32, #tpu.memory_space<vmem>>) dst(%dma_wait3A_145 : memref<1280x128xf32, #tpu.memory_space<vmem_shared>>)
        tpu.yield
      }) : () -> ()
      %add3A_124 = arith.constant 2 : i32
      %add3A_125 = arith.addi %add3A_117, %add3A_124 : i32
      %dma_start3A_126 = arith.constant 0 : i32
      %dma_start3A_127 = tpu.memref_slice %arg10[%add3A_125, %dma_start3A_126] : memref<80x125xi32, #tpu.memory_space<vmem>> -> memref<1x125xi32, #tpu.memory_space<vmem>>
      %dma_start3A_128 = tpu.memref_squeeze %dma_start3A_127 : memref<1x125xi32, #tpu.memory_space<vmem>> -> memref<125xi32, #tpu.memory_space<vmem>>
      %dma_start3A_129 = arith.constant 0 : i32
      %dma_start3A_130 = arith.constant 0 : i32
      %dma_start3A_131 = tpu.memref_slice %arg2[%dma_start3A_129, %dma_start3A_130] : memref<256x128xf32, #tpu.memory_space<hbm>> -> memref<256x128xf32, #tpu.memory_space<hbm>>
      tpu.enqueue_indirect_dma source(%dma_start3A_131 : memref<256x128xf32, #tpu.memory_space<hbm>>) target(%arg13 : memref<125x128xf32, #tpu.memory_space<vmem>>) offsets(%dma_start3A_128 : memref<125xi32, #tpu.memory_space<vmem>>) semaphore(%arg17 : memref<!tpu.dma_semaphore, #tpu.memory_space<semaphore_mem>>)
      %scan3A_132 = arith.constant 0 : i32
      scf.yield %scan3A_132 : i32
    }
    %scan3A_23 = arith.constant 39 : i32
    %dma_wait3A = arith.constant 78 : i32
    %dma_wait3A_24 = arith.constant 0 : i32
    %dma_wait3A_25 = tpu.memref_slice %arg10[%dma_wait3A, %dma_wait3A_24] : memref<80x125xi32, #tpu.memory_space<vmem>> -> memref<1x125xi32, #tpu.memory_space<vmem>>
    %dma_wait3A_26 = tpu.memref_squeeze %dma_wait3A_25 : memref<1x125xi32, #tpu.memory_space<vmem>> -> memref<125xi32, #tpu.memory_space<vmem>>
    %dma_wait3A_27 = arith.constant 0 : i32
    %dma_wait3A_28 = arith.constant 0 : i32
    %dma_wait3A_29 = tpu.memref_slice %arg2[%dma_wait3A_27, %dma_wait3A_28] : memref<256x128xf32, #tpu.memory_space<hbm>> -> memref<256x128xf32, #tpu.memory_space<hbm>>
    tpu.wait_indirect_dma semaphore(%arg16 : memref<!tpu.dma_semaphore, #tpu.memory_space<semaphore_mem>>) src(%dma_wait3A_29 : memref<256x128xf32, #tpu.memory_space<hbm>>) dst(%arg12 : memref<125x128xf32, #tpu.memory_space<vmem>>)
    %run_scoped3A = arith.constant 78 : i32
    "tpu.region"() ({
      %run_scoped3A_94 = tpu.sem_alloc : memref<!tpu.dma_semaphore, #tpu.memory_space<semaphore_mem>>
      %dma_start3A_95 = arith.constant 0 : i32
      %dma_start3A_96 = tpu.memref_slice %arg11[%run_scoped3A, %dma_start3A_95] : memref<80x125xi32, #tpu.memory_space<vmem>> -> memref<1x125xi32, #tpu.memory_space<vmem>>
      %dma_start3A_97 = tpu.memref_squeeze %dma_start3A_96 : memref<1x125xi32, #tpu.memory_space<vmem>> -> memref<125xi32, #tpu.memory_space<vmem>>
      %dma_start3A_98 = arith.constant 0 : i32
      %dma_start3A_99 = arith.constant 0 : i32
      %dma_start3A_100 = tpu.memref_slice %arg15[%dma_start3A_98, %dma_start3A_99] : memref<1280x128xf32, #tpu.memory_space<vmem_shared>> -> memref<1280x128xf32, #tpu.memory_space<vmem_shared>>
      tpu.enqueue_indirect_dma source(%arg12 : memref<125x128xf32, #tpu.memory_space<vmem>>) target(%dma_start3A_100 : memref<1280x128xf32, #tpu.memory_space<vmem_shared>>) offsets(%dma_start3A_97 : memref<125xi32, #tpu.memory_space<vmem>>) semaphore(%run_scoped3A_94 : memref<!tpu.dma_semaphore, #tpu.memory_space<semaphore_mem>>) {add = true}
      %dma_wait3A_101 = arith.constant 0 : i32
      %dma_wait3A_102 = tpu.memref_slice %arg11[%run_scoped3A, %dma_wait3A_101] : memref<80x125xi32, #tpu.memory_space<vmem>> -> memref<1x125xi32, #tpu.memory_space<vmem>>
      %dma_wait3A_103 = tpu.memref_squeeze %dma_wait3A_102 : memref<1x125xi32, #tpu.memory_space<vmem>> -> memref<125xi32, #tpu.memory_space<vmem>>
      %dma_wait3A_104 = arith.constant 0 : i32
      %dma_wait3A_105 = arith.constant 0 : i32
      %dma_wait3A_106 = tpu.memref_slice %arg15[%dma_wait3A_104, %dma_wait3A_105] : memref<1280x128xf32, #tpu.memory_space<vmem_shared>> -> memref<1280x128xf32, #tpu.memory_space<vmem_shared>>
      tpu.wait_indirect_dma semaphore(%run_scoped3A_94 : memref<!tpu.dma_semaphore, #tpu.memory_space<semaphore_mem>>) src(%arg12 : memref<125x128xf32, #tpu.memory_space<vmem>>) dst(%dma_wait3A_106 : memref<1280x128xf32, #tpu.memory_space<vmem_shared>>)
      tpu.yield
    }) : () -> ()
    %dma_wait3A_30 = arith.constant 79 : i32
    %dma_wait3A_31 = arith.constant 0 : i32
    %dma_wait3A_32 = tpu.memref_slice %arg10[%dma_wait3A_30, %dma_wait3A_31] : memref<80x125xi32, #tpu.memory_space<vmem>> -> memref<1x125xi32, #tpu.memory_space<vmem>>
    %dma_wait3A_33 = tpu.memref_squeeze %dma_wait3A_32 : memref<1x125xi32, #tpu.memory_space<vmem>> -> memref<125xi32, #tpu.memory_space<vmem>>
    %dma_wait3A_34 = arith.constant 0 : i32
    %dma_wait3A_35 = arith.constant 0 : i32
    %dma_wait3A_36 = tpu.memref_slice %arg2[%dma_wait3A_34, %dma_wait3A_35] : memref<256x128xf32, #tpu.memory_space<hbm>> -> memref<256x128xf32, #tpu.memory_space<hbm>>
    tpu.wait_indirect_dma semaphore(%arg17 : memref<!tpu.dma_semaphore, #tpu.memory_space<semaphore_mem>>) src(%dma_wait3A_36 : memref<256x128xf32, #tpu.memory_space<hbm>>) dst(%arg13 : memref<125x128xf32, #tpu.memory_space<vmem>>)
    %run_scoped3A_37 = arith.constant 79 : i32
    "tpu.region"() ({
      %run_scoped3A_94 = tpu.sem_alloc : memref<!tpu.dma_semaphore, #tpu.memory_space<semaphore_mem>>
      %dma_start3A_95 = arith.constant 0 : i32
      %dma_start3A_96 = tpu.memref_slice %arg11[%run_scoped3A_37, %dma_start3A_95] : memref<80x125xi32, #tpu.memory_space<vmem>> -> memref<1x125xi32, #tpu.memory_space<vmem>>
      %dma_start3A_97 = tpu.memref_squeeze %dma_start3A_96 : memref<1x125xi32, #tpu.memory_space<vmem>> -> memref<125xi32, #tpu.memory_space<vmem>>
      %dma_start3A_98 = arith.constant 0 : i32
      %dma_start3A_99 = arith.constant 0 : i32
      %dma_start3A_100 = tpu.memref_slice %arg15[%dma_start3A_98, %dma_start3A_99] : memref<1280x128xf32, #tpu.memory_space<vmem_shared>> -> memref<1280x128xf32, #tpu.memory_space<vmem_shared>>
      tpu.enqueue_indirect_dma source(%arg13 : memref<125x128xf32, #tpu.memory_space<vmem>>) target(%dma_start3A_100 : memref<1280x128xf32, #tpu.memory_space<vmem_shared>>) offsets(%dma_start3A_97 : memref<125xi32, #tpu.memory_space<vmem>>) semaphore(%run_scoped3A_94 : memref<!tpu.dma_semaphore, #tpu.memory_space<semaphore_mem>>) {add = true}
      %dma_wait3A_101 = arith.constant 0 : i32
      %dma_wait3A_102 = tpu.memref_slice %arg11[%run_scoped3A_37, %dma_wait3A_101] : memref<80x125xi32, #tpu.memory_space<vmem>> -> memref<1x125xi32, #tpu.memory_space<vmem>>
      %dma_wait3A_103 = tpu.memref_squeeze %dma_wait3A_102 : memref<1x125xi32, #tpu.memory_space<vmem>> -> memref<125xi32, #tpu.memory_space<vmem>>
      %dma_wait3A_104 = arith.constant 0 : i32
      %dma_wait3A_105 = arith.constant 0 : i32
      %dma_wait3A_106 = tpu.memref_slice %arg15[%dma_wait3A_104, %dma_wait3A_105] : memref<1280x128xf32, #tpu.memory_space<vmem_shared>> -> memref<1280x128xf32, #tpu.memory_space<vmem_shared>>
      tpu.wait_indirect_dma semaphore(%run_scoped3A_94 : memref<!tpu.dma_semaphore, #tpu.memory_space<semaphore_mem>>) src(%arg13 : memref<125x128xf32, #tpu.memory_space<vmem>>) dst(%dma_wait3A_106 : memref<1280x128xf32, #tpu.memory_space<vmem_shared>>)
      tpu.yield
    }) : () -> ()
    %barrier3A_38 = arith.constant 0 : index
    tpu.barrier barrier_id(%barrier3A_38)
    %mul3A_39 = arith.constant 80 : i32
    %mul3A_40 = arith.muli %arg1, %mul3A_39 : i32
    "tpu.region"() ({
      %run_scoped3A_94 = tpu.sem_alloc : memref<!tpu.dma_semaphore, #tpu.memory_space<semaphore_mem>>
      %dma_start3A_95 = arith.constant 0 : i32
      %dma_start3A_96 = tpu.memref_slice %arg15[%mul3A_40, %dma_start3A_95] : memref<1280x128xf32, #tpu.memory_space<vmem_shared>> -> memref<80x128xf32, #tpu.memory_space<vmem_shared>>
      %dma_start3A_97 = arith.constant 0 : i32
      %dma_start3A_98 = tpu.memref_slice %arg15[%mul3A_40, %dma_start3A_97] : memref<1280x128xf32, #tpu.memory_space<vmem_shared>> -> memref<80x128xf32, #tpu.memory_space<vmem_shared>>
      tpu.enqueue_dma source(%dma_start3A_98 : memref<80x128xf32, #tpu.memory_space<vmem_shared>>) target(%arg14 : memref<80x128xf32, #tpu.memory_space<vmem>>) target_semaphore(%run_scoped3A_94 : memref<!tpu.dma_semaphore, #tpu.memory_space<semaphore_mem>>)
      %dma_wait3A_99 = arith.constant 0 : i32
      %dma_wait3A_100 = tpu.memref_slice %arg15[%mul3A_40, %dma_wait3A_99] : memref<1280x128xf32, #tpu.memory_space<vmem_shared>> -> memref<80x128xf32, #tpu.memory_space<vmem_shared>>
      %dma_wait3A_101 = arith.constant 0 : i32
      %dma_wait3A_102 = tpu.memref_slice %arg15[%mul3A_40, %dma_wait3A_101] : memref<1280x128xf32, #tpu.memory_space<vmem_shared>> -> memref<80x128xf32, #tpu.memory_space<vmem_shared>>
      tpu.wait_dma2 semaphore(%run_scoped3A_94 : memref<!tpu.dma_semaphore, #tpu.memory_space<semaphore_mem>>) src(%dma_wait3A_102 : memref<80x128xf32, #tpu.memory_space<vmem_shared>>) dst(%arg14 : memref<80x128xf32, #tpu.memory_space<vmem>>)
      tpu.yield
    }) : () -> ()
    %mul3A_41 = arith.constant 1280 : i32
    %mul3A_42 = arith.muli %arg0, %mul3A_41 : i32
    %mul3A_43 = arith.constant 80 : i32
    %mul3A_44 = arith.muli %arg1, %mul3A_43 : i32
    %add3A_45 = arith.addi %mul3A_42, %mul3A_44 : i32
    "tpu.region"() ({
      %run_scoped3A_94 = tpu.sem_alloc : memref<!tpu.dma_semaphore, #tpu.memory_space<semaphore_mem>>
      %dma_start3A_95 = arith.constant 0 : i32
      %dma_start3A_96 = tpu.memref_slice %arg8[%add3A_45, %dma_start3A_95] : memref<2560x128xf32, #tpu.memory_space<hbm>> -> memref<80x128xf32, #tpu.memory_space<hbm>>
      %dma_start3A_97 = arith.constant 0 : i32
      %dma_start3A_98 = tpu.memref_slice %arg8[%add3A_45, %dma_start3A_97] : memref<2560x128xf32, #tpu.memory_space<hbm>> -> memref<80x128xf32, #tpu.memory_space<hbm>>
      tpu.enqueue_dma source(%arg14 : memref<80x128xf32, #tpu.memory_space<vmem>>) target(%dma_start3A_98 : memref<80x128xf32, #tpu.memory_space<hbm>>) target_semaphore(%run_scoped3A_94 : memref<!tpu.dma_semaphore, #tpu.memory_space<semaphore_mem>>)
      %dma_wait3A_99 = arith.constant 0 : i32
      %dma_wait3A_100 = tpu.memref_slice %arg8[%add3A_45, %dma_wait3A_99] : memref<2560x128xf32, #tpu.memory_space<hbm>> -> memref<80x128xf32, #tpu.memory_space<hbm>>
      %dma_wait3A_101 = arith.constant 0 : i32
      %dma_wait3A_102 = tpu.memref_slice %arg8[%add3A_45, %dma_wait3A_101] : memref<2560x128xf32, #tpu.memory_space<hbm>> -> memref<80x128xf32, #tpu.memory_space<hbm>>
      tpu.wait_dma2 semaphore(%run_scoped3A_94 : memref<!tpu.dma_semaphore, #tpu.memory_space<semaphore_mem>>) src(%arg14 : memref<80x128xf32, #tpu.memory_space<vmem>>) dst(%dma_wait3A_102 : memref<80x128xf32, #tpu.memory_space<hbm>>)
      tpu.yield
    }) : () -> ()
    "tpu.region"() ({
      %run_scoped3A_94 = tpu.sem_alloc : memref<!tpu.dma_semaphore, #tpu.memory_space<semaphore_mem>>
      %dma_start3A_95 = arith.constant 0 : i32
      %dma_start3A_96 = tpu.memref_slice %arg5[%mul3A_2, %dma_start3A_95] : memref<2560x125xi32, #tpu.memory_space<hbm>> -> memref<80x125xi32, #tpu.memory_space<hbm>>
      %dma_start3A_97 = arith.constant 0 : i32
      %dma_start3A_98 = tpu.memref_slice %arg5[%mul3A_2, %dma_start3A_97] : memref<2560x125xi32, #tpu.memory_space<hbm>> -> memref<80x125xi32, #tpu.memory_space<hbm>>
      tpu.enqueue_dma source(%dma_start3A_98 : memref<80x125xi32, #tpu.memory_space<hbm>>) target(%arg10 : memref<80x125xi32, #tpu.memory_space<vmem>>) target_semaphore(%run_scoped3A_94 : memref<!tpu.dma_semaphore, #tpu.memory_space<semaphore_mem>>)
      %dma_wait3A_99 = arith.constant 0 : i32
      %dma_wait3A_100 = tpu.memref_slice %arg5[%mul3A_2, %dma_wait3A_99] : memref<2560x125xi32, #tpu.memory_space<hbm>> -> memref<80x125xi32, #tpu.memory_space<hbm>>
      %dma_wait3A_101 = arith.constant 0 : i32
      %dma_wait3A_102 = tpu.memref_slice %arg5[%mul3A_2, %dma_wait3A_101] : memref<2560x125xi32, #tpu.memory_space<hbm>> -> memref<80x125xi32, #tpu.memory_space<hbm>>
      tpu.wait_dma2 semaphore(%run_scoped3A_94 : memref<!tpu.dma_semaphore, #tpu.memory_space<semaphore_mem>>) src(%dma_wait3A_102 : memref<80x125xi32, #tpu.memory_space<hbm>>) dst(%arg10 : memref<80x125xi32, #tpu.memory_space<vmem>>)
      tpu.yield
    }) : () -> ()
    "tpu.region"() ({
      %run_scoped3A_94 = tpu.sem_alloc : memref<!tpu.dma_semaphore, #tpu.memory_space<semaphore_mem>>
      %dma_start3A_95 = arith.constant 0 : i32
      %dma_start3A_96 = tpu.memref_slice %arg6[%mul3A_2, %dma_start3A_95] : memref<2560x125xi32, #tpu.memory_space<hbm>> -> memref<80x125xi32, #tpu.memory_space<hbm>>
      %dma_start3A_97 = arith.constant 0 : i32
      %dma_start3A_98 = tpu.memref_slice %arg6[%mul3A_2, %dma_start3A_97] : memref<2560x125xi32, #tpu.memory_space<hbm>> -> memref<80x125xi32, #tpu.memory_space<hbm>>
      tpu.enqueue_dma source(%dma_start3A_98 : memref<80x125xi32, #tpu.memory_space<hbm>>) target(%arg11 : memref<80x125xi32, #tpu.memory_space<vmem>>) target_semaphore(%run_scoped3A_94 : memref<!tpu.dma_semaphore, #tpu.memory_space<semaphore_mem>>)
      %dma_wait3A_99 = arith.constant 0 : i32
      %dma_wait3A_100 = tpu.memref_slice %arg6[%mul3A_2, %dma_wait3A_99] : memref<2560x125xi32, #tpu.memory_space<hbm>> -> memref<80x125xi32, #tpu.memory_space<hbm>>
      %dma_wait3A_101 = arith.constant 0 : i32
      %dma_wait3A_102 = tpu.memref_slice %arg6[%mul3A_2, %dma_wait3A_101] : memref<2560x125xi32, #tpu.memory_space<hbm>> -> memref<80x125xi32, #tpu.memory_space<hbm>>
      tpu.wait_dma2 semaphore(%run_scoped3A_94 : memref<!tpu.dma_semaphore, #tpu.memory_space<semaphore_mem>>) src(%dma_wait3A_102 : memref<80x125xi32, #tpu.memory_space<hbm>>) dst(%arg11 : memref<80x125xi32, #tpu.memory_space<vmem>>)
      tpu.yield
    }) : () -> ()
    "tpu.region"() ({
      %run_scoped3A_94 = tpu.sem_alloc : memref<!tpu.dma_semaphore, #tpu.memory_space<semaphore_mem>>
      tpu.enqueue_dma source(%arg7 : memref<80x128xf32, #tpu.memory_space<hbm>>) target(%arg14 : memref<80x128xf32, #tpu.memory_space<vmem>>) target_semaphore(%run_scoped3A_94 : memref<!tpu.dma_semaphore, #tpu.memory_space<semaphore_mem>>)
      tpu.wait_dma2 semaphore(%run_scoped3A_94 : memref<!tpu.dma_semaphore, #tpu.memory_space<semaphore_mem>>) src(%arg7 : memref<80x128xf32, #tpu.memory_space<hbm>>) dst(%arg14 : memref<80x128xf32, #tpu.memory_space<vmem>>)
      tpu.yield
    }) : () -> ()
    %mul3A_46 = arith.constant 80 : i32
    %mul3A_47 = arith.muli %arg1, %mul3A_46 : i32
    "tpu.region"() ({
      %run_scoped3A_94 = tpu.sem_alloc : memref<!tpu.dma_semaphore, #tpu.memory_space<semaphore_mem>>
      %dma_start3A_95 = arith.constant 0 : i32
      %dma_start3A_96 = tpu.memref_slice %arg15[%mul3A_47, %dma_start3A_95] : memref<1280x128xf32, #tpu.memory_space<vmem_shared>> -> memref<80x128xf32, #tpu.memory_space<vmem_shared>>
      %dma_start3A_97 = arith.constant 0 : i32
      %dma_start3A_98 = tpu.memref_slice %arg15[%mul3A_47, %dma_start3A_97] : memref<1280x128xf32, #tpu.memory_space<vmem_shared>> -> memref<80x128xf32, #tpu.memory_space<vmem_shared>>
      tpu.enqueue_dma source(%arg14 : memref<80x128xf32, #tpu.memory_space<vmem>>) target(%dma_start3A_98 : memref<80x128xf32, #tpu.memory_space<vmem_shared>>) target_semaphore(%run_scoped3A_94 : memref<!tpu.dma_semaphore, #tpu.memory_space<semaphore_mem>>)
      %dma_wait3A_99 = arith.constant 0 : i32
      %dma_wait3A_100 = tpu.memref_slice %arg15[%mul3A_47, %dma_wait3A_99] : memref<1280x128xf32, #tpu.memory_space<vmem_shared>> -> memref<80x128xf32, #tpu.memory_space<vmem_shared>>
      %dma_wait3A_101 = arith.constant 0 : i32
      %dma_wait3A_102 = tpu.memref_slice %arg15[%mul3A_47, %dma_wait3A_101] : memref<1280x128xf32, #tpu.memory_space<vmem_shared>> -> memref<80x128xf32, #tpu.memory_space<vmem_shared>>
      tpu.wait_dma2 semaphore(%run_scoped3A_94 : memref<!tpu.dma_semaphore, #tpu.memory_space<semaphore_mem>>) src(%arg14 : memref<80x128xf32, #tpu.memory_space<vmem>>) dst(%dma_wait3A_102 : memref<80x128xf32, #tpu.memory_space<vmem_shared>>)
      tpu.yield
    }) : () -> ()
    %barrier3A_48 = arith.constant 0 : index
    tpu.barrier barrier_id(%barrier3A_48)
    %dma_start3A_49 = arith.constant 0 : i32
    %dma_start3A_50 = arith.constant 0 : i32
    %dma_start3A_51 = tpu.memref_slice %arg10[%dma_start3A_49, %dma_start3A_50] : memref<80x125xi32, #tpu.memory_space<vmem>> -> memref<1x125xi32, #tpu.memory_space<vmem>>
    %dma_start3A_52 = tpu.memref_squeeze %dma_start3A_51 : memref<1x125xi32, #tpu.memory_space<vmem>> -> memref<125xi32, #tpu.memory_space<vmem>>
    %dma_start3A_53 = arith.constant 0 : i32
    %dma_start3A_54 = arith.constant 0 : i32
    %dma_start3A_55 = tpu.memref_slice %arg2[%dma_start3A_53, %dma_start3A_54] : memref<256x128xf32, #tpu.memory_space<hbm>> -> memref<256x128xf32, #tpu.memory_space<hbm>>
    tpu.enqueue_indirect_dma source(%dma_start3A_55 : memref<256x128xf32, #tpu.memory_space<hbm>>) target(%arg12 : memref<125x128xf32, #tpu.memory_space<vmem>>) offsets(%dma_start3A_52 : memref<125xi32, #tpu.memory_space<vmem>>) semaphore(%arg16 : memref<!tpu.dma_semaphore, #tpu.memory_space<semaphore_mem>>)
    %dma_start3A_56 = arith.constant 1 : i32
    %dma_start3A_57 = arith.constant 0 : i32
    %dma_start3A_58 = tpu.memref_slice %arg10[%dma_start3A_56, %dma_start3A_57] : memref<80x125xi32, #tpu.memory_space<vmem>> -> memref<1x125xi32, #tpu.memory_space<vmem>>
    %dma_start3A_59 = tpu.memref_squeeze %dma_start3A_58 : memref<1x125xi32, #tpu.memory_space<vmem>> -> memref<125xi32, #tpu.memory_space<vmem>>
    %dma_start3A_60 = arith.constant 0 : i32
    %dma_start3A_61 = arith.constant 0 : i32
    %dma_start3A_62 = tpu.memref_slice %arg2[%dma_start3A_60, %dma_start3A_61] : memref<256x128xf32, #tpu.memory_space<hbm>> -> memref<256x128xf32, #tpu.memory_space<hbm>>
    tpu.enqueue_indirect_dma source(%dma_start3A_62 : memref<256x128xf32, #tpu.memory_space<hbm>>) target(%arg13 : memref<125x128xf32, #tpu.memory_space<vmem>>) offsets(%dma_start3A_59 : memref<125xi32, #tpu.memory_space<vmem>>) semaphore(%arg17 : memref<!tpu.dma_semaphore, #tpu.memory_space<semaphore_mem>>)
    %scan3A_63 = arith.constant 0 : i32
    %scan3A_64 = arith.constant 0 : i32
    %scan3A_65 = arith.constant 39 : i32
    %scan3A_66 = arith.addi %scan3A_64, %scan3A_65 : i32
    %scan3A_67 = arith.constant 1 : i32
    %scan3A_68 = scf.for %scan3A_94 = %scan3A_64 to %scan3A_66 step %scan3A_67 iter_args(%scan3A_95 = %scan3A_63) -> (i32)  : i32 {
      %mul3A_96 = arith.constant 2 : i32
      %mul3A_97 = arith.muli %mul3A_96, %scan3A_94 : i32
      %add3A_98 = arith.constant 0 : i32
      %add3A_99 = arith.addi %mul3A_97, %add3A_98 : i32
      %dma_wait3A_100 = arith.constant 0 : i32
      %dma_wait3A_101 = tpu.memref_slice %arg10[%add3A_99, %dma_wait3A_100] : memref<80x125xi32, #tpu.memory_space<vmem>> -> memref<1x125xi32, #tpu.memory_space<vmem>>
      %dma_wait3A_102 = tpu.memref_squeeze %dma_wait3A_101 : memref<1x125xi32, #tpu.memory_space<vmem>> -> memref<125xi32, #tpu.memory_space<vmem>>
      %dma_wait3A_103 = arith.constant 0 : i32
      %dma_wait3A_104 = arith.constant 0 : i32
      %dma_wait3A_105 = tpu.memref_slice %arg2[%dma_wait3A_103, %dma_wait3A_104] : memref<256x128xf32, #tpu.memory_space<hbm>> -> memref<256x128xf32, #tpu.memory_space<hbm>>
      tpu.wait_indirect_dma semaphore(%arg16 : memref<!tpu.dma_semaphore, #tpu.memory_space<semaphore_mem>>) src(%dma_wait3A_105 : memref<256x128xf32, #tpu.memory_space<hbm>>) dst(%arg12 : memref<125x128xf32, #tpu.memory_space<vmem>>)
      "tpu.region"() ({
        %run_scoped3A_133 = tpu.sem_alloc : memref<!tpu.dma_semaphore, #tpu.memory_space<semaphore_mem>>
        %dma_start3A_134 = arith.constant 0 : i32
        %dma_start3A_135 = tpu.memref_slice %arg11[%add3A_99, %dma_start3A_134] : memref<80x125xi32, #tpu.memory_space<vmem>> -> memref<1x125xi32, #tpu.memory_space<vmem>>
        %dma_start3A_136 = tpu.memref_squeeze %dma_start3A_135 : memref<1x125xi32, #tpu.memory_space<vmem>> -> memref<125xi32, #tpu.memory_space<vmem>>
        %dma_start3A_137 = arith.constant 0 : i32
        %dma_start3A_138 = arith.constant 0 : i32
        %dma_start3A_139 = tpu.memref_slice %arg15[%dma_start3A_137, %dma_start3A_138] : memref<1280x128xf32, #tpu.memory_space<vmem_shared>> -> memref<1280x128xf32, #tpu.memory_space<vmem_shared>>
        tpu.enqueue_indirect_dma source(%arg12 : memref<125x128xf32, #tpu.memory_space<vmem>>) target(%dma_start3A_139 : memref<1280x128xf32, #tpu.memory_space<vmem_shared>>) offsets(%dma_start3A_136 : memref<125xi32, #tpu.memory_space<vmem>>) semaphore(%run_scoped3A_133 : memref<!tpu.dma_semaphore, #tpu.memory_space<semaphore_mem>>) {add = true}
        %dma_wait3A_140 = arith.constant 0 : i32
        %dma_wait3A_141 = tpu.memref_slice %arg11[%add3A_99, %dma_wait3A_140] : memref<80x125xi32, #tpu.memory_space<vmem>> -> memref<1x125xi32, #tpu.memory_space<vmem>>
        %dma_wait3A_142 = tpu.memref_squeeze %dma_wait3A_141 : memref<1x125xi32, #tpu.memory_space<vmem>> -> memref<125xi32, #tpu.memory_space<vmem>>
        %dma_wait3A_143 = arith.constant 0 : i32
        %dma_wait3A_144 = arith.constant 0 : i32
        %dma_wait3A_145 = tpu.memref_slice %arg15[%dma_wait3A_143, %dma_wait3A_144] : memref<1280x128xf32, #tpu.memory_space<vmem_shared>> -> memref<1280x128xf32, #tpu.memory_space<vmem_shared>>
        tpu.wait_indirect_dma semaphore(%run_scoped3A_133 : memref<!tpu.dma_semaphore, #tpu.memory_space<semaphore_mem>>) src(%arg12 : memref<125x128xf32, #tpu.memory_space<vmem>>) dst(%dma_wait3A_145 : memref<1280x128xf32, #tpu.memory_space<vmem_shared>>)
        tpu.yield
      }) : () -> ()
      %add3A_106 = arith.constant 2 : i32
      %add3A_107 = arith.addi %add3A_99, %add3A_106 : i32
      %dma_start3A_108 = arith.constant 0 : i32
      %dma_start3A_109 = tpu.memref_slice %arg10[%add3A_107, %dma_start3A_108] : memref<80x125xi32, #tpu.memory_space<vmem>> -> memref<1x125xi32, #tpu.memory_space<vmem>>
      %dma_start3A_110 = tpu.memref_squeeze %dma_start3A_109 : memref<1x125xi32, #tpu.memory_space<vmem>> -> memref<125xi32, #tpu.memory_space<vmem>>
      %dma_start3A_111 = arith.constant 0 : i32
      %dma_start3A_112 = arith.constant 0 : i32
      %dma_start3A_113 = tpu.memref_slice %arg2[%dma_start3A_111, %dma_start3A_112] : memref<256x128xf32, #tpu.memory_space<hbm>> -> memref<256x128xf32, #tpu.memory_space<hbm>>
      tpu.enqueue_indirect_dma source(%dma_start3A_113 : memref<256x128xf32, #tpu.memory_space<hbm>>) target(%arg12 : memref<125x128xf32, #tpu.memory_space<vmem>>) offsets(%dma_start3A_110 : memref<125xi32, #tpu.memory_space<vmem>>) semaphore(%arg16 : memref<!tpu.dma_semaphore, #tpu.memory_space<semaphore_mem>>)
      %mul3A_114 = arith.constant 2 : i32
      %mul3A_115 = arith.muli %mul3A_114, %scan3A_94 : i32
      %add3A_116 = arith.constant 1 : i32
      %add3A_117 = arith.addi %mul3A_115, %add3A_116 : i32
      %dma_wait3A_118 = arith.constant 0 : i32
      %dma_wait3A_119 = tpu.memref_slice %arg10[%add3A_117, %dma_wait3A_118] : memref<80x125xi32, #tpu.memory_space<vmem>> -> memref<1x125xi32, #tpu.memory_space<vmem>>
      %dma_wait3A_120 = tpu.memref_squeeze %dma_wait3A_119 : memref<1x125xi32, #tpu.memory_space<vmem>> -> memref<125xi32, #tpu.memory_space<vmem>>
      %dma_wait3A_121 = arith.constant 0 : i32
      %dma_wait3A_122 = arith.constant 0 : i32
      %dma_wait3A_123 = tpu.memref_slice %arg2[%dma_wait3A_121, %dma_wait3A_122] : memref<256x128xf32, #tpu.memory_space<hbm>> -> memref<256x128xf32, #tpu.memory_space<hbm>>
      tpu.wait_indirect_dma semaphore(%arg17 : memref<!tpu.dma_semaphore, #tpu.memory_space<semaphore_mem>>) src(%dma_wait3A_123 : memref<256x128xf32, #tpu.memory_space<hbm>>) dst(%arg13 : memref<125x128xf32, #tpu.memory_space<vmem>>)
      "tpu.region"() ({
        %run_scoped3A_133 = tpu.sem_alloc : memref<!tpu.dma_semaphore, #tpu.memory_space<semaphore_mem>>
        %dma_start3A_134 = arith.constant 0 : i32
        %dma_start3A_135 = tpu.memref_slice %arg11[%add3A_117, %dma_start3A_134] : memref<80x125xi32, #tpu.memory_space<vmem>> -> memref<1x125xi32, #tpu.memory_space<vmem>>
        %dma_start3A_136 = tpu.memref_squeeze %dma_start3A_135 : memref<1x125xi32, #tpu.memory_space<vmem>> -> memref<125xi32, #tpu.memory_space<vmem>>
        %dma_start3A_137 = arith.constant 0 : i32
        %dma_start3A_138 = arith.constant 0 : i32
        %dma_start3A_139 = tpu.memref_slice %arg15[%dma_start3A_137, %dma_start3A_138] : memref<1280x128xf32, #tpu.memory_space<vmem_shared>> -> memref<1280x128xf32, #tpu.memory_space<vmem_shared>>
        tpu.enqueue_indirect_dma source(%arg13 : memref<125x128xf32, #tpu.memory_space<vmem>>) target(%dma_start3A_139 : memref<1280x128xf32, #tpu.memory_space<vmem_shared>>) offsets(%dma_start3A_136 : memref<125xi32, #tpu.memory_space<vmem>>) semaphore(%run_scoped3A_133 : memref<!tpu.dma_semaphore, #tpu.memory_space<semaphore_mem>>) {add = true}
        %dma_wait3A_140 = arith.constant 0 : i32
        %dma_wait3A_141 = tpu.memref_slice %arg11[%add3A_117, %dma_wait3A_140] : memref<80x125xi32, #tpu.memory_space<vmem>> -> memref<1x125xi32, #tpu.memory_space<vmem>>
        %dma_wait3A_142 = tpu.memref_squeeze %dma_wait3A_141 : memref<1x125xi32, #tpu.memory_space<vmem>> -> memref<125xi32, #tpu.memory_space<vmem>>
        %dma_wait3A_143 = arith.constant 0 : i32
        %dma_wait3A_144 = arith.constant 0 : i32
        %dma_wait3A_145 = tpu.memref_slice %arg15[%dma_wait3A_143, %dma_wait3A_144] : memref<1280x128xf32, #tpu.memory_space<vmem_shared>> -> memref<1280x128xf32, #tpu.memory_space<vmem_shared>>
        tpu.wait_indirect_dma semaphore(%run_scoped3A_133 : memref<!tpu.dma_semaphore, #tpu.memory_space<semaphore_mem>>) src(%arg13 : memref<125x128xf32, #tpu.memory_space<vmem>>) dst(%dma_wait3A_145 : memref<1280x128xf32, #tpu.memory_space<vmem_shared>>)
        tpu.yield
      }) : () -> ()
      %add3A_124 = arith.constant 2 : i32
      %add3A_125 = arith.addi %add3A_117, %add3A_124 : i32
      %dma_start3A_126 = arith.constant 0 : i32
      %dma_start3A_127 = tpu.memref_slice %arg10[%add3A_125, %dma_start3A_126] : memref<80x125xi32, #tpu.memory_space<vmem>> -> memref<1x125xi32, #tpu.memory_space<vmem>>
      %dma_start3A_128 = tpu.memref_squeeze %dma_start3A_127 : memref<1x125xi32, #tpu.memory_space<vmem>> -> memref<125xi32, #tpu.memory_space<vmem>>
      %dma_start3A_129 = arith.constant 0 : i32
      %dma_start3A_130 = arith.constant 0 : i32
      %dma_start3A_131 = tpu.memref_slice %arg2[%dma_start3A_129, %dma_start3A_130] : memref<256x128xf32, #tpu.memory_space<hbm>> -> memref<256x128xf32, #tpu.memory_space<hbm>>
      tpu.enqueue_indirect_dma source(%dma_start3A_131 : memref<256x128xf32, #tpu.memory_space<hbm>>) target(%arg13 : memref<125x128xf32, #tpu.memory_space<vmem>>) offsets(%dma_start3A_128 : memref<125xi32, #tpu.memory_space<vmem>>) semaphore(%arg17 : memref<!tpu.dma_semaphore, #tpu.memory_space<semaphore_mem>>)
      %scan3A_132 = arith.constant 0 : i32
      scf.yield %scan3A_132 : i32
    }
    %scan3A_69 = arith.constant 39 : i32
    %dma_wait3A_70 = arith.constant 78 : i32
    %dma_wait3A_71 = arith.constant 0 : i32
    %dma_wait3A_72 = tpu.memref_slice %arg10[%dma_wait3A_70, %dma_wait3A_71] : memref<80x125xi32, #tpu.memory_space<vmem>> -> memref<1x125xi32, #tpu.memory_space<vmem>>
    %dma_wait3A_73 = tpu.memref_squeeze %dma_wait3A_72 : memref<1x125xi32, #tpu.memory_space<vmem>> -> memref<125xi32, #tpu.memory_space<vmem>>
    %dma_wait3A_74 = arith.constant 0 : i32
    %dma_wait3A_75 = arith.constant 0 : i32
    %dma_wait3A_76 = tpu.memref_slice %arg2[%dma_wait3A_74, %dma_wait3A_75] : memref<256x128xf32, #tpu.memory_space<hbm>> -> memref<256x128xf32, #tpu.memory_space<hbm>>
    tpu.wait_indirect_dma semaphore(%arg16 : memref<!tpu.dma_semaphore, #tpu.memory_space<semaphore_mem>>) src(%dma_wait3A_76 : memref<256x128xf32, #tpu.memory_space<hbm>>) dst(%arg12 : memref<125x128xf32, #tpu.memory_space<vmem>>)
    %run_scoped3A_77 = arith.constant 78 : i32
    "tpu.region"() ({
      %run_scoped3A_94 = tpu.sem_alloc : memref<!tpu.dma_semaphore, #tpu.memory_space<semaphore_mem>>
      %dma_start3A_95 = arith.constant 0 : i32
      %dma_start3A_96 = tpu.memref_slice %arg11[%run_scoped3A_77, %dma_start3A_95] : memref<80x125xi32, #tpu.memory_space<vmem>> -> memref<1x125xi32, #tpu.memory_space<vmem>>
      %dma_start3A_97 = tpu.memref_squeeze %dma_start3A_96 : memref<1x125xi32, #tpu.memory_space<vmem>> -> memref<125xi32, #tpu.memory_space<vmem>>
      %dma_start3A_98 = arith.constant 0 : i32
      %dma_start3A_99 = arith.constant 0 : i32
      %dma_start3A_100 = tpu.memref_slice %arg15[%dma_start3A_98, %dma_start3A_99] : memref<1280x128xf32, #tpu.memory_space<vmem_shared>> -> memref<1280x128xf32, #tpu.memory_space<vmem_shared>>
      tpu.enqueue_indirect_dma source(%arg12 : memref<125x128xf32, #tpu.memory_space<vmem>>) target(%dma_start3A_100 : memref<1280x128xf32, #tpu.memory_space<vmem_shared>>) offsets(%dma_start3A_97 : memref<125xi32, #tpu.memory_space<vmem>>) semaphore(%run_scoped3A_94 : memref<!tpu.dma_semaphore, #tpu.memory_space<semaphore_mem>>) {add = true}
      %dma_wait3A_101 = arith.constant 0 : i32
      %dma_wait3A_102 = tpu.memref_slice %arg11[%run_scoped3A_77, %dma_wait3A_101] : memref<80x125xi32, #tpu.memory_space<vmem>> -> memref<1x125xi32, #tpu.memory_space<vmem>>
      %dma_wait3A_103 = tpu.memref_squeeze %dma_wait3A_102 : memref<1x125xi32, #tpu.memory_space<vmem>> -> memref<125xi32, #tpu.memory_space<vmem>>
      %dma_wait3A_104 = arith.constant 0 : i32
      %dma_wait3A_105 = arith.constant 0 : i32
      %dma_wait3A_106 = tpu.memref_slice %arg15[%dma_wait3A_104, %dma_wait3A_105] : memref<1280x128xf32, #tpu.memory_space<vmem_shared>> -> memref<1280x128xf32, #tpu.memory_space<vmem_shared>>
      tpu.wait_indirect_dma semaphore(%run_scoped3A_94 : memref<!tpu.dma_semaphore, #tpu.memory_space<semaphore_mem>>) src(%arg12 : memref<125x128xf32, #tpu.memory_space<vmem>>) dst(%dma_wait3A_106 : memref<1280x128xf32, #tpu.memory_space<vmem_shared>>)
      tpu.yield
    }) : () -> ()
    %dma_wait3A_78 = arith.constant 79 : i32
    %dma_wait3A_79 = arith.constant 0 : i32
    %dma_wait3A_80 = tpu.memref_slice %arg10[%dma_wait3A_78, %dma_wait3A_79] : memref<80x125xi32, #tpu.memory_space<vmem>> -> memref<1x125xi32, #tpu.memory_space<vmem>>
    %dma_wait3A_81 = tpu.memref_squeeze %dma_wait3A_80 : memref<1x125xi32, #tpu.memory_space<vmem>> -> memref<125xi32, #tpu.memory_space<vmem>>
    %dma_wait3A_82 = arith.constant 0 : i32
    %dma_wait3A_83 = arith.constant 0 : i32
    %dma_wait3A_84 = tpu.memref_slice %arg2[%dma_wait3A_82, %dma_wait3A_83] : memref<256x128xf32, #tpu.memory_space<hbm>> -> memref<256x128xf32, #tpu.memory_space<hbm>>
    tpu.wait_indirect_dma semaphore(%arg17 : memref<!tpu.dma_semaphore, #tpu.memory_space<semaphore_mem>>) src(%dma_wait3A_84 : memref<256x128xf32, #tpu.memory_space<hbm>>) dst(%arg13 : memref<125x128xf32, #tpu.memory_space<vmem>>)
    %run_scoped3A_85 = arith.constant 79 : i32
    "tpu.region"() ({
      %run_scoped3A_94 = tpu.sem_alloc : memref<!tpu.dma_semaphore, #tpu.memory_space<semaphore_mem>>
      %dma_start3A_95 = arith.constant 0 : i32
      %dma_start3A_96 = tpu.memref_slice %arg11[%run_scoped3A_85, %dma_start3A_95] : memref<80x125xi32, #tpu.memory_space<vmem>> -> memref<1x125xi32, #tpu.memory_space<vmem>>
      %dma_start3A_97 = tpu.memref_squeeze %dma_start3A_96 : memref<1x125xi32, #tpu.memory_space<vmem>> -> memref<125xi32, #tpu.memory_space<vmem>>
      %dma_start3A_98 = arith.constant 0 : i32
      %dma_start3A_99 = arith.constant 0 : i32
      %dma_start3A_100 = tpu.memref_slice %arg15[%dma_start3A_98, %dma_start3A_99] : memref<1280x128xf32, #tpu.memory_space<vmem_shared>> -> memref<1280x128xf32, #tpu.memory_space<vmem_shared>>
      tpu.enqueue_indirect_dma source(%arg13 : memref<125x128xf32, #tpu.memory_space<vmem>>) target(%dma_start3A_100 : memref<1280x128xf32, #tpu.memory_space<vmem_shared>>) offsets(%dma_start3A_97 : memref<125xi32, #tpu.memory_space<vmem>>) semaphore(%run_scoped3A_94 : memref<!tpu.dma_semaphore, #tpu.memory_space<semaphore_mem>>) {add = true}
      %dma_wait3A_101 = arith.constant 0 : i32
      %dma_wait3A_102 = tpu.memref_slice %arg11[%run_scoped3A_85, %dma_wait3A_101] : memref<80x125xi32, #tpu.memory_space<vmem>> -> memref<1x125xi32, #tpu.memory_space<vmem>>
      %dma_wait3A_103 = tpu.memref_squeeze %dma_wait3A_102 : memref<1x125xi32, #tpu.memory_space<vmem>> -> memref<125xi32, #tpu.memory_space<vmem>>
      %dma_wait3A_104 = arith.constant 0 : i32
      %dma_wait3A_105 = arith.constant 0 : i32
      %dma_wait3A_106 = tpu.memref_slice %arg15[%dma_wait3A_104, %dma_wait3A_105] : memref<1280x128xf32, #tpu.memory_space<vmem_shared>> -> memref<1280x128xf32, #tpu.memory_space<vmem_shared>>
      tpu.wait_indirect_dma semaphore(%run_scoped3A_94 : memref<!tpu.dma_semaphore, #tpu.memory_space<semaphore_mem>>) src(%arg13 : memref<125x128xf32, #tpu.memory_space<vmem>>) dst(%dma_wait3A_106 : memref<1280x128xf32, #tpu.memory_space<vmem_shared>>)
      tpu.yield
    }) : () -> ()
    %barrier3A_86 = arith.constant 0 : index
    tpu.barrier barrier_id(%barrier3A_86)
    %mul3A_87 = arith.constant 80 : i32
    %mul3A_88 = arith.muli %arg1, %mul3A_87 : i32
    "tpu.region"() ({
      %run_scoped3A_94 = tpu.sem_alloc : memref<!tpu.dma_semaphore, #tpu.memory_space<semaphore_mem>>
      %dma_start3A_95 = arith.constant 0 : i32
      %dma_start3A_96 = tpu.memref_slice %arg15[%mul3A_88, %dma_start3A_95] : memref<1280x128xf32, #tpu.memory_space<vmem_shared>> -> memref<80x128xf32, #tpu.memory_space<vmem_shared>>
      %dma_start3A_97 = arith.constant 0 : i32
      %dma_start3A_98 = tpu.memref_slice %arg15[%mul3A_88, %dma_start3A_97] : memref<1280x128xf32, #tpu.memory_space<vmem_shared>> -> memref<80x128xf32, #tpu.memory_space<vmem_shared>>
      tpu.enqueue_dma source(%dma_start3A_98 : memref<80x128xf32, #tpu.memory_space<vmem_shared>>) target(%arg14 : memref<80x128xf32, #tpu.memory_space<vmem>>) target_semaphore(%run_scoped3A_94 : memref<!tpu.dma_semaphore, #tpu.memory_space<semaphore_mem>>)
      %dma_wait3A_99 = arith.constant 0 : i32
      %dma_wait3A_100 = tpu.memref_slice %arg15[%mul3A_88, %dma_wait3A_99] : memref<1280x128xf32, #tpu.memory_space<vmem_shared>> -> memref<80x128xf32, #tpu.memory_space<vmem_shared>>
      %dma_wait3A_101 = arith.constant 0 : i32
      %dma_wait3A_102 = tpu.memref_slice %arg15[%mul3A_88, %dma_wait3A_101] : memref<1280x128xf32, #tpu.memory_space<vmem_shared>> -> memref<80x128xf32, #tpu.memory_space<vmem_shared>>
      tpu.wait_dma2 semaphore(%run_scoped3A_94 : memref<!tpu.dma_semaphore, #tpu.memory_space<semaphore_mem>>) src(%dma_wait3A_102 : memref<80x128xf32, #tpu.memory_space<vmem_shared>>) dst(%arg14 : memref<80x128xf32, #tpu.memory_space<vmem>>)
      tpu.yield
    }) : () -> ()
    %mul3A_89 = arith.constant 1280 : i32
    %mul3A_90 = arith.muli %arg0, %mul3A_89 : i32
    %mul3A_91 = arith.constant 80 : i32
    %mul3A_92 = arith.muli %arg1, %mul3A_91 : i32
    %add3A_93 = arith.addi %mul3A_90, %mul3A_92 : i32
    "tpu.region"() ({
      %run_scoped3A_94 = tpu.sem_alloc : memref<!tpu.dma_semaphore, #tpu.memory_space<semaphore_mem>>
      %dma_start3A_95 = arith.constant 0 : i32
      %dma_start3A_96 = tpu.memref_slice %arg9[%add3A_93, %dma_start3A_95] : memref<2560x128xf32, #tpu.memory_space<hbm>> -> memref<80x128xf32, #tpu.memory_space<hbm>>
      %dma_start3A_97 = arith.constant 0 : i32
      %dma_start3A_98 = tpu.memref_slice %arg9[%add3A_93, %dma_start3A_97] : memref<2560x128xf32, #tpu.memory_space<hbm>> -> memref<80x128xf32, #tpu.memory_space<hbm>>
      tpu.enqueue_dma source(%arg14 : memref<80x128xf32, #tpu.memory_space<vmem>>) target(%dma_start3A_98 : memref<80x128xf32, #tpu.memory_space<hbm>>) target_semaphore(%run_scoped3A_94 : memref<!tpu.dma_semaphore, #tpu.memory_space<semaphore_mem>>)
      %dma_wait3A_99 = arith.constant 0 : i32
      %dma_wait3A_100 = tpu.memref_slice %arg9[%add3A_93, %dma_wait3A_99] : memref<2560x128xf32, #tpu.memory_space<hbm>> -> memref<80x128xf32, #tpu.memory_space<hbm>>
      %dma_wait3A_101 = arith.constant 0 : i32
      %dma_wait3A_102 = tpu.memref_slice %arg9[%add3A_93, %dma_wait3A_101] : memref<2560x128xf32, #tpu.memory_space<hbm>> -> memref<80x128xf32, #tpu.memory_space<hbm>>
      tpu.wait_dma2 semaphore(%run_scoped3A_94 : memref<!tpu.dma_semaphore, #tpu.memory_space<semaphore_mem>>) src(%arg14 : memref<80x128xf32, #tpu.memory_space<vmem>>) dst(%dma_wait3A_102 : memref<80x128xf32, #tpu.memory_space<hbm>>)
      tpu.yield
    }) : () -> ()
    return
  }
}

#map = affine_map<(d0, d1) -> (0, 0)>
module attributes {stable_mosaic.version = 14 : i64} {
  func.func @_sc_feat(%arg0: i32, %arg1: i32, %arg2: memref<10000x128xf32, #tpu.memory_space<hbm>>, %arg3: memref<2560x125xi32, #tpu.memory_space<hbm>>, %arg4: memref<10240x125xi32, #tpu.memory_space<hbm>>, %arg5: memref<160x128xf32, #tpu.memory_space<hbm>>, %arg6: memref<10240x128xf32, #tpu.memory_space<hbm>>, %arg7: memref<160x125xi32, #tpu.memory_space<vmem>>, %arg8: memref<160x125xi32, #tpu.memory_space<vmem>>, %arg9: memref<125x128xf32, #tpu.memory_space<vmem>>, %arg10: memref<125x128xf32, #tpu.memory_space<vmem>>, %arg11: memref<160x128xf32, #tpu.memory_space<vmem>>, %arg12: memref<2688x128xf32, #tpu.memory_space<vmem_shared>>, %arg13: memref<!tpu.dma_semaphore, #tpu.memory_space<semaphore_mem>>, %arg14: memref<!tpu.dma_semaphore, #tpu.memory_space<semaphore_mem>>) attributes {dimension_semantics = [#tpu.dimension_semantics<core_parallel>, #tpu.dimension_semantics<subcore_parallel>], iteration_bounds = array<i64: 2, 16>, scalar_prefetch = 0 : i64, scratch_operands = 8 : i64, tpu.core_type = #tpu.core_type<sc_vector_subcore>, window_params = [{transform_indices = #map}, {transform_indices = #map}, {transform_indices = #map}, {transform_indices = #map}, {transform_indices = #map}]} {
    %mul3A = arith.constant 160 : i32
    %mul3A_0 = arith.muli %arg1, %mul3A : i32
    "tpu.region"() ({
      %run_scoped3A_109 = tpu.sem_alloc : memref<!tpu.dma_semaphore, #tpu.memory_space<semaphore_mem>>
      %dma_start3A_110 = arith.constant 0 : i32
      %dma_start3A_111 = tpu.memref_slice %arg3[%mul3A_0, %dma_start3A_110] : memref<2560x125xi32, #tpu.memory_space<hbm>> -> memref<160x125xi32, #tpu.memory_space<hbm>>
      %dma_start3A_112 = arith.constant 0 : i32
      %dma_start3A_113 = tpu.memref_slice %arg3[%mul3A_0, %dma_start3A_112] : memref<2560x125xi32, #tpu.memory_space<hbm>> -> memref<160x125xi32, #tpu.memory_space<hbm>>
      tpu.enqueue_dma source(%dma_start3A_113 : memref<160x125xi32, #tpu.memory_space<hbm>>) target(%arg7 : memref<160x125xi32, #tpu.memory_space<vmem>>) target_semaphore(%run_scoped3A_109 : memref<!tpu.dma_semaphore, #tpu.memory_space<semaphore_mem>>)
      %dma_wait3A_114 = arith.constant 0 : i32
      %dma_wait3A_115 = tpu.memref_slice %arg3[%mul3A_0, %dma_wait3A_114] : memref<2560x125xi32, #tpu.memory_space<hbm>> -> memref<160x125xi32, #tpu.memory_space<hbm>>
      %dma_wait3A_116 = arith.constant 0 : i32
      %dma_wait3A_117 = tpu.memref_slice %arg3[%mul3A_0, %dma_wait3A_116] : memref<2560x125xi32, #tpu.memory_space<hbm>> -> memref<160x125xi32, #tpu.memory_space<hbm>>
      tpu.wait_dma2 semaphore(%run_scoped3A_109 : memref<!tpu.dma_semaphore, #tpu.memory_space<semaphore_mem>>) src(%dma_wait3A_117 : memref<160x125xi32, #tpu.memory_space<hbm>>) dst(%arg7 : memref<160x125xi32, #tpu.memory_space<vmem>>)
      tpu.yield
    }) : () -> ()
    "tpu.region"() ({
      %run_scoped3A_109 = tpu.sem_alloc : memref<!tpu.dma_semaphore, #tpu.memory_space<semaphore_mem>>
      tpu.enqueue_dma source(%arg5 : memref<160x128xf32, #tpu.memory_space<hbm>>) target(%arg11 : memref<160x128xf32, #tpu.memory_space<vmem>>) target_semaphore(%run_scoped3A_109 : memref<!tpu.dma_semaphore, #tpu.memory_space<semaphore_mem>>)
      tpu.wait_dma2 semaphore(%run_scoped3A_109 : memref<!tpu.dma_semaphore, #tpu.memory_space<semaphore_mem>>) src(%arg5 : memref<160x128xf32, #tpu.memory_space<hbm>>) dst(%arg11 : memref<160x128xf32, #tpu.memory_space<vmem>>)
      tpu.yield
    }) : () -> ()
    %add3A = arith.constant 0 : i32
    %add3A_1 = arith.addi %add3A, %arg0 : i32
    %mul3A_2 = arith.constant 2560 : i32
    %mul3A_3 = arith.muli %add3A_1, %mul3A_2 : i32
    %add3A_4 = arith.addi %mul3A_3, %mul3A_0 : i32
    "tpu.region"() ({
      %run_scoped3A_109 = tpu.sem_alloc : memref<!tpu.dma_semaphore, #tpu.memory_space<semaphore_mem>>
      %dma_start3A_110 = arith.constant 0 : i32
      %dma_start3A_111 = tpu.memref_slice %arg4[%add3A_4, %dma_start3A_110] : memref<10240x125xi32, #tpu.memory_space<hbm>> -> memref<160x125xi32, #tpu.memory_space<hbm>>
      %dma_start3A_112 = arith.constant 0 : i32
      %dma_start3A_113 = tpu.memref_slice %arg4[%add3A_4, %dma_start3A_112] : memref<10240x125xi32, #tpu.memory_space<hbm>> -> memref<160x125xi32, #tpu.memory_space<hbm>>
      tpu.enqueue_dma source(%dma_start3A_113 : memref<160x125xi32, #tpu.memory_space<hbm>>) target(%arg8 : memref<160x125xi32, #tpu.memory_space<vmem>>) target_semaphore(%run_scoped3A_109 : memref<!tpu.dma_semaphore, #tpu.memory_space<semaphore_mem>>)
      %dma_wait3A_114 = arith.constant 0 : i32
      %dma_wait3A_115 = tpu.memref_slice %arg4[%add3A_4, %dma_wait3A_114] : memref<10240x125xi32, #tpu.memory_space<hbm>> -> memref<160x125xi32, #tpu.memory_space<hbm>>
      %dma_wait3A_116 = arith.constant 0 : i32
      %dma_wait3A_117 = tpu.memref_slice %arg4[%add3A_4, %dma_wait3A_116] : memref<10240x125xi32, #tpu.memory_space<hbm>> -> memref<160x125xi32, #tpu.memory_space<hbm>>
      tpu.wait_dma2 semaphore(%run_scoped3A_109 : memref<!tpu.dma_semaphore, #tpu.memory_space<semaphore_mem>>) src(%dma_wait3A_117 : memref<160x125xi32, #tpu.memory_space<hbm>>) dst(%arg8 : memref<160x125xi32, #tpu.memory_space<vmem>>)
      tpu.yield
    }) : () -> ()
    %mul3A_5 = arith.constant 160 : i32
    %mul3A_6 = arith.muli %arg1, %mul3A_5 : i32
    "tpu.region"() ({
      %run_scoped3A_109 = tpu.sem_alloc : memref<!tpu.dma_semaphore, #tpu.memory_space<semaphore_mem>>
      %dma_start3A_110 = arith.constant 0 : i32
      %dma_start3A_111 = tpu.memref_slice %arg12[%mul3A_6, %dma_start3A_110] : memref<2688x128xf32, #tpu.memory_space<vmem_shared>> -> memref<160x128xf32, #tpu.memory_space<vmem_shared>>
      %dma_start3A_112 = arith.constant 0 : i32
      %dma_start3A_113 = tpu.memref_slice %arg12[%mul3A_6, %dma_start3A_112] : memref<2688x128xf32, #tpu.memory_space<vmem_shared>> -> memref<160x128xf32, #tpu.memory_space<vmem_shared>>
      tpu.enqueue_dma source(%arg11 : memref<160x128xf32, #tpu.memory_space<vmem>>) target(%dma_start3A_113 : memref<160x128xf32, #tpu.memory_space<vmem_shared>>) target_semaphore(%run_scoped3A_109 : memref<!tpu.dma_semaphore, #tpu.memory_space<semaphore_mem>>)
      %dma_wait3A_114 = arith.constant 0 : i32
      %dma_wait3A_115 = tpu.memref_slice %arg12[%mul3A_6, %dma_wait3A_114] : memref<2688x128xf32, #tpu.memory_space<vmem_shared>> -> memref<160x128xf32, #tpu.memory_space<vmem_shared>>
      %dma_wait3A_116 = arith.constant 0 : i32
      %dma_wait3A_117 = tpu.memref_slice %arg12[%mul3A_6, %dma_wait3A_116] : memref<2688x128xf32, #tpu.memory_space<vmem_shared>> -> memref<160x128xf32, #tpu.memory_space<vmem_shared>>
      tpu.wait_dma2 semaphore(%run_scoped3A_109 : memref<!tpu.dma_semaphore, #tpu.memory_space<semaphore_mem>>) src(%arg11 : memref<160x128xf32, #tpu.memory_space<vmem>>) dst(%dma_wait3A_117 : memref<160x128xf32, #tpu.memory_space<vmem_shared>>)
      tpu.yield
    }) : () -> ()
    %mul3A_7 = arith.constant 8 : i32
    %mul3A_8 = arith.muli %mul3A_7, %arg1 : i32
    %add3A_9 = arith.constant 2560 : i32
    %add3A_10 = arith.addi %add3A_9, %mul3A_8 : i32
    "tpu.region"() ({
      %run_scoped3A_109 = tpu.sem_alloc : memref<!tpu.dma_semaphore, #tpu.memory_space<semaphore_mem>>
      %dma_start3A_110 = arith.constant 0 : i32
      %dma_start3A_111 = arith.constant 0 : i32
      %dma_start3A_112 = tpu.memref_slice %arg11[%dma_start3A_110, %dma_start3A_111] : memref<160x128xf32, #tpu.memory_space<vmem>> -> memref<8x128xf32, #tpu.memory_space<vmem>>
      %dma_start3A_113 = arith.constant 0 : i32
      %dma_start3A_114 = tpu.memref_slice %arg12[%add3A_10, %dma_start3A_113] : memref<2688x128xf32, #tpu.memory_space<vmem_shared>> -> memref<8x128xf32, #tpu.memory_space<vmem_shared>>
      %dma_start3A_115 = arith.constant 0 : i32
      %dma_start3A_116 = tpu.memref_slice %arg12[%add3A_10, %dma_start3A_115] : memref<2688x128xf32, #tpu.memory_space<vmem_shared>> -> memref<8x128xf32, #tpu.memory_space<vmem_shared>>
      %dma_start3A_117 = arith.constant 0 : i32
      %dma_start3A_118 = arith.constant 0 : i32
      %dma_start3A_119 = tpu.memref_slice %arg11[%dma_start3A_117, %dma_start3A_118] : memref<160x128xf32, #tpu.memory_space<vmem>> -> memref<8x128xf32, #tpu.memory_space<vmem>>
      tpu.enqueue_dma source(%dma_start3A_119 : memref<8x128xf32, #tpu.memory_space<vmem>>) target(%dma_start3A_116 : memref<8x128xf32, #tpu.memory_space<vmem_shared>>) target_semaphore(%run_scoped3A_109 : memref<!tpu.dma_semaphore, #tpu.memory_space<semaphore_mem>>)
      %dma_wait3A_120 = arith.constant 0 : i32
      %dma_wait3A_121 = arith.constant 0 : i32
      %dma_wait3A_122 = tpu.memref_slice %arg11[%dma_wait3A_120, %dma_wait3A_121] : memref<160x128xf32, #tpu.memory_space<vmem>> -> memref<8x128xf32, #tpu.memory_space<vmem>>
      %dma_wait3A_123 = arith.constant 0 : i32
      %dma_wait3A_124 = tpu.memref_slice %arg12[%add3A_10, %dma_wait3A_123] : memref<2688x128xf32, #tpu.memory_space<vmem_shared>> -> memref<8x128xf32, #tpu.memory_space<vmem_shared>>
      %dma_wait3A_125 = arith.constant 0 : i32
      %dma_wait3A_126 = tpu.memref_slice %arg12[%add3A_10, %dma_wait3A_125] : memref<2688x128xf32, #tpu.memory_space<vmem_shared>> -> memref<8x128xf32, #tpu.memory_space<vmem_shared>>
      %dma_wait3A_127 = arith.constant 0 : i32
      %dma_wait3A_128 = arith.constant 0 : i32
      %dma_wait3A_129 = tpu.memref_slice %arg11[%dma_wait3A_127, %dma_wait3A_128] : memref<160x128xf32, #tpu.memory_space<vmem>> -> memref<8x128xf32, #tpu.memory_space<vmem>>
      tpu.wait_dma2 semaphore(%run_scoped3A_109 : memref<!tpu.dma_semaphore, #tpu.memory_space<semaphore_mem>>) src(%dma_wait3A_129 : memref<8x128xf32, #tpu.memory_space<vmem>>) dst(%dma_wait3A_126 : memref<8x128xf32, #tpu.memory_space<vmem_shared>>)
      tpu.yield
    }) : () -> ()
    %barrier3A = arith.constant 0 : index
    tpu.barrier barrier_id(%barrier3A)
    %dma_start3A = arith.constant 0 : i32
    %dma_start3A_11 = arith.constant 0 : i32
    %dma_start3A_12 = tpu.memref_slice %arg7[%dma_start3A, %dma_start3A_11] : memref<160x125xi32, #tpu.memory_space<vmem>> -> memref<1x125xi32, #tpu.memory_space<vmem>>
    %dma_start3A_13 = tpu.memref_squeeze %dma_start3A_12 : memref<1x125xi32, #tpu.memory_space<vmem>> -> memref<125xi32, #tpu.memory_space<vmem>>
    %dma_start3A_14 = arith.constant 0 : i32
    %dma_start3A_15 = arith.constant 0 : i32
    %dma_start3A_16 = tpu.memref_slice %arg2[%dma_start3A_14, %dma_start3A_15] : memref<10000x128xf32, #tpu.memory_space<hbm>> -> memref<10000x128xf32, #tpu.memory_space<hbm>>
    tpu.enqueue_indirect_dma source(%dma_start3A_16 : memref<10000x128xf32, #tpu.memory_space<hbm>>) target(%arg9 : memref<125x128xf32, #tpu.memory_space<vmem>>) offsets(%dma_start3A_13 : memref<125xi32, #tpu.memory_space<vmem>>) semaphore(%arg13 : memref<!tpu.dma_semaphore, #tpu.memory_space<semaphore_mem>>)
    %dma_start3A_17 = arith.constant 1 : i32
    %dma_start3A_18 = arith.constant 0 : i32
    %dma_start3A_19 = tpu.memref_slice %arg7[%dma_start3A_17, %dma_start3A_18] : memref<160x125xi32, #tpu.memory_space<vmem>> -> memref<1x125xi32, #tpu.memory_space<vmem>>
    %dma_start3A_20 = tpu.memref_squeeze %dma_start3A_19 : memref<1x125xi32, #tpu.memory_space<vmem>> -> memref<125xi32, #tpu.memory_space<vmem>>
    %dma_start3A_21 = arith.constant 0 : i32
    %dma_start3A_22 = arith.constant 0 : i32
    %dma_start3A_23 = tpu.memref_slice %arg2[%dma_start3A_21, %dma_start3A_22] : memref<10000x128xf32, #tpu.memory_space<hbm>> -> memref<10000x128xf32, #tpu.memory_space<hbm>>
    tpu.enqueue_indirect_dma source(%dma_start3A_23 : memref<10000x128xf32, #tpu.memory_space<hbm>>) target(%arg10 : memref<125x128xf32, #tpu.memory_space<vmem>>) offsets(%dma_start3A_20 : memref<125xi32, #tpu.memory_space<vmem>>) semaphore(%arg14 : memref<!tpu.dma_semaphore, #tpu.memory_space<semaphore_mem>>)
    %scan3A = arith.constant 0 : i32
    %scan3A_24 = arith.constant 0 : i32
    %scan3A_25 = arith.constant 79 : i32
    %scan3A_26 = arith.addi %scan3A_24, %scan3A_25 : i32
    %scan3A_27 = arith.constant 1 : i32
    %scan3A_28 = scf.for %scan3A_109 = %scan3A_24 to %scan3A_26 step %scan3A_27 iter_args(%scan3A_110 = %scan3A) -> (i32)  : i32 {
      %mul3A_111 = arith.constant 2 : i32
      %mul3A_112 = arith.muli %mul3A_111, %scan3A_109 : i32
      %add3A_113 = arith.constant 0 : i32
      %add3A_114 = arith.addi %mul3A_112, %add3A_113 : i32
      %dma_wait3A_115 = arith.constant 0 : i32
      %dma_wait3A_116 = tpu.memref_slice %arg7[%add3A_114, %dma_wait3A_115] : memref<160x125xi32, #tpu.memory_space<vmem>> -> memref<1x125xi32, #tpu.memory_space<vmem>>
      %dma_wait3A_117 = tpu.memref_squeeze %dma_wait3A_116 : memref<1x125xi32, #tpu.memory_space<vmem>> -> memref<125xi32, #tpu.memory_space<vmem>>
      %dma_wait3A_118 = arith.constant 0 : i32
      %dma_wait3A_119 = arith.constant 0 : i32
      %dma_wait3A_120 = tpu.memref_slice %arg2[%dma_wait3A_118, %dma_wait3A_119] : memref<10000x128xf32, #tpu.memory_space<hbm>> -> memref<10000x128xf32, #tpu.memory_space<hbm>>
      tpu.wait_indirect_dma semaphore(%arg13 : memref<!tpu.dma_semaphore, #tpu.memory_space<semaphore_mem>>) src(%dma_wait3A_120 : memref<10000x128xf32, #tpu.memory_space<hbm>>) dst(%arg9 : memref<125x128xf32, #tpu.memory_space<vmem>>)
      "tpu.region"() ({
        %run_scoped3A_148 = tpu.sem_alloc : memref<!tpu.dma_semaphore, #tpu.memory_space<semaphore_mem>>
        %dma_start3A_149 = arith.constant 0 : i32
        %dma_start3A_150 = tpu.memref_slice %arg8[%add3A_114, %dma_start3A_149] : memref<160x125xi32, #tpu.memory_space<vmem>> -> memref<1x125xi32, #tpu.memory_space<vmem>>
        %dma_start3A_151 = tpu.memref_squeeze %dma_start3A_150 : memref<1x125xi32, #tpu.memory_space<vmem>> -> memref<125xi32, #tpu.memory_space<vmem>>
        %dma_start3A_152 = arith.constant 0 : i32
        %dma_start3A_153 = arith.constant 0 : i32
        %dma_start3A_154 = tpu.memref_slice %arg12[%dma_start3A_152, %dma_start3A_153] : memref<2688x128xf32, #tpu.memory_space<vmem_shared>> -> memref<2688x128xf32, #tpu.memory_space<vmem_shared>>
        tpu.enqueue_indirect_dma source(%arg9 : memref<125x128xf32, #tpu.memory_space<vmem>>) target(%dma_start3A_154 : memref<2688x128xf32, #tpu.memory_space<vmem_shared>>) offsets(%dma_start3A_151 : memref<125xi32, #tpu.memory_space<vmem>>) semaphore(%run_scoped3A_148 : memref<!tpu.dma_semaphore, #tpu.memory_space<semaphore_mem>>) {add = true}
        %dma_wait3A_155 = arith.constant 0 : i32
        %dma_wait3A_156 = tpu.memref_slice %arg8[%add3A_114, %dma_wait3A_155] : memref<160x125xi32, #tpu.memory_space<vmem>> -> memref<1x125xi32, #tpu.memory_space<vmem>>
        %dma_wait3A_157 = tpu.memref_squeeze %dma_wait3A_156 : memref<1x125xi32, #tpu.memory_space<vmem>> -> memref<125xi32, #tpu.memory_space<vmem>>
        %dma_wait3A_158 = arith.constant 0 : i32
        %dma_wait3A_159 = arith.constant 0 : i32
        %dma_wait3A_160 = tpu.memref_slice %arg12[%dma_wait3A_158, %dma_wait3A_159] : memref<2688x128xf32, #tpu.memory_space<vmem_shared>> -> memref<2688x128xf32, #tpu.memory_space<vmem_shared>>
        tpu.wait_indirect_dma semaphore(%run_scoped3A_148 : memref<!tpu.dma_semaphore, #tpu.memory_space<semaphore_mem>>) src(%arg9 : memref<125x128xf32, #tpu.memory_space<vmem>>) dst(%dma_wait3A_160 : memref<2688x128xf32, #tpu.memory_space<vmem_shared>>)
        tpu.yield
      }) : () -> ()
      %add3A_121 = arith.constant 2 : i32
      %add3A_122 = arith.addi %add3A_114, %add3A_121 : i32
      %dma_start3A_123 = arith.constant 0 : i32
      %dma_start3A_124 = tpu.memref_slice %arg7[%add3A_122, %dma_start3A_123] : memref<160x125xi32, #tpu.memory_space<vmem>> -> memref<1x125xi32, #tpu.memory_space<vmem>>
      %dma_start3A_125 = tpu.memref_squeeze %dma_start3A_124 : memref<1x125xi32, #tpu.memory_space<vmem>> -> memref<125xi32, #tpu.memory_space<vmem>>
      %dma_start3A_126 = arith.constant 0 : i32
      %dma_start3A_127 = arith.constant 0 : i32
      %dma_start3A_128 = tpu.memref_slice %arg2[%dma_start3A_126, %dma_start3A_127] : memref<10000x128xf32, #tpu.memory_space<hbm>> -> memref<10000x128xf32, #tpu.memory_space<hbm>>
      tpu.enqueue_indirect_dma source(%dma_start3A_128 : memref<10000x128xf32, #tpu.memory_space<hbm>>) target(%arg9 : memref<125x128xf32, #tpu.memory_space<vmem>>) offsets(%dma_start3A_125 : memref<125xi32, #tpu.memory_space<vmem>>) semaphore(%arg13 : memref<!tpu.dma_semaphore, #tpu.memory_space<semaphore_mem>>)
      %mul3A_129 = arith.constant 2 : i32
      %mul3A_130 = arith.muli %mul3A_129, %scan3A_109 : i32
      %add3A_131 = arith.constant 1 : i32
      %add3A_132 = arith.addi %mul3A_130, %add3A_131 : i32
      %dma_wait3A_133 = arith.constant 0 : i32
      %dma_wait3A_134 = tpu.memref_slice %arg7[%add3A_132, %dma_wait3A_133] : memref<160x125xi32, #tpu.memory_space<vmem>> -> memref<1x125xi32, #tpu.memory_space<vmem>>
      %dma_wait3A_135 = tpu.memref_squeeze %dma_wait3A_134 : memref<1x125xi32, #tpu.memory_space<vmem>> -> memref<125xi32, #tpu.memory_space<vmem>>
      %dma_wait3A_136 = arith.constant 0 : i32
      %dma_wait3A_137 = arith.constant 0 : i32
      %dma_wait3A_138 = tpu.memref_slice %arg2[%dma_wait3A_136, %dma_wait3A_137] : memref<10000x128xf32, #tpu.memory_space<hbm>> -> memref<10000x128xf32, #tpu.memory_space<hbm>>
      tpu.wait_indirect_dma semaphore(%arg14 : memref<!tpu.dma_semaphore, #tpu.memory_space<semaphore_mem>>) src(%dma_wait3A_138 : memref<10000x128xf32, #tpu.memory_space<hbm>>) dst(%arg10 : memref<125x128xf32, #tpu.memory_space<vmem>>)
      "tpu.region"() ({
        %run_scoped3A_148 = tpu.sem_alloc : memref<!tpu.dma_semaphore, #tpu.memory_space<semaphore_mem>>
        %dma_start3A_149 = arith.constant 0 : i32
        %dma_start3A_150 = tpu.memref_slice %arg8[%add3A_132, %dma_start3A_149] : memref<160x125xi32, #tpu.memory_space<vmem>> -> memref<1x125xi32, #tpu.memory_space<vmem>>
        %dma_start3A_151 = tpu.memref_squeeze %dma_start3A_150 : memref<1x125xi32, #tpu.memory_space<vmem>> -> memref<125xi32, #tpu.memory_space<vmem>>
        %dma_start3A_152 = arith.constant 0 : i32
        %dma_start3A_153 = arith.constant 0 : i32
        %dma_start3A_154 = tpu.memref_slice %arg12[%dma_start3A_152, %dma_start3A_153] : memref<2688x128xf32, #tpu.memory_space<vmem_shared>> -> memref<2688x128xf32, #tpu.memory_space<vmem_shared>>
        tpu.enqueue_indirect_dma source(%arg10 : memref<125x128xf32, #tpu.memory_space<vmem>>) target(%dma_start3A_154 : memref<2688x128xf32, #tpu.memory_space<vmem_shared>>) offsets(%dma_start3A_151 : memref<125xi32, #tpu.memory_space<vmem>>) semaphore(%run_scoped3A_148 : memref<!tpu.dma_semaphore, #tpu.memory_space<semaphore_mem>>) {add = true}
        %dma_wait3A_155 = arith.constant 0 : i32
        %dma_wait3A_156 = tpu.memref_slice %arg8[%add3A_132, %dma_wait3A_155] : memref<160x125xi32, #tpu.memory_space<vmem>> -> memref<1x125xi32, #tpu.memory_space<vmem>>
        %dma_wait3A_157 = tpu.memref_squeeze %dma_wait3A_156 : memref<1x125xi32, #tpu.memory_space<vmem>> -> memref<125xi32, #tpu.memory_space<vmem>>
        %dma_wait3A_158 = arith.constant 0 : i32
        %dma_wait3A_159 = arith.constant 0 : i32
        %dma_wait3A_160 = tpu.memref_slice %arg12[%dma_wait3A_158, %dma_wait3A_159] : memref<2688x128xf32, #tpu.memory_space<vmem_shared>> -> memref<2688x128xf32, #tpu.memory_space<vmem_shared>>
        tpu.wait_indirect_dma semaphore(%run_scoped3A_148 : memref<!tpu.dma_semaphore, #tpu.memory_space<semaphore_mem>>) src(%arg10 : memref<125x128xf32, #tpu.memory_space<vmem>>) dst(%dma_wait3A_160 : memref<2688x128xf32, #tpu.memory_space<vmem_shared>>)
        tpu.yield
      }) : () -> ()
      %add3A_139 = arith.constant 2 : i32
      %add3A_140 = arith.addi %add3A_132, %add3A_139 : i32
      %dma_start3A_141 = arith.constant 0 : i32
      %dma_start3A_142 = tpu.memref_slice %arg7[%add3A_140, %dma_start3A_141] : memref<160x125xi32, #tpu.memory_space<vmem>> -> memref<1x125xi32, #tpu.memory_space<vmem>>
      %dma_start3A_143 = tpu.memref_squeeze %dma_start3A_142 : memref<1x125xi32, #tpu.memory_space<vmem>> -> memref<125xi32, #tpu.memory_space<vmem>>
      %dma_start3A_144 = arith.constant 0 : i32
      %dma_start3A_145 = arith.constant 0 : i32
      %dma_start3A_146 = tpu.memref_slice %arg2[%dma_start3A_144, %dma_start3A_145] : memref<10000x128xf32, #tpu.memory_space<hbm>> -> memref<10000x128xf32, #tpu.memory_space<hbm>>
      tpu.enqueue_indirect_dma source(%dma_start3A_146 : memref<10000x128xf32, #tpu.memory_space<hbm>>) target(%arg10 : memref<125x128xf32, #tpu.memory_space<vmem>>) offsets(%dma_start3A_143 : memref<125xi32, #tpu.memory_space<vmem>>) semaphore(%arg14 : memref<!tpu.dma_semaphore, #tpu.memory_space<semaphore_mem>>)
      %scan3A_147 = arith.constant 0 : i32
      scf.yield %scan3A_147 : i32
    }
    %scan3A_29 = arith.constant 79 : i32
    %dma_wait3A = arith.constant 158 : i32
    %dma_wait3A_30 = arith.constant 0 : i32
    %dma_wait3A_31 = tpu.memref_slice %arg7[%dma_wait3A, %dma_wait3A_30] : memref<160x125xi32, #tpu.memory_space<vmem>> -> memref<1x125xi32, #tpu.memory_space<vmem>>
    %dma_wait3A_32 = tpu.memref_squeeze %dma_wait3A_31 : memref<1x125xi32, #tpu.memory_space<vmem>> -> memref<125xi32, #tpu.memory_space<vmem>>
    %dma_wait3A_33 = arith.constant 0 : i32
    %dma_wait3A_34 = arith.constant 0 : i32
    %dma_wait3A_35 = tpu.memref_slice %arg2[%dma_wait3A_33, %dma_wait3A_34] : memref<10000x128xf32, #tpu.memory_space<hbm>> -> memref<10000x128xf32, #tpu.memory_space<hbm>>
    tpu.wait_indirect_dma semaphore(%arg13 : memref<!tpu.dma_semaphore, #tpu.memory_space<semaphore_mem>>) src(%dma_wait3A_35 : memref<10000x128xf32, #tpu.memory_space<hbm>>) dst(%arg9 : memref<125x128xf32, #tpu.memory_space<vmem>>)
    %run_scoped3A = arith.constant 158 : i32
    "tpu.region"() ({
      %run_scoped3A_109 = tpu.sem_alloc : memref<!tpu.dma_semaphore, #tpu.memory_space<semaphore_mem>>
      %dma_start3A_110 = arith.constant 0 : i32
      %dma_start3A_111 = tpu.memref_slice %arg8[%run_scoped3A, %dma_start3A_110] : memref<160x125xi32, #tpu.memory_space<vmem>> -> memref<1x125xi32, #tpu.memory_space<vmem>>
      %dma_start3A_112 = tpu.memref_squeeze %dma_start3A_111 : memref<1x125xi32, #tpu.memory_space<vmem>> -> memref<125xi32, #tpu.memory_space<vmem>>
      %dma_start3A_113 = arith.constant 0 : i32
      %dma_start3A_114 = arith.constant 0 : i32
      %dma_start3A_115 = tpu.memref_slice %arg12[%dma_start3A_113, %dma_start3A_114] : memref<2688x128xf32, #tpu.memory_space<vmem_shared>> -> memref<2688x128xf32, #tpu.memory_space<vmem_shared>>
      tpu.enqueue_indirect_dma source(%arg9 : memref<125x128xf32, #tpu.memory_space<vmem>>) target(%dma_start3A_115 : memref<2688x128xf32, #tpu.memory_space<vmem_shared>>) offsets(%dma_start3A_112 : memref<125xi32, #tpu.memory_space<vmem>>) semaphore(%run_scoped3A_109 : memref<!tpu.dma_semaphore, #tpu.memory_space<semaphore_mem>>) {add = true}
      %dma_wait3A_116 = arith.constant 0 : i32
      %dma_wait3A_117 = tpu.memref_slice %arg8[%run_scoped3A, %dma_wait3A_116] : memref<160x125xi32, #tpu.memory_space<vmem>> -> memref<1x125xi32, #tpu.memory_space<vmem>>
      %dma_wait3A_118 = tpu.memref_squeeze %dma_wait3A_117 : memref<1x125xi32, #tpu.memory_space<vmem>> -> memref<125xi32, #tpu.memory_space<vmem>>
      %dma_wait3A_119 = arith.constant 0 : i32
      %dma_wait3A_120 = arith.constant 0 : i32
      %dma_wait3A_121 = tpu.memref_slice %arg12[%dma_wait3A_119, %dma_wait3A_120] : memref<2688x128xf32, #tpu.memory_space<vmem_shared>> -> memref<2688x128xf32, #tpu.memory_space<vmem_shared>>
      tpu.wait_indirect_dma semaphore(%run_scoped3A_109 : memref<!tpu.dma_semaphore, #tpu.memory_space<semaphore_mem>>) src(%arg9 : memref<125x128xf32, #tpu.memory_space<vmem>>) dst(%dma_wait3A_121 : memref<2688x128xf32, #tpu.memory_space<vmem_shared>>)
      tpu.yield
    }) : () -> ()
    %dma_wait3A_36 = arith.constant 159 : i32
    %dma_wait3A_37 = arith.constant 0 : i32
    %dma_wait3A_38 = tpu.memref_slice %arg7[%dma_wait3A_36, %dma_wait3A_37] : memref<160x125xi32, #tpu.memory_space<vmem>> -> memref<1x125xi32, #tpu.memory_space<vmem>>
    %dma_wait3A_39 = tpu.memref_squeeze %dma_wait3A_38 : memref<1x125xi32, #tpu.memory_space<vmem>> -> memref<125xi32, #tpu.memory_space<vmem>>
    %dma_wait3A_40 = arith.constant 0 : i32
    %dma_wait3A_41 = arith.constant 0 : i32
    %dma_wait3A_42 = tpu.memref_slice %arg2[%dma_wait3A_40, %dma_wait3A_41] : memref<10000x128xf32, #tpu.memory_space<hbm>> -> memref<10000x128xf32, #tpu.memory_space<hbm>>
    tpu.wait_indirect_dma semaphore(%arg14 : memref<!tpu.dma_semaphore, #tpu.memory_space<semaphore_mem>>) src(%dma_wait3A_42 : memref<10000x128xf32, #tpu.memory_space<hbm>>) dst(%arg10 : memref<125x128xf32, #tpu.memory_space<vmem>>)
    %run_scoped3A_43 = arith.constant 159 : i32
    "tpu.region"() ({
      %run_scoped3A_109 = tpu.sem_alloc : memref<!tpu.dma_semaphore, #tpu.memory_space<semaphore_mem>>
      %dma_start3A_110 = arith.constant 0 : i32
      %dma_start3A_111 = tpu.memref_slice %arg8[%run_scoped3A_43, %dma_start3A_110] : memref<160x125xi32, #tpu.memory_space<vmem>> -> memref<1x125xi32, #tpu.memory_space<vmem>>
      %dma_start3A_112 = tpu.memref_squeeze %dma_start3A_111 : memref<1x125xi32, #tpu.memory_space<vmem>> -> memref<125xi32, #tpu.memory_space<vmem>>
      %dma_start3A_113 = arith.constant 0 : i32
      %dma_start3A_114 = arith.constant 0 : i32
      %dma_start3A_115 = tpu.memref_slice %arg12[%dma_start3A_113, %dma_start3A_114] : memref<2688x128xf32, #tpu.memory_space<vmem_shared>> -> memref<2688x128xf32, #tpu.memory_space<vmem_shared>>
      tpu.enqueue_indirect_dma source(%arg10 : memref<125x128xf32, #tpu.memory_space<vmem>>) target(%dma_start3A_115 : memref<2688x128xf32, #tpu.memory_space<vmem_shared>>) offsets(%dma_start3A_112 : memref<125xi32, #tpu.memory_space<vmem>>) semaphore(%run_scoped3A_109 : memref<!tpu.dma_semaphore, #tpu.memory_space<semaphore_mem>>) {add = true}
      %dma_wait3A_116 = arith.constant 0 : i32
      %dma_wait3A_117 = tpu.memref_slice %arg8[%run_scoped3A_43, %dma_wait3A_116] : memref<160x125xi32, #tpu.memory_space<vmem>> -> memref<1x125xi32, #tpu.memory_space<vmem>>
      %dma_wait3A_118 = tpu.memref_squeeze %dma_wait3A_117 : memref<1x125xi32, #tpu.memory_space<vmem>> -> memref<125xi32, #tpu.memory_space<vmem>>
      %dma_wait3A_119 = arith.constant 0 : i32
      %dma_wait3A_120 = arith.constant 0 : i32
      %dma_wait3A_121 = tpu.memref_slice %arg12[%dma_wait3A_119, %dma_wait3A_120] : memref<2688x128xf32, #tpu.memory_space<vmem_shared>> -> memref<2688x128xf32, #tpu.memory_space<vmem_shared>>
      tpu.wait_indirect_dma semaphore(%run_scoped3A_109 : memref<!tpu.dma_semaphore, #tpu.memory_space<semaphore_mem>>) src(%arg10 : memref<125x128xf32, #tpu.memory_space<vmem>>) dst(%dma_wait3A_121 : memref<2688x128xf32, #tpu.memory_space<vmem_shared>>)
      tpu.yield
    }) : () -> ()
    %barrier3A_44 = arith.constant 0 : index
    tpu.barrier barrier_id(%barrier3A_44)
    %mul3A_45 = arith.constant 160 : i32
    %mul3A_46 = arith.muli %arg1, %mul3A_45 : i32
    "tpu.region"() ({
      %run_scoped3A_109 = tpu.sem_alloc : memref<!tpu.dma_semaphore, #tpu.memory_space<semaphore_mem>>
      %dma_start3A_110 = arith.constant 0 : i32
      %dma_start3A_111 = tpu.memref_slice %arg12[%mul3A_46, %dma_start3A_110] : memref<2688x128xf32, #tpu.memory_space<vmem_shared>> -> memref<160x128xf32, #tpu.memory_space<vmem_shared>>
      %dma_start3A_112 = arith.constant 0 : i32
      %dma_start3A_113 = tpu.memref_slice %arg12[%mul3A_46, %dma_start3A_112] : memref<2688x128xf32, #tpu.memory_space<vmem_shared>> -> memref<160x128xf32, #tpu.memory_space<vmem_shared>>
      tpu.enqueue_dma source(%dma_start3A_113 : memref<160x128xf32, #tpu.memory_space<vmem_shared>>) target(%arg11 : memref<160x128xf32, #tpu.memory_space<vmem>>) target_semaphore(%run_scoped3A_109 : memref<!tpu.dma_semaphore, #tpu.memory_space<semaphore_mem>>)
      %dma_wait3A_114 = arith.constant 0 : i32
      %dma_wait3A_115 = tpu.memref_slice %arg12[%mul3A_46, %dma_wait3A_114] : memref<2688x128xf32, #tpu.memory_space<vmem_shared>> -> memref<160x128xf32, #tpu.memory_space<vmem_shared>>
      %dma_wait3A_116 = arith.constant 0 : i32
      %dma_wait3A_117 = tpu.memref_slice %arg12[%mul3A_46, %dma_wait3A_116] : memref<2688x128xf32, #tpu.memory_space<vmem_shared>> -> memref<160x128xf32, #tpu.memory_space<vmem_shared>>
      tpu.wait_dma2 semaphore(%run_scoped3A_109 : memref<!tpu.dma_semaphore, #tpu.memory_space<semaphore_mem>>) src(%dma_wait3A_117 : memref<160x128xf32, #tpu.memory_space<vmem_shared>>) dst(%arg11 : memref<160x128xf32, #tpu.memory_space<vmem>>)
      tpu.yield
    }) : () -> ()
    %mul3A_47 = arith.constant 2560 : i32
    %mul3A_48 = arith.muli %add3A_1, %mul3A_47 : i32
    %mul3A_49 = arith.constant 160 : i32
    %mul3A_50 = arith.muli %arg1, %mul3A_49 : i32
    %add3A_51 = arith.addi %mul3A_48, %mul3A_50 : i32
    "tpu.region"() ({
      %run_scoped3A_109 = tpu.sem_alloc : memref<!tpu.dma_semaphore, #tpu.memory_space<semaphore_mem>>
      %dma_start3A_110 = arith.constant 0 : i32
      %dma_start3A_111 = tpu.memref_slice %arg6[%add3A_51, %dma_start3A_110] : memref<10240x128xf32, #tpu.memory_space<hbm>> -> memref<160x128xf32, #tpu.memory_space<hbm>>
      %dma_start3A_112 = arith.constant 0 : i32
      %dma_start3A_113 = tpu.memref_slice %arg6[%add3A_51, %dma_start3A_112] : memref<10240x128xf32, #tpu.memory_space<hbm>> -> memref<160x128xf32, #tpu.memory_space<hbm>>
      tpu.enqueue_dma source(%arg11 : memref<160x128xf32, #tpu.memory_space<vmem>>) target(%dma_start3A_113 : memref<160x128xf32, #tpu.memory_space<hbm>>) target_semaphore(%run_scoped3A_109 : memref<!tpu.dma_semaphore, #tpu.memory_space<semaphore_mem>>)
      %dma_wait3A_114 = arith.constant 0 : i32
      %dma_wait3A_115 = tpu.memref_slice %arg6[%add3A_51, %dma_wait3A_114] : memref<10240x128xf32, #tpu.memory_space<hbm>> -> memref<160x128xf32, #tpu.memory_space<hbm>>
      %dma_wait3A_116 = arith.constant 0 : i32
      %dma_wait3A_117 = tpu.memref_slice %arg6[%add3A_51, %dma_wait3A_116] : memref<10240x128xf32, #tpu.memory_space<hbm>> -> memref<160x128xf32, #tpu.memory_space<hbm>>
      tpu.wait_dma2 semaphore(%run_scoped3A_109 : memref<!tpu.dma_semaphore, #tpu.memory_space<semaphore_mem>>) src(%arg11 : memref<160x128xf32, #tpu.memory_space<vmem>>) dst(%dma_wait3A_117 : memref<160x128xf32, #tpu.memory_space<hbm>>)
      tpu.yield
    }) : () -> ()
    "tpu.region"() ({
      %run_scoped3A_109 = tpu.sem_alloc : memref<!tpu.dma_semaphore, #tpu.memory_space<semaphore_mem>>
      tpu.enqueue_dma source(%arg5 : memref<160x128xf32, #tpu.memory_space<hbm>>) target(%arg11 : memref<160x128xf32, #tpu.memory_space<vmem>>) target_semaphore(%run_scoped3A_109 : memref<!tpu.dma_semaphore, #tpu.memory_space<semaphore_mem>>)
      tpu.wait_dma2 semaphore(%run_scoped3A_109 : memref<!tpu.dma_semaphore, #tpu.memory_space<semaphore_mem>>) src(%arg5 : memref<160x128xf32, #tpu.memory_space<hbm>>) dst(%arg11 : memref<160x128xf32, #tpu.memory_space<vmem>>)
      tpu.yield
    }) : () -> ()
    %add3A_52 = arith.constant 2 : i32
    %add3A_53 = arith.addi %add3A_52, %arg0 : i32
    %mul3A_54 = arith.constant 2560 : i32
    %mul3A_55 = arith.muli %add3A_53, %mul3A_54 : i32
    %add3A_56 = arith.addi %mul3A_55, %mul3A_0 : i32
    "tpu.region"() ({
      %run_scoped3A_109 = tpu.sem_alloc : memref<!tpu.dma_semaphore, #tpu.memory_space<semaphore_mem>>
      %dma_start3A_110 = arith.constant 0 : i32
      %dma_start3A_111 = tpu.memref_slice %arg4[%add3A_56, %dma_start3A_110] : memref<10240x125xi32, #tpu.memory_space<hbm>> -> memref<160x125xi32, #tpu.memory_space<hbm>>
      %dma_start3A_112 = arith.constant 0 : i32
      %dma_start3A_113 = tpu.memref_slice %arg4[%add3A_56, %dma_start3A_112] : memref<10240x125xi32, #tpu.memory_space<hbm>> -> memref<160x125xi32, #tpu.memory_space<hbm>>
      tpu.enqueue_dma source(%dma_start3A_113 : memref<160x125xi32, #tpu.memory_space<hbm>>) target(%arg8 : memref<160x125xi32, #tpu.memory_space<vmem>>) target_semaphore(%run_scoped3A_109 : memref<!tpu.dma_semaphore, #tpu.memory_space<semaphore_mem>>)
      %dma_wait3A_114 = arith.constant 0 : i32
      %dma_wait3A_115 = tpu.memref_slice %arg4[%add3A_56, %dma_wait3A_114] : memref<10240x125xi32, #tpu.memory_space<hbm>> -> memref<160x125xi32, #tpu.memory_space<hbm>>
      %dma_wait3A_116 = arith.constant 0 : i32
      %dma_wait3A_117 = tpu.memref_slice %arg4[%add3A_56, %dma_wait3A_116] : memref<10240x125xi32, #tpu.memory_space<hbm>> -> memref<160x125xi32, #tpu.memory_space<hbm>>
      tpu.wait_dma2 semaphore(%run_scoped3A_109 : memref<!tpu.dma_semaphore, #tpu.memory_space<semaphore_mem>>) src(%dma_wait3A_117 : memref<160x125xi32, #tpu.memory_space<hbm>>) dst(%arg8 : memref<160x125xi32, #tpu.memory_space<vmem>>)
      tpu.yield
    }) : () -> ()
    %mul3A_57 = arith.constant 160 : i32
    %mul3A_58 = arith.muli %arg1, %mul3A_57 : i32
    "tpu.region"() ({
      %run_scoped3A_109 = tpu.sem_alloc : memref<!tpu.dma_semaphore, #tpu.memory_space<semaphore_mem>>
      %dma_start3A_110 = arith.constant 0 : i32
      %dma_start3A_111 = tpu.memref_slice %arg12[%mul3A_58, %dma_start3A_110] : memref<2688x128xf32, #tpu.memory_space<vmem_shared>> -> memref<160x128xf32, #tpu.memory_space<vmem_shared>>
      %dma_start3A_112 = arith.constant 0 : i32
      %dma_start3A_113 = tpu.memref_slice %arg12[%mul3A_58, %dma_start3A_112] : memref<2688x128xf32, #tpu.memory_space<vmem_shared>> -> memref<160x128xf32, #tpu.memory_space<vmem_shared>>
      tpu.enqueue_dma source(%arg11 : memref<160x128xf32, #tpu.memory_space<vmem>>) target(%dma_start3A_113 : memref<160x128xf32, #tpu.memory_space<vmem_shared>>) target_semaphore(%run_scoped3A_109 : memref<!tpu.dma_semaphore, #tpu.memory_space<semaphore_mem>>)
      %dma_wait3A_114 = arith.constant 0 : i32
      %dma_wait3A_115 = tpu.memref_slice %arg12[%mul3A_58, %dma_wait3A_114] : memref<2688x128xf32, #tpu.memory_space<vmem_shared>> -> memref<160x128xf32, #tpu.memory_space<vmem_shared>>
      %dma_wait3A_116 = arith.constant 0 : i32
      %dma_wait3A_117 = tpu.memref_slice %arg12[%mul3A_58, %dma_wait3A_116] : memref<2688x128xf32, #tpu.memory_space<vmem_shared>> -> memref<160x128xf32, #tpu.memory_space<vmem_shared>>
      tpu.wait_dma2 semaphore(%run_scoped3A_109 : memref<!tpu.dma_semaphore, #tpu.memory_space<semaphore_mem>>) src(%arg11 : memref<160x128xf32, #tpu.memory_space<vmem>>) dst(%dma_wait3A_117 : memref<160x128xf32, #tpu.memory_space<vmem_shared>>)
      tpu.yield
    }) : () -> ()
    %mul3A_59 = arith.constant 8 : i32
    %mul3A_60 = arith.muli %mul3A_59, %arg1 : i32
    %add3A_61 = arith.constant 2560 : i32
    %add3A_62 = arith.addi %add3A_61, %mul3A_60 : i32
    "tpu.region"() ({
      %run_scoped3A_109 = tpu.sem_alloc : memref<!tpu.dma_semaphore, #tpu.memory_space<semaphore_mem>>
      %dma_start3A_110 = arith.constant 0 : i32
      %dma_start3A_111 = arith.constant 0 : i32
      %dma_start3A_112 = tpu.memref_slice %arg11[%dma_start3A_110, %dma_start3A_111] : memref<160x128xf32, #tpu.memory_space<vmem>> -> memref<8x128xf32, #tpu.memory_space<vmem>>
      %dma_start3A_113 = arith.constant 0 : i32
      %dma_start3A_114 = tpu.memref_slice %arg12[%add3A_62, %dma_start3A_113] : memref<2688x128xf32, #tpu.memory_space<vmem_shared>> -> memref<8x128xf32, #tpu.memory_space<vmem_shared>>
      %dma_start3A_115 = arith.constant 0 : i32
      %dma_start3A_116 = tpu.memref_slice %arg12[%add3A_62, %dma_start3A_115] : memref<2688x128xf32, #tpu.memory_space<vmem_shared>> -> memref<8x128xf32, #tpu.memory_space<vmem_shared>>
      %dma_start3A_117 = arith.constant 0 : i32
      %dma_start3A_118 = arith.constant 0 : i32
      %dma_start3A_119 = tpu.memref_slice %arg11[%dma_start3A_117, %dma_start3A_118] : memref<160x128xf32, #tpu.memory_space<vmem>> -> memref<8x128xf32, #tpu.memory_space<vmem>>
      tpu.enqueue_dma source(%dma_start3A_119 : memref<8x128xf32, #tpu.memory_space<vmem>>) target(%dma_start3A_116 : memref<8x128xf32, #tpu.memory_space<vmem_shared>>) target_semaphore(%run_scoped3A_109 : memref<!tpu.dma_semaphore, #tpu.memory_space<semaphore_mem>>)
      %dma_wait3A_120 = arith.constant 0 : i32
      %dma_wait3A_121 = arith.constant 0 : i32
      %dma_wait3A_122 = tpu.memref_slice %arg11[%dma_wait3A_120, %dma_wait3A_121] : memref<160x128xf32, #tpu.memory_space<vmem>> -> memref<8x128xf32, #tpu.memory_space<vmem>>
      %dma_wait3A_123 = arith.constant 0 : i32
      %dma_wait3A_124 = tpu.memref_slice %arg12[%add3A_62, %dma_wait3A_123] : memref<2688x128xf32, #tpu.memory_space<vmem_shared>> -> memref<8x128xf32, #tpu.memory_space<vmem_shared>>
      %dma_wait3A_125 = arith.constant 0 : i32
      %dma_wait3A_126 = tpu.memref_slice %arg12[%add3A_62, %dma_wait3A_125] : memref<2688x128xf32, #tpu.memory_space<vmem_shared>> -> memref<8x128xf32, #tpu.memory_space<vmem_shared>>
      %dma_wait3A_127 = arith.constant 0 : i32
      %dma_wait3A_128 = arith.constant 0 : i32
      %dma_wait3A_129 = tpu.memref_slice %arg11[%dma_wait3A_127, %dma_wait3A_128] : memref<160x128xf32, #tpu.memory_space<vmem>> -> memref<8x128xf32, #tpu.memory_space<vmem>>
      tpu.wait_dma2 semaphore(%run_scoped3A_109 : memref<!tpu.dma_semaphore, #tpu.memory_space<semaphore_mem>>) src(%dma_wait3A_129 : memref<8x128xf32, #tpu.memory_space<vmem>>) dst(%dma_wait3A_126 : memref<8x128xf32, #tpu.memory_space<vmem_shared>>)
      tpu.yield
    }) : () -> ()
    %barrier3A_63 = arith.constant 0 : index
    tpu.barrier barrier_id(%barrier3A_63)
    %dma_start3A_64 = arith.constant 0 : i32
    %dma_start3A_65 = arith.constant 0 : i32
    %dma_start3A_66 = tpu.memref_slice %arg7[%dma_start3A_64, %dma_start3A_65] : memref<160x125xi32, #tpu.memory_space<vmem>> -> memref<1x125xi32, #tpu.memory_space<vmem>>
    %dma_start3A_67 = tpu.memref_squeeze %dma_start3A_66 : memref<1x125xi32, #tpu.memory_space<vmem>> -> memref<125xi32, #tpu.memory_space<vmem>>
    %dma_start3A_68 = arith.constant 0 : i32
    %dma_start3A_69 = arith.constant 0 : i32
    %dma_start3A_70 = tpu.memref_slice %arg2[%dma_start3A_68, %dma_start3A_69] : memref<10000x128xf32, #tpu.memory_space<hbm>> -> memref<10000x128xf32, #tpu.memory_space<hbm>>
    tpu.enqueue_indirect_dma source(%dma_start3A_70 : memref<10000x128xf32, #tpu.memory_space<hbm>>) target(%arg9 : memref<125x128xf32, #tpu.memory_space<vmem>>) offsets(%dma_start3A_67 : memref<125xi32, #tpu.memory_space<vmem>>) semaphore(%arg13 : memref<!tpu.dma_semaphore, #tpu.memory_space<semaphore_mem>>)
    %dma_start3A_71 = arith.constant 1 : i32
    %dma_start3A_72 = arith.constant 0 : i32
    %dma_start3A_73 = tpu.memref_slice %arg7[%dma_start3A_71, %dma_start3A_72] : memref<160x125xi32, #tpu.memory_space<vmem>> -> memref<1x125xi32, #tpu.memory_space<vmem>>
    %dma_start3A_74 = tpu.memref_squeeze %dma_start3A_73 : memref<1x125xi32, #tpu.memory_space<vmem>> -> memref<125xi32, #tpu.memory_space<vmem>>
    %dma_start3A_75 = arith.constant 0 : i32
    %dma_start3A_76 = arith.constant 0 : i32
    %dma_start3A_77 = tpu.memref_slice %arg2[%dma_start3A_75, %dma_start3A_76] : memref<10000x128xf32, #tpu.memory_space<hbm>> -> memref<10000x128xf32, #tpu.memory_space<hbm>>
    tpu.enqueue_indirect_dma source(%dma_start3A_77 : memref<10000x128xf32, #tpu.memory_space<hbm>>) target(%arg10 : memref<125x128xf32, #tpu.memory_space<vmem>>) offsets(%dma_start3A_74 : memref<125xi32, #tpu.memory_space<vmem>>) semaphore(%arg14 : memref<!tpu.dma_semaphore, #tpu.memory_space<semaphore_mem>>)
    %scan3A_78 = arith.constant 0 : i32
    %scan3A_79 = arith.constant 0 : i32
    %scan3A_80 = arith.constant 79 : i32
    %scan3A_81 = arith.addi %scan3A_79, %scan3A_80 : i32
    %scan3A_82 = arith.constant 1 : i32
    %scan3A_83 = scf.for %scan3A_109 = %scan3A_79 to %scan3A_81 step %scan3A_82 iter_args(%scan3A_110 = %scan3A_78) -> (i32)  : i32 {
      %mul3A_111 = arith.constant 2 : i32
      %mul3A_112 = arith.muli %mul3A_111, %scan3A_109 : i32
      %add3A_113 = arith.constant 0 : i32
      %add3A_114 = arith.addi %mul3A_112, %add3A_113 : i32
      %dma_wait3A_115 = arith.constant 0 : i32
      %dma_wait3A_116 = tpu.memref_slice %arg7[%add3A_114, %dma_wait3A_115] : memref<160x125xi32, #tpu.memory_space<vmem>> -> memref<1x125xi32, #tpu.memory_space<vmem>>
      %dma_wait3A_117 = tpu.memref_squeeze %dma_wait3A_116 : memref<1x125xi32, #tpu.memory_space<vmem>> -> memref<125xi32, #tpu.memory_space<vmem>>
      %dma_wait3A_118 = arith.constant 0 : i32
      %dma_wait3A_119 = arith.constant 0 : i32
      %dma_wait3A_120 = tpu.memref_slice %arg2[%dma_wait3A_118, %dma_wait3A_119] : memref<10000x128xf32, #tpu.memory_space<hbm>> -> memref<10000x128xf32, #tpu.memory_space<hbm>>
      tpu.wait_indirect_dma semaphore(%arg13 : memref<!tpu.dma_semaphore, #tpu.memory_space<semaphore_mem>>) src(%dma_wait3A_120 : memref<10000x128xf32, #tpu.memory_space<hbm>>) dst(%arg9 : memref<125x128xf32, #tpu.memory_space<vmem>>)
      "tpu.region"() ({
        %run_scoped3A_148 = tpu.sem_alloc : memref<!tpu.dma_semaphore, #tpu.memory_space<semaphore_mem>>
        %dma_start3A_149 = arith.constant 0 : i32
        %dma_start3A_150 = tpu.memref_slice %arg8[%add3A_114, %dma_start3A_149] : memref<160x125xi32, #tpu.memory_space<vmem>> -> memref<1x125xi32, #tpu.memory_space<vmem>>
        %dma_start3A_151 = tpu.memref_squeeze %dma_start3A_150 : memref<1x125xi32, #tpu.memory_space<vmem>> -> memref<125xi32, #tpu.memory_space<vmem>>
        %dma_start3A_152 = arith.constant 0 : i32
        %dma_start3A_153 = arith.constant 0 : i32
        %dma_start3A_154 = tpu.memref_slice %arg12[%dma_start3A_152, %dma_start3A_153] : memref<2688x128xf32, #tpu.memory_space<vmem_shared>> -> memref<2688x128xf32, #tpu.memory_space<vmem_shared>>
        tpu.enqueue_indirect_dma source(%arg9 : memref<125x128xf32, #tpu.memory_space<vmem>>) target(%dma_start3A_154 : memref<2688x128xf32, #tpu.memory_space<vmem_shared>>) offsets(%dma_start3A_151 : memref<125xi32, #tpu.memory_space<vmem>>) semaphore(%run_scoped3A_148 : memref<!tpu.dma_semaphore, #tpu.memory_space<semaphore_mem>>) {add = true}
        %dma_wait3A_155 = arith.constant 0 : i32
        %dma_wait3A_156 = tpu.memref_slice %arg8[%add3A_114, %dma_wait3A_155] : memref<160x125xi32, #tpu.memory_space<vmem>> -> memref<1x125xi32, #tpu.memory_space<vmem>>
        %dma_wait3A_157 = tpu.memref_squeeze %dma_wait3A_156 : memref<1x125xi32, #tpu.memory_space<vmem>> -> memref<125xi32, #tpu.memory_space<vmem>>
        %dma_wait3A_158 = arith.constant 0 : i32
        %dma_wait3A_159 = arith.constant 0 : i32
        %dma_wait3A_160 = tpu.memref_slice %arg12[%dma_wait3A_158, %dma_wait3A_159] : memref<2688x128xf32, #tpu.memory_space<vmem_shared>> -> memref<2688x128xf32, #tpu.memory_space<vmem_shared>>
        tpu.wait_indirect_dma semaphore(%run_scoped3A_148 : memref<!tpu.dma_semaphore, #tpu.memory_space<semaphore_mem>>) src(%arg9 : memref<125x128xf32, #tpu.memory_space<vmem>>) dst(%dma_wait3A_160 : memref<2688x128xf32, #tpu.memory_space<vmem_shared>>)
        tpu.yield
      }) : () -> ()
      %add3A_121 = arith.constant 2 : i32
      %add3A_122 = arith.addi %add3A_114, %add3A_121 : i32
      %dma_start3A_123 = arith.constant 0 : i32
      %dma_start3A_124 = tpu.memref_slice %arg7[%add3A_122, %dma_start3A_123] : memref<160x125xi32, #tpu.memory_space<vmem>> -> memref<1x125xi32, #tpu.memory_space<vmem>>
      %dma_start3A_125 = tpu.memref_squeeze %dma_start3A_124 : memref<1x125xi32, #tpu.memory_space<vmem>> -> memref<125xi32, #tpu.memory_space<vmem>>
      %dma_start3A_126 = arith.constant 0 : i32
      %dma_start3A_127 = arith.constant 0 : i32
      %dma_start3A_128 = tpu.memref_slice %arg2[%dma_start3A_126, %dma_start3A_127] : memref<10000x128xf32, #tpu.memory_space<hbm>> -> memref<10000x128xf32, #tpu.memory_space<hbm>>
      tpu.enqueue_indirect_dma source(%dma_start3A_128 : memref<10000x128xf32, #tpu.memory_space<hbm>>) target(%arg9 : memref<125x128xf32, #tpu.memory_space<vmem>>) offsets(%dma_start3A_125 : memref<125xi32, #tpu.memory_space<vmem>>) semaphore(%arg13 : memref<!tpu.dma_semaphore, #tpu.memory_space<semaphore_mem>>)
      %mul3A_129 = arith.constant 2 : i32
      %mul3A_130 = arith.muli %mul3A_129, %scan3A_109 : i32
      %add3A_131 = arith.constant 1 : i32
      %add3A_132 = arith.addi %mul3A_130, %add3A_131 : i32
      %dma_wait3A_133 = arith.constant 0 : i32
      %dma_wait3A_134 = tpu.memref_slice %arg7[%add3A_132, %dma_wait3A_133] : memref<160x125xi32, #tpu.memory_space<vmem>> -> memref<1x125xi32, #tpu.memory_space<vmem>>
      %dma_wait3A_135 = tpu.memref_squeeze %dma_wait3A_134 : memref<1x125xi32, #tpu.memory_space<vmem>> -> memref<125xi32, #tpu.memory_space<vmem>>
      %dma_wait3A_136 = arith.constant 0 : i32
      %dma_wait3A_137 = arith.constant 0 : i32
      %dma_wait3A_138 = tpu.memref_slice %arg2[%dma_wait3A_136, %dma_wait3A_137] : memref<10000x128xf32, #tpu.memory_space<hbm>> -> memref<10000x128xf32, #tpu.memory_space<hbm>>
      tpu.wait_indirect_dma semaphore(%arg14 : memref<!tpu.dma_semaphore, #tpu.memory_space<semaphore_mem>>) src(%dma_wait3A_138 : memref<10000x128xf32, #tpu.memory_space<hbm>>) dst(%arg10 : memref<125x128xf32, #tpu.memory_space<vmem>>)
      "tpu.region"() ({
        %run_scoped3A_148 = tpu.sem_alloc : memref<!tpu.dma_semaphore, #tpu.memory_space<semaphore_mem>>
        %dma_start3A_149 = arith.constant 0 : i32
        %dma_start3A_150 = tpu.memref_slice %arg8[%add3A_132, %dma_start3A_149] : memref<160x125xi32, #tpu.memory_space<vmem>> -> memref<1x125xi32, #tpu.memory_space<vmem>>
        %dma_start3A_151 = tpu.memref_squeeze %dma_start3A_150 : memref<1x125xi32, #tpu.memory_space<vmem>> -> memref<125xi32, #tpu.memory_space<vmem>>
        %dma_start3A_152 = arith.constant 0 : i32
        %dma_start3A_153 = arith.constant 0 : i32
        %dma_start3A_154 = tpu.memref_slice %arg12[%dma_start3A_152, %dma_start3A_153] : memref<2688x128xf32, #tpu.memory_space<vmem_shared>> -> memref<2688x128xf32, #tpu.memory_space<vmem_shared>>
        tpu.enqueue_indirect_dma source(%arg10 : memref<125x128xf32, #tpu.memory_space<vmem>>) target(%dma_start3A_154 : memref<2688x128xf32, #tpu.memory_space<vmem_shared>>) offsets(%dma_start3A_151 : memref<125xi32, #tpu.memory_space<vmem>>) semaphore(%run_scoped3A_148 : memref<!tpu.dma_semaphore, #tpu.memory_space<semaphore_mem>>) {add = true}
        %dma_wait3A_155 = arith.constant 0 : i32
        %dma_wait3A_156 = tpu.memref_slice %arg8[%add3A_132, %dma_wait3A_155] : memref<160x125xi32, #tpu.memory_space<vmem>> -> memref<1x125xi32, #tpu.memory_space<vmem>>
        %dma_wait3A_157 = tpu.memref_squeeze %dma_wait3A_156 : memref<1x125xi32, #tpu.memory_space<vmem>> -> memref<125xi32, #tpu.memory_space<vmem>>
        %dma_wait3A_158 = arith.constant 0 : i32
        %dma_wait3A_159 = arith.constant 0 : i32
        %dma_wait3A_160 = tpu.memref_slice %arg12[%dma_wait3A_158, %dma_wait3A_159] : memref<2688x128xf32, #tpu.memory_space<vmem_shared>> -> memref<2688x128xf32, #tpu.memory_space<vmem_shared>>
        tpu.wait_indirect_dma semaphore(%run_scoped3A_148 : memref<!tpu.dma_semaphore, #tpu.memory_space<semaphore_mem>>) src(%arg10 : memref<125x128xf32, #tpu.memory_space<vmem>>) dst(%dma_wait3A_160 : memref<2688x128xf32, #tpu.memory_space<vmem_shared>>)
        tpu.yield
      }) : () -> ()
      %add3A_139 = arith.constant 2 : i32
      %add3A_140 = arith.addi %add3A_132, %add3A_139 : i32
      %dma_start3A_141 = arith.constant 0 : i32
      %dma_start3A_142 = tpu.memref_slice %arg7[%add3A_140, %dma_start3A_141] : memref<160x125xi32, #tpu.memory_space<vmem>> -> memref<1x125xi32, #tpu.memory_space<vmem>>
      %dma_start3A_143 = tpu.memref_squeeze %dma_start3A_142 : memref<1x125xi32, #tpu.memory_space<vmem>> -> memref<125xi32, #tpu.memory_space<vmem>>
      %dma_start3A_144 = arith.constant 0 : i32
      %dma_start3A_145 = arith.constant 0 : i32
      %dma_start3A_146 = tpu.memref_slice %arg2[%dma_start3A_144, %dma_start3A_145] : memref<10000x128xf32, #tpu.memory_space<hbm>> -> memref<10000x128xf32, #tpu.memory_space<hbm>>
      tpu.enqueue_indirect_dma source(%dma_start3A_146 : memref<10000x128xf32, #tpu.memory_space<hbm>>) target(%arg10 : memref<125x128xf32, #tpu.memory_space<vmem>>) offsets(%dma_start3A_143 : memref<125xi32, #tpu.memory_space<vmem>>) semaphore(%arg14 : memref<!tpu.dma_semaphore, #tpu.memory_space<semaphore_mem>>)
      %scan3A_147 = arith.constant 0 : i32
      scf.yield %scan3A_147 : i32
    }
    %scan3A_84 = arith.constant 79 : i32
    %dma_wait3A_85 = arith.constant 158 : i32
    %dma_wait3A_86 = arith.constant 0 : i32
    %dma_wait3A_87 = tpu.memref_slice %arg7[%dma_wait3A_85, %dma_wait3A_86] : memref<160x125xi32, #tpu.memory_space<vmem>> -> memref<1x125xi32, #tpu.memory_space<vmem>>
    %dma_wait3A_88 = tpu.memref_squeeze %dma_wait3A_87 : memref<1x125xi32, #tpu.memory_space<vmem>> -> memref<125xi32, #tpu.memory_space<vmem>>
    %dma_wait3A_89 = arith.constant 0 : i32
    %dma_wait3A_90 = arith.constant 0 : i32
    %dma_wait3A_91 = tpu.memref_slice %arg2[%dma_wait3A_89, %dma_wait3A_90] : memref<10000x128xf32, #tpu.memory_space<hbm>> -> memref<10000x128xf32, #tpu.memory_space<hbm>>
    tpu.wait_indirect_dma semaphore(%arg13 : memref<!tpu.dma_semaphore, #tpu.memory_space<semaphore_mem>>) src(%dma_wait3A_91 : memref<10000x128xf32, #tpu.memory_space<hbm>>) dst(%arg9 : memref<125x128xf32, #tpu.memory_space<vmem>>)
    %run_scoped3A_92 = arith.constant 158 : i32
    "tpu.region"() ({
      %run_scoped3A_109 = tpu.sem_alloc : memref<!tpu.dma_semaphore, #tpu.memory_space<semaphore_mem>>
      %dma_start3A_110 = arith.constant 0 : i32
      %dma_start3A_111 = tpu.memref_slice %arg8[%run_scoped3A_92, %dma_start3A_110] : memref<160x125xi32, #tpu.memory_space<vmem>> -> memref<1x125xi32, #tpu.memory_space<vmem>>
      %dma_start3A_112 = tpu.memref_squeeze %dma_start3A_111 : memref<1x125xi32, #tpu.memory_space<vmem>> -> memref<125xi32, #tpu.memory_space<vmem>>
      %dma_start3A_113 = arith.constant 0 : i32
      %dma_start3A_114 = arith.constant 0 : i32
      %dma_start3A_115 = tpu.memref_slice %arg12[%dma_start3A_113, %dma_start3A_114] : memref<2688x128xf32, #tpu.memory_space<vmem_shared>> -> memref<2688x128xf32, #tpu.memory_space<vmem_shared>>
      tpu.enqueue_indirect_dma source(%arg9 : memref<125x128xf32, #tpu.memory_space<vmem>>) target(%dma_start3A_115 : memref<2688x128xf32, #tpu.memory_space<vmem_shared>>) offsets(%dma_start3A_112 : memref<125xi32, #tpu.memory_space<vmem>>) semaphore(%run_scoped3A_109 : memref<!tpu.dma_semaphore, #tpu.memory_space<semaphore_mem>>) {add = true}
      %dma_wait3A_116 = arith.constant 0 : i32
      %dma_wait3A_117 = tpu.memref_slice %arg8[%run_scoped3A_92, %dma_wait3A_116] : memref<160x125xi32, #tpu.memory_space<vmem>> -> memref<1x125xi32, #tpu.memory_space<vmem>>
      %dma_wait3A_118 = tpu.memref_squeeze %dma_wait3A_117 : memref<1x125xi32, #tpu.memory_space<vmem>> -> memref<125xi32, #tpu.memory_space<vmem>>
      %dma_wait3A_119 = arith.constant 0 : i32
      %dma_wait3A_120 = arith.constant 0 : i32
      %dma_wait3A_121 = tpu.memref_slice %arg12[%dma_wait3A_119, %dma_wait3A_120] : memref<2688x128xf32, #tpu.memory_space<vmem_shared>> -> memref<2688x128xf32, #tpu.memory_space<vmem_shared>>
      tpu.wait_indirect_dma semaphore(%run_scoped3A_109 : memref<!tpu.dma_semaphore, #tpu.memory_space<semaphore_mem>>) src(%arg9 : memref<125x128xf32, #tpu.memory_space<vmem>>) dst(%dma_wait3A_121 : memref<2688x128xf32, #tpu.memory_space<vmem_shared>>)
      tpu.yield
    }) : () -> ()
    %dma_wait3A_93 = arith.constant 159 : i32
    %dma_wait3A_94 = arith.constant 0 : i32
    %dma_wait3A_95 = tpu.memref_slice %arg7[%dma_wait3A_93, %dma_wait3A_94] : memref<160x125xi32, #tpu.memory_space<vmem>> -> memref<1x125xi32, #tpu.memory_space<vmem>>
    %dma_wait3A_96 = tpu.memref_squeeze %dma_wait3A_95 : memref<1x125xi32, #tpu.memory_space<vmem>> -> memref<125xi32, #tpu.memory_space<vmem>>
    %dma_wait3A_97 = arith.constant 0 : i32
    %dma_wait3A_98 = arith.constant 0 : i32
    %dma_wait3A_99 = tpu.memref_slice %arg2[%dma_wait3A_97, %dma_wait3A_98] : memref<10000x128xf32, #tpu.memory_space<hbm>> -> memref<10000x128xf32, #tpu.memory_space<hbm>>
    tpu.wait_indirect_dma semaphore(%arg14 : memref<!tpu.dma_semaphore, #tpu.memory_space<semaphore_mem>>) src(%dma_wait3A_99 : memref<10000x128xf32, #tpu.memory_space<hbm>>) dst(%arg10 : memref<125x128xf32, #tpu.memory_space<vmem>>)
    %run_scoped3A_100 = arith.constant 159 : i32
    "tpu.region"() ({
      %run_scoped3A_109 = tpu.sem_alloc : memref<!tpu.dma_semaphore, #tpu.memory_space<semaphore_mem>>
      %dma_start3A_110 = arith.constant 0 : i32
      %dma_start3A_111 = tpu.memref_slice %arg8[%run_scoped3A_100, %dma_start3A_110] : memref<160x125xi32, #tpu.memory_space<vmem>> -> memref<1x125xi32, #tpu.memory_space<vmem>>
      %dma_start3A_112 = tpu.memref_squeeze %dma_start3A_111 : memref<1x125xi32, #tpu.memory_space<vmem>> -> memref<125xi32, #tpu.memory_space<vmem>>
      %dma_start3A_113 = arith.constant 0 : i32
      %dma_start3A_114 = arith.constant 0 : i32
      %dma_start3A_115 = tpu.memref_slice %arg12[%dma_start3A_113, %dma_start3A_114] : memref<2688x128xf32, #tpu.memory_space<vmem_shared>> -> memref<2688x128xf32, #tpu.memory_space<vmem_shared>>
      tpu.enqueue_indirect_dma source(%arg10 : memref<125x128xf32, #tpu.memory_space<vmem>>) target(%dma_start3A_115 : memref<2688x128xf32, #tpu.memory_space<vmem_shared>>) offsets(%dma_start3A_112 : memref<125xi32, #tpu.memory_space<vmem>>) semaphore(%run_scoped3A_109 : memref<!tpu.dma_semaphore, #tpu.memory_space<semaphore_mem>>) {add = true}
      %dma_wait3A_116 = arith.constant 0 : i32
      %dma_wait3A_117 = tpu.memref_slice %arg8[%run_scoped3A_100, %dma_wait3A_116] : memref<160x125xi32, #tpu.memory_space<vmem>> -> memref<1x125xi32, #tpu.memory_space<vmem>>
      %dma_wait3A_118 = tpu.memref_squeeze %dma_wait3A_117 : memref<1x125xi32, #tpu.memory_space<vmem>> -> memref<125xi32, #tpu.memory_space<vmem>>
      %dma_wait3A_119 = arith.constant 0 : i32
      %dma_wait3A_120 = arith.constant 0 : i32
      %dma_wait3A_121 = tpu.memref_slice %arg12[%dma_wait3A_119, %dma_wait3A_120] : memref<2688x128xf32, #tpu.memory_space<vmem_shared>> -> memref<2688x128xf32, #tpu.memory_space<vmem_shared>>
      tpu.wait_indirect_dma semaphore(%run_scoped3A_109 : memref<!tpu.dma_semaphore, #tpu.memory_space<semaphore_mem>>) src(%arg10 : memref<125x128xf32, #tpu.memory_space<vmem>>) dst(%dma_wait3A_121 : memref<2688x128xf32, #tpu.memory_space<vmem_shared>>)
      tpu.yield
    }) : () -> ()
    %barrier3A_101 = arith.constant 0 : index
    tpu.barrier barrier_id(%barrier3A_101)
    %mul3A_102 = arith.constant 160 : i32
    %mul3A_103 = arith.muli %arg1, %mul3A_102 : i32
    "tpu.region"() ({
      %run_scoped3A_109 = tpu.sem_alloc : memref<!tpu.dma_semaphore, #tpu.memory_space<semaphore_mem>>
      %dma_start3A_110 = arith.constant 0 : i32
      %dma_start3A_111 = tpu.memref_slice %arg12[%mul3A_103, %dma_start3A_110] : memref<2688x128xf32, #tpu.memory_space<vmem_shared>> -> memref<160x128xf32, #tpu.memory_space<vmem_shared>>
      %dma_start3A_112 = arith.constant 0 : i32
      %dma_start3A_113 = tpu.memref_slice %arg12[%mul3A_103, %dma_start3A_112] : memref<2688x128xf32, #tpu.memory_space<vmem_shared>> -> memref<160x128xf32, #tpu.memory_space<vmem_shared>>
      tpu.enqueue_dma source(%dma_start3A_113 : memref<160x128xf32, #tpu.memory_space<vmem_shared>>) target(%arg11 : memref<160x128xf32, #tpu.memory_space<vmem>>) target_semaphore(%run_scoped3A_109 : memref<!tpu.dma_semaphore, #tpu.memory_space<semaphore_mem>>)
      %dma_wait3A_114 = arith.constant 0 : i32
      %dma_wait3A_115 = tpu.memref_slice %arg12[%mul3A_103, %dma_wait3A_114] : memref<2688x128xf32, #tpu.memory_space<vmem_shared>> -> memref<160x128xf32, #tpu.memory_space<vmem_shared>>
      %dma_wait3A_116 = arith.constant 0 : i32
      %dma_wait3A_117 = tpu.memref_slice %arg12[%mul3A_103, %dma_wait3A_116] : memref<2688x128xf32, #tpu.memory_space<vmem_shared>> -> memref<160x128xf32, #tpu.memory_space<vmem_shared>>
      tpu.wait_dma2 semaphore(%run_scoped3A_109 : memref<!tpu.dma_semaphore, #tpu.memory_space<semaphore_mem>>) src(%dma_wait3A_117 : memref<160x128xf32, #tpu.memory_space<vmem_shared>>) dst(%arg11 : memref<160x128xf32, #tpu.memory_space<vmem>>)
      tpu.yield
    }) : () -> ()
    %mul3A_104 = arith.constant 2560 : i32
    %mul3A_105 = arith.muli %add3A_53, %mul3A_104 : i32
    %mul3A_106 = arith.constant 160 : i32
    %mul3A_107 = arith.muli %arg1, %mul3A_106 : i32
    %add3A_108 = arith.addi %mul3A_105, %mul3A_107 : i32
    "tpu.region"() ({
      %run_scoped3A_109 = tpu.sem_alloc : memref<!tpu.dma_semaphore, #tpu.memory_space<semaphore_mem>>
      %dma_start3A_110 = arith.constant 0 : i32
      %dma_start3A_111 = tpu.memref_slice %arg6[%add3A_108, %dma_start3A_110] : memref<10240x128xf32, #tpu.memory_space<hbm>> -> memref<160x128xf32, #tpu.memory_space<hbm>>
      %dma_start3A_112 = arith.constant 0 : i32
      %dma_start3A_113 = tpu.memref_slice %arg6[%add3A_108, %dma_start3A_112] : memref<10240x128xf32, #tpu.memory_space<hbm>> -> memref<160x128xf32, #tpu.memory_space<hbm>>
      tpu.enqueue_dma source(%arg11 : memref<160x128xf32, #tpu.memory_space<vmem>>) target(%dma_start3A_113 : memref<160x128xf32, #tpu.memory_space<hbm>>) target_semaphore(%run_scoped3A_109 : memref<!tpu.dma_semaphore, #tpu.memory_space<semaphore_mem>>)
      %dma_wait3A_114 = arith.constant 0 : i32
      %dma_wait3A_115 = tpu.memref_slice %arg6[%add3A_108, %dma_wait3A_114] : memref<10240x128xf32, #tpu.memory_space<hbm>> -> memref<160x128xf32, #tpu.memory_space<hbm>>
      %dma_wait3A_116 = arith.constant 0 : i32
      %dma_wait3A_117 = tpu.memref_slice %arg6[%add3A_108, %dma_wait3A_116] : memref<10240x128xf32, #tpu.memory_space<hbm>> -> memref<160x128xf32, #tpu.memory_space<hbm>>
      tpu.wait_dma2 semaphore(%run_scoped3A_109 : memref<!tpu.dma_semaphore, #tpu.memory_space<semaphore_mem>>) src(%arg11 : memref<160x128xf32, #tpu.memory_space<vmem>>) dst(%dma_wait3A_117 : memref<160x128xf32, #tpu.memory_space<hbm>>)
      tpu.yield
    }) : () -> ()
    "tpu.region"() ({
      %run_scoped3A_109 = tpu.sem_alloc : memref<!tpu.dma_semaphore, #tpu.memory_space<semaphore_mem>>
      tpu.enqueue_dma source(%arg5 : memref<160x128xf32, #tpu.memory_space<hbm>>) target(%arg11 : memref<160x128xf32, #tpu.memory_space<vmem>>) target_semaphore(%run_scoped3A_109 : memref<!tpu.dma_semaphore, #tpu.memory_space<semaphore_mem>>)
      tpu.wait_dma2 semaphore(%run_scoped3A_109 : memref<!tpu.dma_semaphore, #tpu.memory_space<semaphore_mem>>) src(%arg5 : memref<160x128xf32, #tpu.memory_space<hbm>>) dst(%arg11 : memref<160x128xf32, #tpu.memory_space<vmem>>)
      tpu.yield
    }) : () -> ()
    return
  }
}

module attributes {stable_mosaic.version = 14 : i64} {
  func.func @_prep_body(%arg0: i32, %arg1: memref<2000x128xf32, #tpu.memory_space<vmem>>, %arg2: memref<2000x16xf32, #tpu.memory_space<vmem>>, %arg3: memref<2000x128xf32, #tpu.memory_space<vmem>>) attributes {dimension_semantics = [#tpu.dimension_semantics<arbitrary>], iteration_bounds = array<i64: 5>, scalar_prefetch = 0 : i64, scratch_operands = 0 : i64, tpu.core_type = #tpu.core_type<tc>, window_params = [{transform_indices = @transform_0, window_bounds = array<i64: 2000, 128>}, {transform_indices = @transform_1, window_bounds = array<i64: 2000, 16>}, {transform_indices = @transform_2, window_bounds = array<i64: 2000, 128>}]} {
    %get3A = arith.constant 0 : index
    %get3A_0 = arith.constant 0 : index
    %get3A_1 = vector.load %arg1[%get3A, %get3A_0] : memref<2000x128xf32, #tpu.memory_space<vmem>>, vector<2000x128xf32>
    %get3A_2 = arith.constant 0 : index
    %get3A_3 = arith.constant 0 : index
    %get3A_4 = vector.load %arg2[%get3A_2, %get3A_3] : memref<2000x16xf32, #tpu.memory_space<vmem>>, vector<2000x1xf32>
    %get3A_5 = vector.shape_cast %get3A_4 : vector<2000x1xf32> to vector<2000xf32>
    %max3A = arith.constant 1.000000e+00 : f32
    %max3A_6 = vector.broadcast %max3A : f32 to vector<2000xf32>
    %max3A_7 = arith.maximumf %get3A_5, %max3A_6 : vector<2000xf32>
    %rsqrt3A = math.rsqrt %max3A_7 : vector<2000xf32>
    %broadcast_in_dim3A = vector.shape_cast %rsqrt3A : vector<2000xf32> to vector<2000x1xf32>
    %mul3A = vector.broadcast %broadcast_in_dim3A : vector<2000x1xf32> to vector<2000x128xf32>
    %mul3A_8 = arith.mulf %get3A_1, %mul3A : vector<2000x128xf32>
    %swap3A = arith.constant 0 : index
    %swap3A_9 = arith.constant 0 : index
    %swap3A_10 = vector.load %arg3[%swap3A, %swap3A_9] : memref<2000x128xf32, #tpu.memory_space<vmem>>, vector<2000x128xf32>
    tpu.vector_store %arg3[%swap3A, %swap3A_9], %mul3A_8 {strides = array<i32>} : memref<2000x128xf32, #tpu.memory_space<vmem>>, vector<2000x128xf32>,
    return
  }
  func.func @transform_0(%arg0: i32) -> (i32, i32) {
    %c0_i32 = arith.constant 0 : i32
    %c0_i32_0 = arith.constant 0 : i32
    return %arg0, %c0_i32 : i32, i32
  }
  func.func @transform_1(%arg0: i32) -> (i32, i32) {
    %c0_i32 = arith.constant 0 : i32
    %c0_i32_0 = arith.constant 0 : i32
    return %arg0, %c0_i32 : i32, i32
  }
  func.func @transform_2(%arg0: i32) -> (i32, i32) {
    %c0_i32 = arith.constant 0 : i32
    %c0_i32_0 = arith.constant 0 : i32
    return %arg0, %c0_i32 : i32, i32
  }
}

module attributes {stable_mosaic.version = 14 : i64} {
  func.func @_layer_body(%arg0: i32, %arg1: memref<2000x128xf32, #tpu.memory_space<vmem>>, %arg2: memref<2000x16xf32, #tpu.memory_space<vmem>>, %arg3: memref<2000x16xf32, #tpu.memory_space<vmem>>, %arg4: memref<128x128xf32, #tpu.memory_space<vmem>>, %arg5: memref<1x128xf32, #tpu.memory_space<vmem>>, %arg6: memref<2000x128xf32, #tpu.memory_space<vmem>>) attributes {dimension_semantics = [#tpu.dimension_semantics<arbitrary>], iteration_bounds = array<i64: 5>, scalar_prefetch = 0 : i64, scratch_operands = 0 : i64, tpu.core_type = #tpu.core_type<tc>, window_params = [{transform_indices = @transform_0, window_bounds = array<i64: 2000, 128>}, {transform_indices = @transform_1, window_bounds = array<i64: 2000, 16>}, {transform_indices = @transform_2, window_bounds = array<i64: 2000, 16>}, {pipeline_mode = #tpu.pipeline_mode<synchronous>, transform_indices = @transform_3, window_bounds = array<i64: 128, 128>}, {pipeline_mode = #tpu.pipeline_mode<synchronous>, transform_indices = @transform_4, window_bounds = array<i64: 1, 128>}, {transform_indices = @transform_5, window_bounds = array<i64: 2000, 128>}]} {
    %get3A = arith.constant 0 : index
    %get3A_0 = arith.constant 0 : index
    %get3A_1 = vector.load %arg1[%get3A, %get3A_0] : memref<2000x128xf32, #tpu.memory_space<vmem>>, vector<2000x128xf32>
    %get3A_2 = arith.constant 0 : index
    %get3A_3 = arith.constant 0 : index
    %get3A_4 = vector.load %arg2[%get3A_2, %get3A_3] : memref<2000x16xf32, #tpu.memory_space<vmem>>, vector<2000x1xf32>
    %get3A_5 = vector.shape_cast %get3A_4 : vector<2000x1xf32> to vector<2000xf32>
    %max3A = arith.constant 1.000000e+00 : f32
    %max3A_6 = vector.broadcast %max3A : f32 to vector<2000xf32>
    %max3A_7 = arith.maximumf %get3A_5, %max3A_6 : vector<2000xf32>
    %rsqrt3A = math.rsqrt %max3A_7 : vector<2000xf32>
    %broadcast_in_dim3A = vector.shape_cast %rsqrt3A : vector<2000xf32> to vector<2000x1xf32>
    %mul3A = vector.broadcast %broadcast_in_dim3A : vector<2000x1xf32> to vector<2000x128xf32>
    %mul3A_8 = arith.mulf %get3A_1, %mul3A : vector<2000x128xf32>
    %get3A_9 = arith.constant 0 : index
    %get3A_10 = arith.constant 0 : index
    %get3A_11 = vector.load %arg4[%get3A_9, %get3A_10] : memref<128x128xf32, #tpu.memory_space<vmem>>, vector<128x128xf32>
    %dot_general3A = arith.constant dense<0.000000e+00> : vector<2000x128xf32>
    %dot_general3A_12 = tpu.matmul %mul3A_8, %get3A_11, %dot_general3A {dimension_numbers = #tpu.dot_dimension_numbers<[1], [0], [0], [1], [0, 0, 1, 1], [], []>, transpose_lhs_hint = false} : vector<2000x128xf32>, vector<128x128xf32>, vector<2000x128xf32> -> vector<2000x128xf32>
    %get3A_13 = arith.constant 0 : index
    %get3A_14 = arith.constant 0 : index
    %get3A_15 = vector.load %arg5[%get3A_13, %get3A_14] : memref<1x128xf32, #tpu.memory_space<vmem>>, vector<1x128xf32>
    %add3A = vector.broadcast %get3A_15 : vector<1x128xf32> to vector<2000x128xf32>
    %add3A_16 = arith.addf %dot_general3A_12, %add3A : vector<2000x128xf32>
    %max3A_17 = arith.constant 0.000000e+00 : f32
    %max3A_18 = vector.broadcast %max3A_17 : f32 to vector<2000x128xf32>
    %max3A_19 = arith.maximumf %add3A_16, %max3A_18 : vector<2000x128xf32>
    %mul3A_20 = arith.mulf %max3A_19, %max3A_19 : vector<2000x128xf32>
    %reduce_sum3A = arith.constant dense<0.000000e+00> : vector<2000xf32>
    %reduce_sum3A_21 = vector.multi_reduction <add>, %mul3A_20, %reduce_sum3A [1] : vector<2000x128xf32> to vector<2000xf32>
    %broadcast_in_dim3A_22 = vector.shape_cast %reduce_sum3A_21 : vector<2000xf32> to vector<2000x1xf32>
    %sqrt3A = math.sqrt %broadcast_in_dim3A_22 : vector<2000x1xf32>
    %max3A_23 = arith.constant 9.99999996E-13 : f32
    %max3A_24 = vector.broadcast %max3A_23 : f32 to vector<2000x1xf32>
    %max3A_25 = arith.maximumf %sqrt3A, %max3A_24 : vector<2000x1xf32>
    %div3A = vector.broadcast %max3A_25 : vector<2000x1xf32> to vector<2000x128xf32>
    %div3A_26 = arith.divf %max3A_19, %div3A : vector<2000x128xf32>
    %get3A_27 = arith.constant 0 : index
    %get3A_28 = arith.constant 0 : index
    %get3A_29 = vector.load %arg3[%get3A_27, %get3A_28] : memref<2000x16xf32, #tpu.memory_space<vmem>>, vector<2000x1xf32>
    %get3A_30 = vector.shape_cast %get3A_29 : vector<2000x1xf32> to vector<2000xf32>
    %max3A_31 = arith.constant 1.000000e+00 : f32
    %max3A_32 = vector.broadcast %max3A_31 : f32 to vector<2000xf32>
    %max3A_33 = arith.maximumf %get3A_30, %max3A_32 : vector<2000xf32>
    %rsqrt3A_34 = math.rsqrt %max3A_33 : vector<2000xf32>
    %broadcast_in_dim3A_35 = vector.shape_cast %rsqrt3A_34 : vector<2000xf32> to vector<2000x1xf32>
    %mul3A_36 = vector.broadcast %broadcast_in_dim3A_35 : vector<2000x1xf32> to vector<2000x128xf32>
    %mul3A_37 = arith.mulf %div3A_26, %mul3A_36 : vector<2000x128xf32>
    %swap3A = arith.constant 0 : index
    %swap3A_38 = arith.constant 0 : index
    %swap3A_39 = vector.load %arg6[%swap3A, %swap3A_38] : memref<2000x128xf32, #tpu.memory_space<vmem>>, vector<2000x128xf32>
    tpu.vector_store %arg6[%swap3A, %swap3A_38], %mul3A_37 {strides = array<i32>} : memref<2000x128xf32, #tpu.memory_space<vmem>>, vector<2000x128xf32>,
    return
  }
  func.func @transform_0(%arg0: i32) -> (i32, i32) {
    %c0_i32 = arith.constant 0 : i32
    %c0_i32_0 = arith.constant 0 : i32
    return %arg0, %c0_i32 : i32, i32
  }
  func.func @transform_1(%arg0: i32) -> (i32, i32) {
    %c0_i32 = arith.constant 0 : i32
    %c0_i32_0 = arith.constant 0 : i32
    return %arg0, %c0_i32 : i32, i32
  }
  func.func @transform_2(%arg0: i32) -> (i32, i32) {
    %c0_i32 = arith.constant 0 : i32
    %c0_i32_0 = arith.constant 0 : i32
    return %arg0, %c0_i32 : i32, i32
  }
  func.func @transform_3(%arg0: i32) -> (i32, i32) {
    %c0_i32 = arith.constant 0 : i32
    %c0_i32_0 = arith.constant 0 : i32
    %c0_i32_1 = arith.constant 0 : i32
    return %c0_i32, %c0_i32_0 : i32, i32
  }
  func.func @transform_4(%arg0: i32) -> (i32, i32) {
    %c0_i32 = arith.constant 0 : i32
    %c0_i32_0 = arith.constant 0 : i32
    %c0_i32_1 = arith.constant 0 : i32
    return %c0_i32, %c0_i32_0 : i32, i32
  }
  func.func @transform_5(%arg0: i32) -> (i32, i32) {
    %c0_i32 = arith.constant 0 : i32
    %c0_i32_0 = arith.constant 0 : i32
    return %arg0, %c0_i32 : i32, i32
  }
}

module attributes {stable_mosaic.version = 14 : i64} {
  func.func @_final_body(%arg0: i32, %arg1: memref<2000x128xf32, #tpu.memory_space<vmem>>, %arg2: memref<2000x16xf32, #tpu.memory_space<vmem>>, %arg3: memref<2000x128xf32, #tpu.memory_space<vmem>>, %arg4: memref<128x128xf32, #tpu.memory_space<vmem>>, %arg5: memref<1x128xf32, #tpu.memory_space<vmem>>, %arg6: memref<2000x128xf32, #tpu.memory_space<vmem>>) attributes {dimension_semantics = [#tpu.dimension_semantics<arbitrary>], iteration_bounds = array<i64: 5>, scalar_prefetch = 0 : i64, scratch_operands = 0 : i64, tpu.core_type = #tpu.core_type<tc>, window_params = [{transform_indices = @transform_0, window_bounds = array<i64: 2000, 128>}, {transform_indices = @transform_1, window_bounds = array<i64: 2000, 16>}, {transform_indices = @transform_2, window_bounds = array<i64: 2000, 128>}, {pipeline_mode = #tpu.pipeline_mode<synchronous>, transform_indices = @transform_3, window_bounds = array<i64: 128, 128>}, {pipeline_mode = #tpu.pipeline_mode<synchronous>, transform_indices = @transform_4, window_bounds = array<i64: 1, 128>}, {transform_indices = @transform_5, window_bounds = array<i64: 2000, 128>}]} {
    %get3A = arith.constant 0 : index
    %get3A_0 = arith.constant 0 : index
    %get3A_1 = vector.load %arg1[%get3A, %get3A_0] : memref<2000x128xf32, #tpu.memory_space<vmem>>, vector<2000x128xf32>
    %get3A_2 = arith.constant 0 : index
    %get3A_3 = arith.constant 0 : index
    %get3A_4 = vector.load %arg2[%get3A_2, %get3A_3] : memref<2000x16xf32, #tpu.memory_space<vmem>>, vector<2000x1xf32>
    %get3A_5 = vector.shape_cast %get3A_4 : vector<2000x1xf32> to vector<2000xf32>
    %max3A = arith.constant 1.000000e+00 : f32
    %max3A_6 = vector.broadcast %max3A : f32 to vector<2000xf32>
    %max3A_7 = arith.maximumf %get3A_5, %max3A_6 : vector<2000xf32>
    %rsqrt3A = math.rsqrt %max3A_7 : vector<2000xf32>
    %broadcast_in_dim3A = vector.shape_cast %rsqrt3A : vector<2000xf32> to vector<2000x1xf32>
    %mul3A = vector.broadcast %broadcast_in_dim3A : vector<2000x1xf32> to vector<2000x128xf32>
    %mul3A_8 = arith.mulf %get3A_1, %mul3A : vector<2000x128xf32>
    %get3A_9 = arith.constant 0 : index
    %get3A_10 = arith.constant 0 : index
    %get3A_11 = vector.load %arg4[%get3A_9, %get3A_10] : memref<128x128xf32, #tpu.memory_space<vmem>>, vector<128x128xf32>
    %dot_general3A = arith.constant dense<0.000000e+00> : vector<2000x128xf32>
    %dot_general3A_12 = tpu.matmul %mul3A_8, %get3A_11, %dot_general3A {dimension_numbers = #tpu.dot_dimension_numbers<[1], [0], [0], [1], [0, 0, 1, 1], [], []>, transpose_lhs_hint = false} : vector<2000x128xf32>, vector<128x128xf32>, vector<2000x128xf32> -> vector<2000x128xf32>
    %get3A_13 = arith.constant 0 : index
    %get3A_14 = arith.constant 0 : index
    %get3A_15 = vector.load %arg5[%get3A_13, %get3A_14] : memref<1x128xf32, #tpu.memory_space<vmem>>, vector<1x128xf32>
    %add3A = vector.broadcast %get3A_15 : vector<1x128xf32> to vector<2000x128xf32>
    %add3A_16 = arith.addf %dot_general3A_12, %add3A : vector<2000x128xf32>
    %max3A_17 = arith.constant 0.000000e+00 : f32
    %max3A_18 = vector.broadcast %max3A_17 : f32 to vector<2000x128xf32>
    %max3A_19 = arith.maximumf %add3A_16, %max3A_18 : vector<2000x128xf32>
    %mul3A_20 = arith.mulf %max3A_19, %max3A_19 : vector<2000x128xf32>
    %reduce_sum3A = arith.constant dense<0.000000e+00> : vector<2000xf32>
    %reduce_sum3A_21 = vector.multi_reduction <add>, %mul3A_20, %reduce_sum3A [1] : vector<2000x128xf32> to vector<2000xf32>
    %broadcast_in_dim3A_22 = vector.shape_cast %reduce_sum3A_21 : vector<2000xf32> to vector<2000x1xf32>
    %sqrt3A = math.sqrt %broadcast_in_dim3A_22 : vector<2000x1xf32>
    %max3A_23 = arith.constant 9.99999996E-13 : f32
    %max3A_24 = vector.broadcast %max3A_23 : f32 to vector<2000x1xf32>
    %max3A_25 = arith.maximumf %sqrt3A, %max3A_24 : vector<2000x1xf32>
    %div3A = vector.broadcast %max3A_25 : vector<2000x1xf32> to vector<2000x128xf32>
    %div3A_26 = arith.divf %max3A_19, %div3A : vector<2000x128xf32>
    %get3A_27 = arith.constant 0 : index
    %get3A_28 = arith.constant 0 : index
    %get3A_29 = vector.load %arg3[%get3A_27, %get3A_28] : memref<2000x128xf32, #tpu.memory_space<vmem>>, vector<2000x128xf32>
    %add3A_30 = arith.addf %div3A_26, %get3A_29 : vector<2000x128xf32>
    %max3A_31 = arith.constant 0.000000e+00 : f32
    %max3A_32 = vector.broadcast %max3A_31 : f32 to vector<2000x128xf32>
    %max3A_33 = arith.maximumf %add3A_30, %max3A_32 : vector<2000x128xf32>
    %mul3A_34 = arith.mulf %max3A_33, %max3A_33 : vector<2000x128xf32>
    %reduce_sum3A_35 = arith.constant dense<0.000000e+00> : vector<2000xf32>
    %reduce_sum3A_36 = vector.multi_reduction <add>, %mul3A_34, %reduce_sum3A_35 [1] : vector<2000x128xf32> to vector<2000xf32>
    %broadcast_in_dim3A_37 = vector.shape_cast %reduce_sum3A_36 : vector<2000xf32> to vector<2000x1xf32>
    %sqrt3A_38 = math.sqrt %broadcast_in_dim3A_37 : vector<2000x1xf32>
    %max3A_39 = arith.constant 9.99999996E-13 : f32
    %max3A_40 = vector.broadcast %max3A_39 : f32 to vector<2000x1xf32>
    %max3A_41 = arith.maximumf %sqrt3A_38, %max3A_40 : vector<2000x1xf32>
    %div3A_42 = vector.broadcast %max3A_41 : vector<2000x1xf32> to vector<2000x128xf32>
    %div3A_43 = arith.divf %max3A_33, %div3A_42 : vector<2000x128xf32>
    %swap3A = arith.constant 0 : index
    %swap3A_44 = arith.constant 0 : index
    %swap3A_45 = vector.load %arg6[%swap3A, %swap3A_44] : memref<2000x128xf32, #tpu.memory_space<vmem>>, vector<2000x128xf32>
    tpu.vector_store %arg6[%swap3A, %swap3A_44], %div3A_43 {strides = array<i32>} : memref<2000x128xf32, #tpu.memory_space<vmem>>, vector<2000x128xf32>,
    return
  }
  func.func @transform_0(%arg0: i32) -> (i32, i32) {
    %c0_i32 = arith.constant 0 : i32
    %c0_i32_0 = arith.constant 0 : i32
    return %arg0, %c0_i32 : i32, i32
  }
  func.func @transform_1(%arg0: i32) -> (i32, i32) {
    %c0_i32 = arith.constant 0 : i32
    %c0_i32_0 = arith.constant 0 : i32
    return %arg0, %c0_i32 : i32, i32
  }
  func.func @transform_2(%arg0: i32) -> (i32, i32) {
    %c0_i32 = arith.constant 0 : i32
    %c0_i32_0 = arith.constant 0 : i32
    return %arg0, %c0_i32 : i32, i32
  }
  func.func @transform_3(%arg0: i32) -> (i32, i32) {
    %c0_i32 = arith.constant 0 : i32
    %c0_i32_0 = arith.constant 0 : i32
    %c0_i32_1 = arith.constant 0 : i32
    return %c0_i32, %c0_i32_0 : i32, i32
  }
  func.func @transform_4(%arg0: i32) -> (i32, i32) {
    %c0_i32 = arith.constant 0 : i32
    %c0_i32_0 = arith.constant 0 : i32
    %c0_i32_1 = arith.constant 0 : i32
    return %c0_i32, %c0_i32_0 : i32, i32
  }
  func.func @transform_5(%arg0: i32) -> (i32, i32) {
    %c0_i32 = arith.constant 0 : i32
    %c0_i32_0 = arith.constant 0 : i32
    return %arg0, %c0_i32 : i32, i32
  }
}

</mosaic_0001>

<sc_bundles>
// kernel: kernel.11.cloned.1.call-start
scs
__scs_entry_jumppad:
0x0: {  	(pc) =	sbr.rel $0x88, $3  }
0x1: {  	(tag) =	ssettag $0x0;
	lr =	simm.s32 $0x1  }
0x2: {  	[smem:$0x3F9B] =	sst lr;
	_ =	strace $0xD0000000  }
0x3: {  	_ = 	snop  }
0x4: {  	_ = 	snop  }
0x5: {  	_ = 	snop  }
0x6: {  	_ = 	snop  }
0x7: {  	_ = 	snop  }
__scs_overlays_trampoline_lowered:
0x8: {  	[smem:$0x3FAA] =	sst s0  }
0x9: {  	[smem:$0x3FAB] =	sst s1  }
0xa: {  	[smem:$0x3FAC] =	sst s2  }
0xb: {  	[smem:$0x3FAD] =	sst s3  }
0xc: {  	[smem:$0x3FAE] =	sst s4  }
0xd: {  	[smem:$0x3FAF] =	sst s5  }
0xe: {  	[smem:$0x3FB0] =	sst s6  }
0xf: {  	[smem:$0x3FB1] =	sst s7  }
0x10: {  	[smem:$0x3FB2] =	sst s8  }
0x11: {  	[smem:$0x3FB3] =	sst s9;
	s0 =	simm.s32 @!p0 $0x0  }
0x12: {  	s1 =	sld [smem:$0x3F99];
	s0 =	simm.s32 @p0 $0x1  }
0x13: {  	[smem:$0x3FB4] =	sst s0;
	s0 =	simm.s32 @!p1 $0x0  }
0x14: {  	s2 =	sld [smem:$0x3F98];
	s0 =	simm.s32 @p1 $0x1  }
0x15: {  	[smem:$0x3FB5] =	sst s0;
	s0 =	simm.s32 @!p2 $0x0  }
0x16: {  	s3 =	sld [smem:$0x3FDB];
	s0 =	simm.s32 @p2 $0x1  }
0x17: {  	s4 =	simm.s32 $0x1BF5;
	[smem:$0x3FB7] =	sst s0  }
0x18: {  	s0 =	sld [smem:$0x3F9A];
	_ =	swait.ge [sflag:s4], $0x0  }
0x19: {  	s7 =	sld [smem:$0x3F9B]  }
0x1a: {  	s8 =	sadd.s32 $0xFFFFE003, lr  }
0x1b: {  	s9 =	sadd.s32 $0xFFFFFEF7, lr;
	s5 =	simm.s32 $0xFFFFFFFF;
	p2 =	slt.u32 s8, $0xFFFFF086  }
0x1c: {  	p1 =	slt.u32 s9, $0xF7A;
	s5 =	simm.s32 @!p2 $0x0  }
0x1d: {  	s5 =	simm.s32 @p1 $0x1;
	p0 =	seq.s32 s7, s2  }
0x1e: {  	s7 =	smul.u32 @!p0 $0xF7A, s2;
	p2 =	seq.s32 @!p0 s5, $0x0  }
0x1f: {  	s9 =	smul.u32 $0xF7A, s1;
	s8 =	simm.s32 @!p0 $0x1BF5;
	p2 =	por !p2, p0  }
0x20: {  	[sflag:s8] =	ssyncset.s32 @!p0 $0xFFFFF086;
	s6 =	sadd.s32 @!p0 s3, s7;
	s7 =	simm.s32 @!p0 $0x108  }
0x21: {  	s3 =	sadd.s32 s3, s9;
	s6 =	sadd.s32 @!p0 $0x88, s6;
	s7 =	simm.s32 @p2 $0x1082  }
0x22: {  	[simem:s7], [sflag:s8] =	dma.local @!p0 [hbm:s6], $0xF7A  }
0x23: {  	s9 =	sor.u32 $0xD0000000, s2;
	s6 =	simm.s32 $0x108;
	_ =	swait.ge @!p0 [sflag:s8], $0x0  }
0x24: {  	s3 =	sadd.s32 $0x88, s3;
	s6 =	simm.s32 @!p1 $0x1082;
	[sflag:s4] =	ssyncset.s32 $0xFFFFF086  }
0x25: {  	[simem:s6], [sflag:s4] =	dma.local [hbm:s3], $0xF7A  }
0x26: {  	[smem:$0x3F9B] =	sst s1;
	(tag) =	ssettag s2;
	_ =	strace s9  }
0x27: {  	s1 =	sld [smem:$0x3FAB]  }
0x28: {  	s2 =	sld [smem:$0x3FAC]  }
0x29: {  	s4 =	sld [smem:$0x3FAE]  }
0x2a: {  	p0 =	seq.s32 s5, $0x0;
	s5 =	sld [smem:$0x3FAF]  }
0x2b: {  	s6 =	sld [smem:$0x3FB0]  }
0x2c: {  	s7 =	sld [smem:$0x3FB1]  }
0x2d: {  	s3 =	simm.s32 $0x108;
	s8 =	sld [smem:$0x3FB2]  }
0x2e: {  	s3 =	simm.s32 @!p0 $0x1082;
	s9 =	sld [smem:$0x3FB3]  }
0x2f: {  	lr =	sadd.s32 s0, s3;
	s0 =	sld [smem:$0x3FAA]  }
0x30: {  	s3 =	sld [smem:$0x3FAD]  }
0x31: {  	[smem:$0x3FB6] =	sst s10  }
0x32: {  	s10 =	sld [smem:$0x3FB4];
	_ =	sdelay $0x3  }
0x33: {  	p0 =	seq.s32 s10, $0x1;
	s10 =	sld [smem:$0x3FB6];
	_ =	sdelay $0x3  }
0x34: {  	[smem:$0x3FB6] =	sst s10  }
0x35: {  	s10 =	sld [smem:$0x3FB5];
	_ =	sdelay $0x3  }
0x36: {  	p1 =	seq.s32 s10, $0x1;
	s10 =	sld [smem:$0x3FB6];
	_ =	sdelay $0x3  }
0x37: {  	[smem:$0x3FB6] =	sst s10  }
0x38: {  	s10 =	sld [smem:$0x3FB7]  }
0x39: {  	_ = 	snop;
	(pc) =	sbr.ind lr, $3  }
0x3a: {  	_ = 	snop  }
0x3b: {  	_ = 	snop  }
0x3c: {  	p2 =	seq.s32 s10, $0x1;
	s10 =	sld [smem:$0x3FB6]  }
0x3d: {  	_ =	shalt  }
0x3e: {  	_ =	shalt  }
0x3f: {  	_ =	shalt  }
0x40: {  	_ =	shalt  }
0x41: {  	_ =	shalt  }
0x42: {  	_ =	shalt  }
0x43: {  	_ =	shalt  }
0x44: {  	_ =	shalt  }
0x45: {  	_ =	shalt  }
0x46: {  	_ =	shalt  }
0x47: {  	_ =	shalt  }
0x48: {  	_ =	shalt  }
0x49: {  	_ =	shalt  }
0x4a: {  	_ =	shalt  }
0x4b: {  	_ =	shalt  }
0x4c: {  	_ =	shalt  }
0x4d: {  	_ =	shalt  }
0x4e: {  	_ =	shalt  }
0x4f: {  	_ =	shalt  }
0x50: {  	_ =	shalt  }
0x51: {  	_ =	shalt  }
0x52: {  	_ =	shalt  }
0x53: {  	_ =	shalt  }
0x54: {  	_ =	shalt  }
0x55: {  	_ =	shalt  }
0x56: {  	_ =	shalt  }
0x57: {  	_ =	shalt  }
0x58: {  	_ =	shalt  }
0x59: {  	_ =	shalt  }
0x5a: {  	_ =	shalt  }
0x5b: {  	_ =	shalt  }
0x5c: {  	_ =	shalt  }
0x5d: {  	_ =	shalt  }
0x5e: {  	_ =	shalt  }
0x5f: {  	_ =	shalt  }
0x60: {  	_ =	shalt  }
0x61: {  	_ =	shalt  }
0x62: {  	_ =	shalt  }
0x63: {  	_ =	shalt  }
0x64: {  	_ =	shalt  }
0x65: {  	_ =	shalt  }
0x66: {  	_ =	shalt  }
0x67: {  	_ =	shalt  }
0x68: {  	_ =	shalt  }
0x69: {  	_ =	shalt  }
0x6a: {  	_ =	shalt  }
0x6b: {  	_ =	shalt  }
0x6c: {  	_ =	shalt  }
0x6d: {  	_ =	shalt  }
0x6e: {  	_ =	shalt  }
0x6f: {  	_ =	shalt  }
0x70: {  	_ =	shalt  }
0x71: {  	_ =	shalt  }
0x72: {  	_ =	shalt  }
0x73: {  	_ =	shalt  }
0x74: {  	_ =	shalt  }
0x75: {  	_ =	shalt  }
0x76: {  	_ =	shalt  }
0x77: {  	_ =	shalt  }
0x78: {  	_ =	shalt  }
0x79: {  	_ =	shalt  }
0x7a: {  	_ =	shalt  }
0x7b: {  	_ =	shalt  }
0x7c: {  	_ =	shalt  }
0x7d: {  	_ =	shalt  }
0x7e: {  	_ =	shalt  }
0x7f: {  	_ =	shalt  }
0x80: {  	_ =	shalt  }
0x81: {  	_ =	shalt  }
0x82: {  	_ =	shalt  }
0x83: {  	_ =	shalt  }
0x84: {  	_ =	shalt  }
0x85: {  	_ =	shalt  }
0x86: {  	_ =	shalt  }
0x87: {  	_ =	shalt  }
.Lfunc_end0:
.L_simem_size_0:
called_computation.1_lowered:
.L_overlay_start_0:
0x88: {  	s2 =	sld [smem:$0x3FD9]  }
0x89: {  	s3 =	sld [smem:$0x3FFE];
	_ =	sdelay $0x1  }
0x8a: {  	s1 =	srdreg.scid  }
0x8b: {  	s0 =	sand.u32 $0x1, s1  }
0x8c: {  	s17 =	sshll.u32 s0, $0xA;
	s2 =	sadd.s32 s3, s2  }
0x8d: {  	s2 =	sadd.s32 s2, s17  }
0x8e: {  	[smem:$0x3FC2] =	sst s2  }
0x8f: {  	_ = 	snop  }
0x90: {  	s2 =	sld [smem:$0x3FD0];
	(tm) =	ssettm $0x1  }
0x91: {  	s18 =	sld [smem:$0x3FFB];
	_ =	sdelay $0x3  }
0x92: {  	_ =	strace s18  }
0x93: {  	s3 =	sld [smem:$0x3FFC];
	_ =	sdelay $0x3  }
0x94: {  	_ =	strace s3  }
0x95: {  	s3 =	sld [smem:$0x3FFD];
	_ =	sdelay $0x3  }
0x96: {  	_ =	strace s3  }
0x97: {  	_ =	strace $0x8FFFFFFF  }
0x98: {  	s19 =	sld [smem:$0x3FDB];
	_ =	sdelay $0x1  }
0x99: {  	s4 =	simm.s32 $_scs_section_size  }
0x9a: {  	s5 =	simm.s32 $_size__tile_overlayer_lowered;
	s6 =	simm.s32 $_tile_overlayer_lowered  }
0x9b: {  	s22 =	simm.s32 $0x1BFF;
	s21 =	sshll.u32 s6, $0x1;
	s3 =	sadd.s32 s4, s19  }
0x9c: {  	s7 =	simm.s32 $0x0;
	s20 =	sshll.u32 s5, $0x1;
	s5 =	sadd.s32 s21, s3  }
0x9d: {  	[timem:s7], [sflag:s22] =	dma.local [hbm:s5], s20  }
0x9e: {  	_ =	swait.ge [sflag:s22], s20  }
0x9f: {  	s4 =	ssub.s32 $0x0, s20;
	[sflag:s22] =	ssyncset.done $0x0  }
0xa0: {  	[sflag:s22] =	ssyncadd.s32 s4;
	_ =	sdelay $0x1  }
0xa1: {  	s23 =	simm.s32 $0x1B8B  }
0xa2: {  	_ =	swait.ge [sflag:s23], $0x1  }
0xa3: {  	[sflag:s23] =	ssyncset.done $0x0  }
0xa4: {  	s25 =	simm.s32 $0x1B8E;
	s24 =	sld [smem:$0x3FFE];
	[sflag:s23] =	ssyncadd.s32 $0xFFFFFFFF  }
0xa5: {  	s26 =	simm.s32 $execute0_lowered;
	[smem:$0x3FD2] =	sst s25  }
0xa6: {  	s5 =	sshll.u32 s26, $0x1;
	_ =	strace $0x80000049;
	[dreg:$0x1] =	wrdreg $0xFFFFFFFF  }
0xa7: {  	s28 =	simm.s32 $_size_execute0_lowered;
	s3 =	sadd.s32 s3, s5;
	[dreg:$0x0] =	wrdreg $0x0  }
0xa8: {  	s5 =	sshll.u32 s28, $0x1;
	[dreg:$0x2] =	wrdreg s3  }
0xa9: {  	[dreg:$0x3] =	wrdreg s5  }
0xaa: {  	[dreg:$0x4] =	wrdreg $0xC0  }
0xab: {  	_ =	task [dreg:s7], $0x5FFFF  }
0xac: {  	[dreg:$0x1] =	wrdreg $0xFFFFFFFF  }
0xad: {  	[dreg:$0x0] =	wrdreg $0x60  }
0xae: {  	[dreg:$0x2] =	wrdreg s2  }
0xaf: {  	[dreg:$0x3] =	wrdreg s24  }
0xb0: {  	[dreg:$0x4] =	wrdreg $0x170000  }
0xb1: {  	[dreg:$0x5] =	wrdreg $0x9  }
0xb2: {  	_ =	task.clear_ibuf [dreg:s7], $0x6FFFF;
	_ =	strace $0x90000049  }
0xb3: {  	s29 =	simm.s32 $0x9;
	_ =	strace $0x8000004B  }
0xb4: {  	_ =	swait.ge [sflag:s29], $0x1  }
0xb5: {  	[sflag:s29] =	ssyncadd.s32 $0xFFFFFFFF  }
0xb6: {  	_ =	strace $0x9000004B  }
0xb7: {  	_ =	sfence  }
0xb8: {  	s30 =	sld [smem:$0x0];
	_ =	sdelay $0x2  }
0xb9: {  	s31 =	sshll.u32 s1, $0xD;
	s1 =	sshrl.u32 s1, $0x2  }
0xba: {  	s3 =	sand.u32 $0x4000, s31;
	s1 =	sadd.s32 s1, s30  }
0xbb: {  	s0 =	sor.u32 s3, s0;
	s1 =	sshll.u32 s1, $0x11  }
0xbc: {  	s0 =	sor.u32 s1, s0  }
0xbd: {  	s0 =	sadd.s32 $0x8F2B, s0  }
0xbe: {  	[sflag:s0] =	ssyncadd.remote.s32 $0x1  }
0xbf: {  	_ =	sfence.sel $0xFFFF  }
0xc0: {  	[dreg:$0x0] =	wrdreg $0xFFFFFFFF;
	(pc) =	sbr.abs _section_cstart, $3  }
0xc1: {  	[dreg:$0x1] =	wrdreg $0xFFFFFFFF  }
0xc2: {  	_ =	task.clear_ibuf [dreg:s7], $0x2FFFF;
	_ =	strace $0x9FFFFFFF  }
0xc3: {  	(tm) =	ssettm $0x7FFFFFFF  }
tec
execute0_lowered:
.L_overlay_start_1:
0x0: {  	(tag) =	ssettag $0x1  }
0x1: {  	s2 =	rddreg [dreg:$0x0]  }
0x2: {  	s6 =	rddreg [dreg:$0x1]  }
0x3: {  	s3 =	rddreg [dreg:$0x2]  }
0x4: {  	s1 =	stileid.u32;
	s0 =	rddreg [dreg:$0x3]  }
0x5: {  	s4 =	simm.s32 $0x0;
	s25 =	srdreg.scid;
	s16 =	simm.s32 $0x5000  }
0x6: {  	s17 =	simm.s32 $0x7D;
	s18 =	simm.s32 $0xA000;
	s19 =	simm.s32 $0x80  }
0x7: {  	s20 =	simm.s32 $0xE000;
	s21 =	simm.s32 $0x1;
	s22 =	simm.s32 $0x2  }
0x8: {  	s23 =	simm.s32 $0x9F00;
	s24 =	simm.s32 $0x9F80;
	s5 =	smul.u32 $0xA00, s1  }
0x9: {  	[smem:$0x7FF] =	sst s4;
	s11 =	sadd.s32 $0x3E800, s6;
	s9 =	smul.u32 $0xA0, s1  }
0xa: {  	s8 =	sand.u32 $0x1, s25;
	s12 =	sadd.s32 $0xC200, s6;
	s13 =	smul.u32 $0x14000, s1  }
0xb: {  	s30 =	sshll.u32 s1, $0xA;
	s25 =	simm.s32 $0x0;
	_ =	strace $0x8000004A  }
0xc: {  	s10 =	ssub.s32 $0x2, s8;
	s8 =	smul.u32 $0xA00, s8;
	s7 =	sadd.s32 s5, s6  }
0xd: {  	s5 =	sadd.s32 $0x1200, s6;
	s26 =	sshrl.u32 s10, $0x1;
	s29 =	sshrl.u32 s13, $0x2  }
0xe: {  	s14 =	ssub.s32 s10, s26;
	s6 =	sadd.s32 $0x2200, s7;
	s28 =	sadd.s32 s9, s8  }
0xf: {  	s8 =	sadd.s32 s29, s3;
	s9 =	sadd.s32 s30, s3;
	s15 =	sshll.u32 s28, $0x4  }
0x10: {  	s9 =	sadd.s32 $0x50000, s9;
	s13 =	smax.u32 s14, $0x1;
	s14 =	simm.s32 $0x3  }
0x11: {  	s7 =	sadd.s32 s11, s15;
	s10 =	sadd.s32 s12, s15;
	s31 =	sadd.s32 $0x14000, s15  }
0x12: {  	s15 =	simm.s32 $0x12000;
	s11 =	sadd.s32 s11, s31;
	s12 =	sadd.s32 s12, s31  }
.LBB2_1:
0x13: {  	[tilespmem:s4], [sflag:$0x3] =	stream.linear.gather [hbm4b:s6+s4], $0x5000, $0x38;
	[tilespmem:$0x1C400] =	vst v63  }
0x14: {  	_ =	swait.ge [sflag:s14], $0x5000  }
0x15: {  	[sflag:s14] =	ssyncset.done $0x0  }
0x16: {  	[sflag:s14] =	ssyncadd.s32 $0xFFFFB000  }
0x17: {  	[tilespmem:s15], [sflag:$0x3] =	stream.linear.gather [hbm4b:s5+s4], $0x5000, $0x38;
	[tilespmem:$0x1C400] =	vst v63  }
0x18: {  	_ =	swait.ge [sflag:s14], $0x5000  }
0x19: {  	[sflag:s14] =	ssyncset.done $0x0  }
0x1a: {  	[sflag:s14] =	ssyncadd.s32 $0xFFFFB000  }
0x1b: {  	[tilespmem:s16], [sflag:$0x3] =	stream.linear.gather [hbm4b:s7+s4], $0x5000, $0x38;
	[tilespmem:$0x1C400] =	vst v63  }
0x1c: {  	_ =	swait.ge [sflag:s14], $0x5000  }
0x1d: {  	[sflag:s14] =	ssyncset.done $0x0  }
0x1e: {  	[sflag:s14] =	ssyncadd.s32 $0xFFFFB000  }
0x1f: {  	[spmem:s8] =	stream.linear.scatter [tilespmem:s15], [sflag:$0x3], $0x5000, $0x38;
	[tilespmem:$0x1C400] =	vst v63  }
0x20: {  	_ =	swait.ge [sflag:s14], $0x5000  }
0x21: {  	[sflag:s14] =	ssyncset.done $0x0  }
0x22: {  	[sflag:s14] =	ssyncadd.s32 $0xFFFFB000  }
0x23: {  	[spmem:s9] =	stream.linear.scatter [tilespmem:s15], [sflag:$0x3], $0x400, $0x38;
	[tilespmem:$0x1C400] =	vst v63  }
0x24: {  	_ =	swait.ge [sflag:s14], $0x400  }
0x25: {  	[sflag:s14] =	ssyncset.done $0x0  }
0x26: {  	[sflag:s14] =	ssyncadd.s32 $0xFFFFFC00  }
0x27: {  	[bflag:$0x0] =	sbarrier.arrive $0xFFFF  }
0x28: {  	[tilespmem:s18], [sflag:$0x1] =	stream.indirect.gather [hbm4b:s2+s17], $0x80, s4, s17, $0xb8;
	[tilespmem:$0x1C400] =	vst v63  }
0x29: {  	_ = 	snop  }
0x2a: {  	[tilespmem:s20], [sflag:$0x2] =	stream.indirect.gather [hbm4b:s2+s17], $0x80, s19, s17, $0xb8;
	[tilespmem:$0x1C400] =	vst v63  }
0x2b: {  	_ =	swait.ge [sflag:s21], $0x3E80  }
0x2c: {  	[sflag:s21] =	ssyncset.done $0x0  }
0x2d: {  	s26 =	simm.s32 $0x5000;
	[sflag:s21] =	ssyncadd.s32 $0xFFFFC180  }
0x2e: {  	[spmem:s3] =	stream.indirect.scatter.add.f32 [tilespmem:s18], [sflag:$0x3], $0x80, s26, s17, $0xb8;
	[tilespmem:$0x1C400] =	vst v63  }
0x2f: {  	_ =	swait.ge [sflag:s14], $0x3E80  }
0x30: {  	[sflag:s14] =	ssyncset.done $0x0  }
0x31: {  	s30 =	simm.s32 $0x100;
	[sflag:s14] =	ssyncadd.s32 $0xFFFFC180  }
0x32: {  	[tilespmem:s18], [sflag:$0x1] =	stream.indirect.gather [hbm4b:s2+s17], $0x80, s30, s17, $0xb8;
	[tilespmem:$0x1C400] =	vst v63  }
0x33: {  	_ =	swait.ge [sflag:s22], $0x3E80  }
0x34: {  	[sflag:s22] =	ssyncset.done $0x0  }
0x35: {  	s31 =	simm.s32 $0x5080;
	[sflag:s22] =	ssyncadd.s32 $0xFFFFC180  }
0x36: {  	[spmem:s3] =	stream.indirect.scatter.add.f32 [tilespmem:s20], [sflag:$0x3], $0x80, s31, s17, $0xb8;
	[tilespmem:$0x1C400] =	vst v63  }
0x37: {  	_ =	swait.ge [sflag:s14], $0x3E80  }
0x38: {  	[sflag:s14] =	ssyncset.done $0x0  }
0x39: {  	s28 =	simm.s32 $0x180;
	s26 =	simm.s32 $0x400;
	[sflag:s14] =	ssyncadd.s32 $0xFFFFC180  }
.LBB2_2:
0x3a: {  	[tilespmem:s20], [sflag:$0x2] =	stream.indirect.gather [hbm4b:s2+s17], $0x80, s28, s17, $0xb8;
	[tilespmem:$0x1C400] =	vst v63  }
0x3b: {  	s28 =	smov.u32 s26  }
0x3c: {  	p0 =	sne.s32 s26, $0x13800;
	s26 =	sadd.s32 $0x400, s26;
	_ =	swait.ge [sflag:s21], $0x3E80  }
0x3d: {  	s28 =	sshra.s32 s28, $0x2;
	[sflag:s21] =	ssyncset.done $0x0  }
0x3e: {  	s29 =	sadd.s32 $0x5000, s28;
	[sflag:s21] =	ssyncadd.s32 $0xFFFFC180  }
0x3f: {  	[spmem:s3] =	stream.indirect.scatter.add.f32 [tilespmem:s18], [sflag:$0x3], $0x80, s29, s17, $0xb8;
	[tilespmem:$0x1C400] =	vst v63  }
0x40: {  	_ =	swait.ge [sflag:s14], $0x3E80  }
0x41: {  	[sflag:s14] =	ssyncset.done $0x0  }
0x42: {  	s29 =	sadd.s32 $0x100, s28;
	[sflag:s14] =	ssyncadd.s32 $0xFFFFC180  }
0x43: {  	[tilespmem:s18], [sflag:$0x1] =	stream.indirect.gather [hbm4b:s2+s17], $0x80, s29, s17, $0xb8;
	[tilespmem:$0x1C400] =	vst v63  }
0x44: {  	_ =	swait.ge [sflag:s22], $0x3E80  }
0x45: {  	[sflag:s22] =	ssyncset.done $0x0  }
.Ltmp0:
0x46: {  	s29 =	sadd.s32 $0x5080, s28;
	[sflag:s22] =	ssyncadd.s32 $0xFFFFC180;
	(pc) =	sbr.rel @p0 .LBB2_2-.Ltmp0, $4  }
0x47: {  	[spmem:s3] =	stream.indirect.scatter.add.f32 [tilespmem:s20], [sflag:$0x3], $0x80, s29, s17, $0xb8;
	[tilespmem:$0x1C400] =	vst v63  }
0x48: {  	_ =	swait.ge [sflag:s14], $0x3E80  }
0x49: {  	[sflag:s14] =	ssyncset.done $0x0  }
0x4a: {  	s28 =	sadd.s32 $0x180, s28;
	[sflag:s14] =	ssyncadd.s32 $0xFFFFC180  }
0x4b: {  	[tilespmem:s20], [sflag:$0x2] =	stream.indirect.gather [hbm4b:s2+s17], $0x80, s28, s17, $0xb8;
	[tilespmem:$0x1C400] =	vst v63  }
0x4c: {  	_ =	swait.ge [sflag:s21], $0x3E80  }
0x4d: {  	[sflag:s21] =	ssyncset.done $0x0  }
0x4e: {  	[sflag:s21] =	ssyncadd.s32 $0xFFFFC180  }
0x4f: {  	[spmem:s3] =	stream.indirect.scatter.add.f32 [tilespmem:s18], [sflag:$0x3], $0x80, s23, s17, $0xb8;
	[tilespmem:$0x1C400] =	vst v63  }
0x50: {  	_ =	swait.ge [sflag:s14], $0x3E80  }
0x51: {  	[sflag:s14] =	ssyncset.done $0x0  }
0x52: {  	[sflag:s14] =	ssyncadd.s32 $0xFFFFC180  }
0x53: {  	_ =	swait.ge [sflag:s22], $0x3E80  }
0x54: {  	[sflag:s22] =	ssyncset.done $0x0  }
0x55: {  	[sflag:s22] =	ssyncadd.s32 $0xFFFFC180  }
0x56: {  	[spmem:s3] =	stream.indirect.scatter.add.f32 [tilespmem:s20], [sflag:$0x3], $0x80, s24, s17, $0xb8;
	[tilespmem:$0x1C400] =	vst v63  }
0x57: {  	_ =	swait.ge [sflag:s14], $0x3E80  }
0x58: {  	[sflag:s14] =	ssyncset.done $0x0  }
0x59: {  	[sflag:s14] =	ssyncadd.s32 $0xFFFFC180  }
0x5a: {  	[bflag:$0x0] =	sbarrier.arrive $0xFFFF  }
0x5b: {  	[tilespmem:s15], [sflag:$0x3] =	stream.linear.gather [spmem:s8], $0x5000, $0x38;
	[tilespmem:$0x1C400] =	vst v63  }
0x5c: {  	_ =	swait.ge [sflag:s14], $0x5000  }
0x5d: {  	[sflag:s14] =	ssyncset.done $0x0  }
0x5e: {  	s26 =	simm.s32 $0x0;
	[sflag:s14] =	ssyncadd.s32 $0xFFFFB000  }
0x5f: {  	[hbm4b:s10+s26] =	stream.linear.scatter [tilespmem:s15], [sflag:$0x3], $0x5000, $0x38;
	[tilespmem:$0x1C400] =	vst v63  }
0x60: {  	_ =	swait.ge [sflag:s14], $0x5000  }
0x61: {  	[sflag:s14] =	ssyncset.done $0x0  }
0x62: {  	[sflag:s14] =	ssyncadd.s32 $0xFFFFB000  }
0x63: {  	[tilespmem:s15], [sflag:$0x3] =	stream.linear.gather [hbm4b:s5+s26], $0x5000, $0x38;
	[tilespmem:$0x1C400] =	vst v63  }
0x64: {  	_ =	swait.ge [sflag:s14], $0x5000  }
0x65: {  	[sflag:s14] =	ssyncset.done $0x0  }
0x66: {  	[sflag:s14] =	ssyncadd.s32 $0xFFFFB000  }
0x67: {  	[tilespmem:s16], [sflag:$0x3] =	stream.linear.gather [hbm4b:s11+s26], $0x5000, $0x38;
	[tilespmem:$0x1C400] =	vst v63  }
0x68: {  	_ =	swait.ge [sflag:s14], $0x5000  }
0x69: {  	[sflag:s14] =	ssyncset.done $0x0  }
0x6a: {  	[sflag:s14] =	ssyncadd.s32 $0xFFFFB000  }
0x6b: {  	[spmem:s8] =	stream.linear.scatter [tilespmem:s15], [sflag:$0x3], $0x5000, $0x38;
	[tilespmem:$0x1C400] =	vst v63  }
0x6c: {  	_ =	swait.ge [sflag:s14], $0x5000  }
0x6d: {  	[sflag:s14] =	ssyncset.done $0x0  }
0x6e: {  	[sflag:s14] =	ssyncadd.s32 $0xFFFFB000  }
0x6f: {  	[spmem:s9] =	stream.linear.scatter [tilespmem:s15], [sflag:$0x3], $0x400, $0x38;
	[tilespmem:$0x1C400] =	vst v63  }
0x70: {  	_ =	swait.ge [sflag:s14], $0x400  }
0x71: {  	[sflag:s14] =	ssyncset.done $0x0  }
0x72: {  	[sflag:s14] =	ssyncadd.s32 $0xFFFFFC00  }
0x73: {  	[bflag:$0x0] =	sbarrier.arrive $0xFFFF  }
0x74: {  	[tilespmem:s18], [sflag:$0x1] =	stream.indirect.gather [hbm4b:s2+s17], $0x80, s26, s17, $0xb8;
	[tilespmem:$0x1C400] =	vst v63  }
0x75: {  	_ = 	snop  }
0x76: {  	[tilespmem:s20], [sflag:$0x2] =	stream.indirect.gather [hbm4b:s2+s17], $0x80, s19, s17, $0xb8;
	[tilespmem:$0x1C400] =	vst v63  }
0x77: {  	_ =	swait.ge [sflag:s21], $0x3E80  }
0x78: {  	[sflag:s21] =	ssyncset.done $0x0  }
0x79: {  	s29 =	simm.s32 $0x5000;
	[sflag:s21] =	ssyncadd.s32 $0xFFFFC180  }
0x7a: {  	[spmem:s3] =	stream.indirect.scatter.add.f32 [tilespmem:s18], [sflag:$0x3], $0x80, s29, s17, $0xb8;
	[tilespmem:$0x1C400] =	vst v63  }
0x7b: {  	_ =	swait.ge [sflag:s14], $0x3E80  }
0x7c: {  	[sflag:s14] =	ssyncset.done $0x0  }
0x7d: {  	s30 =	simm.s32 $0x100;
	[sflag:s14] =	ssyncadd.s32 $0xFFFFC180  }
0x7e: {  	[tilespmem:s18], [sflag:$0x1] =	stream.indirect.gather [hbm4b:s2+s17], $0x80, s30, s17, $0xb8;
	[tilespmem:$0x1C400] =	vst v63  }
0x7f: {  	_ =	swait.ge [sflag:s22], $0x3E80  }
0x80: {  	[sflag:s22] =	ssyncset.done $0x0  }
0x81: {  	s31 =	simm.s32 $0x5080;
	[sflag:s22] =	ssyncadd.s32 $0xFFFFC180  }
0x82: {  	[spmem:s3] =	stream.indirect.scatter.add.f32 [tilespmem:s20], [sflag:$0x3], $0x80, s31, s17, $0xb8;
	[tilespmem:$0x1C400] =	vst v63  }
0x83: {  	_ =	swait.ge [sflag:s14], $0x3E80  }
0x84: {  	[sflag:s14] =	ssyncset.done $0x0  }
0x85: {  	s28 =	simm.s32 $0x180;
	s26 =	simm.s32 $0x400;
	[sflag:s14] =	ssyncadd.s32 $0xFFFFC180  }
.LBB2_4:
0x86: {  	[tilespmem:s20], [sflag:$0x2] =	stream.indirect.gather [hbm4b:s2+s17], $0x80, s28, s17, $0xb8;
	[tilespmem:$0x1C400] =	vst v63  }
0x87: {  	s28 =	smov.u32 s26  }
0x88: {  	p0 =	sne.s32 s26, $0x13800;
	s26 =	sadd.s32 $0x400, s26;
	_ =	swait.ge [sflag:s21], $0x3E80  }
0x89: {  	s28 =	sshra.s32 s28, $0x2;
	[sflag:s21] =	ssyncset.done $0x0  }
0x8a: {  	s29 =	sadd.s32 $0x5000, s28;
	[sflag:s21] =	ssyncadd.s32 $0xFFFFC180  }
0x8b: {  	[spmem:s3] =	stream.indirect.scatter.add.f32 [tilespmem:s18], [sflag:$0x3], $0x80, s29, s17, $0xb8;
	[tilespmem:$0x1C400] =	vst v63  }
0x8c: {  	_ =	swait.ge [sflag:s14], $0x3E80  }
0x8d: {  	[sflag:s14] =	ssyncset.done $0x0  }
0x8e: {  	s29 =	sadd.s32 $0x100, s28;
	[sflag:s14] =	ssyncadd.s32 $0xFFFFC180  }
0x8f: {  	[tilespmem:s18], [sflag:$0x1] =	stream.indirect.gather [hbm4b:s2+s17], $0x80, s29, s17, $0xb8;
	[tilespmem:$0x1C400] =	vst v63  }
0x90: {  	_ =	swait.ge [sflag:s22], $0x3E80  }
0x91: {  	[sflag:s22] =	ssyncset.done $0x0  }
.Ltmp1:
0x92: {  	s29 =	sadd.s32 $0x5080, s28;
	[sflag:s22] =	ssyncadd.s32 $0xFFFFC180;
	(pc) =	sbr.rel @p0 .LBB2_4-.Ltmp1, $4  }
0x93: {  	[spmem:s3] =	stream.indirect.scatter.add.f32 [tilespmem:s20], [sflag:$0x3], $0x80, s29, s17, $0xb8;
	[tilespmem:$0x1C400] =	vst v63  }
0x94: {  	_ =	swait.ge [sflag:s14], $0x3E80  }
0x95: {  	[sflag:s14] =	ssyncset.done $0x0  }
0x96: {  	s28 =	sadd.s32 $0x180, s28;
	[sflag:s14] =	ssyncadd.s32 $0xFFFFC180  }
0x97: {  	[tilespmem:s20], [sflag:$0x2] =	stream.indirect.gather [hbm4b:s2+s17], $0x80, s28, s17, $0xb8;
	[tilespmem:$0x1C400] =	vst v63  }
0x98: {  	_ =	swait.ge [sflag:s21], $0x3E80  }
0x99: {  	[sflag:s21] =	ssyncset.done $0x0  }
0x9a: {  	[sflag:s21] =	ssyncadd.s32 $0xFFFFC180  }
0x9b: {  	[spmem:s3] =	stream.indirect.scatter.add.f32 [tilespmem:s18], [sflag:$0x3], $0x80, s23, s17, $0xb8;
	[tilespmem:$0x1C400] =	vst v63  }
0x9c: {  	_ =	swait.ge [sflag:s14], $0x3E80  }
0x9d: {  	[sflag:s14] =	ssyncset.done $0x0  }
0x9e: {  	[sflag:s14] =	ssyncadd.s32 $0xFFFFC180  }
0x9f: {  	_ =	swait.ge [sflag:s22], $0x3E80  }
0xa0: {  	[sflag:s22] =	ssyncset.done $0x0  }
0xa1: {  	[sflag:s22] =	ssyncadd.s32 $0xFFFFC180  }
0xa2: {  	[spmem:s3] =	stream.indirect.scatter.add.f32 [tilespmem:s20], [sflag:$0x3], $0x80, s24, s17, $0xb8;
	[tilespmem:$0x1C400] =	vst v63  }
0xa3: {  	_ =	swait.ge [sflag:s14], $0x3E80  }
0xa4: {  	[sflag:s14] =	ssyncset.done $0x0  }
0xa5: {  	[sflag:s14] =	ssyncadd.s32 $0xFFFFC180  }
0xa6: {  	[bflag:$0x0] =	sbarrier.arrive $0xFFFF  }
0xa7: {  	[tilespmem:s15], [sflag:$0x3] =	stream.linear.gather [spmem:s8], $0x5000, $0x38;
	[tilespmem:$0x1C400] =	vst v63  }
0xa8: {  	_ =	swait.ge [sflag:s14], $0x5000  }
0xa9: {  	[sflag:s14] =	ssyncset.done $0x0  }
0xaa: {  	[sflag:s14] =	ssyncadd.s32 $0xFFFFB000  }
0xab: {  	[hbm4b:s12+s4] =	stream.linear.scatter [tilespmem:s15], [sflag:$0x3], $0x5000, $0x38;
	[tilespmem:$0x1C400] =	vst v63  }
0xac: {  	s25 =	sadd.s32 $0x1, s25;
	_ =	swait.ge [sflag:s14], $0x5000  }
0xad: {  	p0 =	sne.s32 s25, s13;
	[sflag:s14] =	ssyncset.done $0x0  }
.Ltmp2:
0xae: {  	[sflag:s14] =	ssyncadd.s32 $0xFFFFB000;
	(pc) =	sbr.rel @p0 .LBB2_1-.Ltmp2, $4  }
0xaf: {  	[tilespmem:s15], [sflag:$0x3] =	stream.linear.gather [hbm4b:s5+s4], $0x5000, $0x38;
	[tilespmem:$0x1C400] =	vst v63  }
0xb0: {  	_ =	swait.ge [sflag:s14], $0x5000  }
0xb1: {  	[sflag:s14] =	ssyncset.done $0x0  }
0xb2: {  	[sflag:s14] =	ssyncadd.s32 $0xFFFFB000  }
0xb3: {  	_ =	sfence.sel $0x180000  }
0xb4: {  	[bflag:$0x0] =	sbarrier.arrive $0xFFFF  }
0xb5: {  	p0 =	sne.s32 s1, $0x0;
	_ =	strace $0x9000004A  }
0xb6: {  	s0 =	sadd.s32 @!p0 $0x100000, s0;
	[bflag:$0x2] =	sbarrier.arrive $0xFFFF  }
0xb7: {  	[sflag:s0] =	ssyncadd.tile.s32 @!p0 $0x1;
	_ =	shalt  }
.Lfunc_end2:
_tile_overlayer_lowered:
.L_overlay_start_2:
0xb8: {  	(tag) =	ssettag $0x2  }
0xb9: {  	s0 =	rddreg [dreg:$0x0];
	s2 =	stileid.u32  }
0xba: {  	s1 =	rddreg [dreg:$0x1];
	p0 =	sne.s32 s2, $0x0  }
0xbb: {  	s3 =	rddreg [dreg:$0x2];
	[bflag:$0x3] =	sbarrier.arrive $0xFFFF;
	s2 =	simm.s32 @!p0 $0x1C03  }
0xbc: {  	[timem:s3], [sflag:s2] =	dma.local @!p0 [hbm:s0], s1  }
0xbd: {  	s0 =	simm.s32 @!p0 $0x3  }
0xbe: {  	_ =	swait.ge @!p0 [sflag:s0], s1  }
0xbf: {  	s1 =	ssub.s32 @!p0 $0x0, s1;
	[sflag:s0] =	ssyncset.done @!p0 $0x0  }
0xc0: {  	[sflag:s0] =	ssyncadd.s32 @!p0 s1  }
0xc1: {  	[bflag:$0x3] =	sbarrier.arrive $0xFFFF  }
0xc2: {  	_ =	shalt  }

// kernel: kernel.14.cloned.1.call-start
scs
__scs_entry_jumppad:
0x0: {  	(pc) =	sbr.rel $0x88, $3  }
0x1: {  	(tag) =	ssettag $0x0;
	lr =	simm.s32 $0x1  }
0x2: {  	[smem:$0x3F9B] =	sst lr;
	_ =	strace $0xD0000000  }
0x3: {  	_ = 	snop  }
0x4: {  	_ = 	snop  }
0x5: {  	_ = 	snop  }
0x6: {  	_ = 	snop  }
0x7: {  	_ = 	snop  }
__scs_overlays_trampoline_lowered:
0x8: {  	[smem:$0x3FAA] =	sst s0  }
0x9: {  	[smem:$0x3FAB] =	sst s1  }
0xa: {  	[smem:$0x3FAC] =	sst s2  }
0xb: {  	[smem:$0x3FAD] =	sst s3  }
0xc: {  	[smem:$0x3FAE] =	sst s4  }
0xd: {  	[smem:$0x3FAF] =	sst s5  }
0xe: {  	[smem:$0x3FB0] =	sst s6  }
0xf: {  	[smem:$0x3FB1] =	sst s7  }
0x10: {  	[smem:$0x3FB2] =	sst s8  }
0x11: {  	[smem:$0x3FB3] =	sst s9;
	s0 =	simm.s32 @!p0 $0x0  }
0x12: {  	s1 =	sld [smem:$0x3F99];
	s0 =	simm.s32 @p0 $0x1  }
0x13: {  	[smem:$0x3FB4] =	sst s0;
	s0 =	simm.s32 @!p1 $0x0  }
0x14: {  	s2 =	sld [smem:$0x3F98];
	s0 =	simm.s32 @p1 $0x1  }
0x15: {  	[smem:$0x3FB5] =	sst s0;
	s0 =	simm.s32 @!p2 $0x0  }
0x16: {  	s3 =	sld [smem:$0x3FDB];
	s0 =	simm.s32 @p2 $0x1  }
0x17: {  	s4 =	simm.s32 $0x1BF5;
	[smem:$0x3FB7] =	sst s0  }
0x18: {  	s0 =	sld [smem:$0x3F9A];
	_ =	swait.ge [sflag:s4], $0x0  }
0x19: {  	s7 =	sld [smem:$0x3F9B]  }
0x1a: {  	s8 =	sadd.s32 $0xFFFFE003, lr  }
0x1b: {  	s9 =	sadd.s32 $0xFFFFFEF7, lr;
	s5 =	simm.s32 $0xFFFFFFFF;
	p2 =	slt.u32 s8, $0xFFFFF086  }
0x1c: {  	p1 =	slt.u32 s9, $0xF7A;
	s5 =	simm.s32 @!p2 $0x0  }
0x1d: {  	s5 =	simm.s32 @p1 $0x1;
	p0 =	seq.s32 s7, s2  }
0x1e: {  	s7 =	smul.u32 @!p0 $0xF7A, s2;
	p2 =	seq.s32 @!p0 s5, $0x0  }
0x1f: {  	s9 =	smul.u32 $0xF7A, s1;
	s8 =	simm.s32 @!p0 $0x1BF5;
	p2 =	por !p2, p0  }
0x20: {  	[sflag:s8] =	ssyncset.s32 @!p0 $0xFFFFF086;
	s6 =	sadd.s32 @!p0 s3, s7;
	s7 =	simm.s32 @!p0 $0x108  }
0x21: {  	s3 =	sadd.s32 s3, s9;
	s6 =	sadd.s32 @!p0 $0x88, s6;
	s7 =	simm.s32 @p2 $0x1082  }
0x22: {  	[simem:s7], [sflag:s8] =	dma.local @!p0 [hbm:s6], $0xF7A  }
0x23: {  	s9 =	sor.u32 $0xD0000000, s2;
	s6 =	simm.s32 $0x108;
	_ =	swait.ge @!p0 [sflag:s8], $0x0  }
0x24: {  	s3 =	sadd.s32 $0x88, s3;
	s6 =	simm.s32 @!p1 $0x1082;
	[sflag:s4] =	ssyncset.s32 $0xFFFFF086  }
0x25: {  	[simem:s6], [sflag:s4] =	dma.local [hbm:s3], $0xF7A  }
0x26: {  	[smem:$0x3F9B] =	sst s1;
	(tag) =	ssettag s2;
	_ =	strace s9  }
0x27: {  	s1 =	sld [smem:$0x3FAB]  }
0x28: {  	s2 =	sld [smem:$0x3FAC]  }
0x29: {  	s4 =	sld [smem:$0x3FAE]  }
0x2a: {  	p0 =	seq.s32 s5, $0x0;
	s5 =	sld [smem:$0x3FAF]  }
0x2b: {  	s6 =	sld [smem:$0x3FB0]  }
0x2c: {  	s7 =	sld [smem:$0x3FB1]  }
0x2d: {  	s3 =	simm.s32 $0x108;
	s8 =	sld [smem:$0x3FB2]  }
0x2e: {  	s3 =	simm.s32 @!p0 $0x1082;
	s9 =	sld [smem:$0x3FB3]  }
0x2f: {  	lr =	sadd.s32 s0, s3;
	s0 =	sld [smem:$0x3FAA]  }
0x30: {  	s3 =	sld [smem:$0x3FAD]  }
0x31: {  	[smem:$0x3FB6] =	sst s10  }
0x32: {  	s10 =	sld [smem:$0x3FB4];
	_ =	sdelay $0x3  }
0x33: {  	p0 =	seq.s32 s10, $0x1;
	s10 =	sld [smem:$0x3FB6];
	_ =	sdelay $0x3  }
0x34: {  	[smem:$0x3FB6] =	sst s10  }
0x35: {  	s10 =	sld [smem:$0x3FB5];
	_ =	sdelay $0x3  }
0x36: {  	p1 =	seq.s32 s10, $0x1;
	s10 =	sld [smem:$0x3FB6];
	_ =	sdelay $0x3  }
0x37: {  	[smem:$0x3FB6] =	sst s10  }
0x38: {  	s10 =	sld [smem:$0x3FB7]  }
0x39: {  	_ = 	snop;
	(pc) =	sbr.ind lr, $3  }
0x3a: {  	_ = 	snop  }
0x3b: {  	_ = 	snop  }
0x3c: {  	p2 =	seq.s32 s10, $0x1;
	s10 =	sld [smem:$0x3FB6]  }
0x3d: {  	_ =	shalt  }
0x3e: {  	_ =	shalt  }
0x3f: {  	_ =	shalt  }
0x40: {  	_ =	shalt  }
0x41: {  	_ =	shalt  }
0x42: {  	_ =	shalt  }
0x43: {  	_ =	shalt  }
0x44: {  	_ =	shalt  }
0x45: {  	_ =	shalt  }
0x46: {  	_ =	shalt  }
0x47: {  	_ =	shalt  }
0x48: {  	_ =	shalt  }
0x49: {  	_ =	shalt  }
0x4a: {  	_ =	shalt  }
0x4b: {  	_ =	shalt  }
0x4c: {  	_ =	shalt  }
0x4d: {  	_ =	shalt  }
0x4e: {  	_ =	shalt  }
0x4f: {  	_ =	shalt  }
0x50: {  	_ =	shalt  }
0x51: {  	_ =	shalt  }
0x52: {  	_ =	shalt  }
0x53: {  	_ =	shalt  }
0x54: {  	_ =	shalt  }
0x55: {  	_ =	shalt  }
0x56: {  	_ =	shalt  }
0x57: {  	_ =	shalt  }
0x58: {  	_ =	shalt  }
0x59: {  	_ =	shalt  }
0x5a: {  	_ =	shalt  }
0x5b: {  	_ =	shalt  }
0x5c: {  	_ =	shalt  }
0x5d: {  	_ =	shalt  }
0x5e: {  	_ =	shalt  }
0x5f: {  	_ =	shalt  }
0x60: {  	_ =	shalt  }
0x61: {  	_ =	shalt  }
0x62: {  	_ =	shalt  }
0x63: {  	_ =	shalt  }
0x64: {  	_ =	shalt  }
0x65: {  	_ =	shalt  }
0x66: {  	_ =	shalt  }
0x67: {  	_ =	shalt  }
0x68: {  	_ =	shalt  }
0x69: {  	_ =	shalt  }
0x6a: {  	_ =	shalt  }
0x6b: {  	_ =	shalt  }
0x6c: {  	_ =	shalt  }
0x6d: {  	_ =	shalt  }
0x6e: {  	_ =	shalt  }
0x6f: {  	_ =	shalt  }
0x70: {  	_ =	shalt  }
0x71: {  	_ =	shalt  }
0x72: {  	_ =	shalt  }
0x73: {  	_ =	shalt  }
0x74: {  	_ =	shalt  }
0x75: {  	_ =	shalt  }
0x76: {  	_ =	shalt  }
0x77: {  	_ =	shalt  }
0x78: {  	_ =	shalt  }
0x79: {  	_ =	shalt  }
0x7a: {  	_ =	shalt  }
0x7b: {  	_ =	shalt  }
0x7c: {  	_ =	shalt  }
0x7d: {  	_ =	shalt  }
0x7e: {  	_ =	shalt  }
0x7f: {  	_ =	shalt  }
0x80: {  	_ =	shalt  }
0x81: {  	_ =	shalt  }
0x82: {  	_ =	shalt  }
0x83: {  	_ =	shalt  }
0x84: {  	_ =	shalt  }
0x85: {  	_ =	shalt  }
0x86: {  	_ =	shalt  }
0x87: {  	_ =	shalt  }
.Lfunc_end0:
.L_simem_size_0:
called_computation.2_lowered:
.L_overlay_start_0:
0x88: {  	s2 =	sld [smem:$0x3FD9]  }
0x89: {  	s3 =	sld [smem:$0x3FFE];
	_ =	sdelay $0x1  }
0x8a: {  	s1 =	srdreg.scid  }
0x8b: {  	s0 =	sand.u32 $0x1, s1  }
0x8c: {  	s17 =	sshll.u32 s0, $0xA;
	s2 =	sadd.s32 s3, s2  }
0x8d: {  	s2 =	sadd.s32 s2, s17  }
0x8e: {  	[smem:$0x3FC2] =	sst s2  }
0x8f: {  	_ = 	snop  }
0x90: {  	s2 =	sld [smem:$0x3FD0];
	(tm) =	ssettm $0x1  }
0x91: {  	s18 =	sld [smem:$0x3FFB];
	_ =	sdelay $0x3  }
0x92: {  	_ =	strace s18  }
0x93: {  	s3 =	sld [smem:$0x3FFC];
	_ =	sdelay $0x3  }
0x94: {  	_ =	strace s3  }
0x95: {  	s3 =	sld [smem:$0x3FFD];
	_ =	sdelay $0x3  }
0x96: {  	_ =	strace s3  }
0x97: {  	_ =	strace $0x8FFFFFFF  }
0x98: {  	s19 =	sld [smem:$0x3FDB];
	_ =	sdelay $0x1  }
0x99: {  	s4 =	simm.s32 $_scs_section_size  }
0x9a: {  	s5 =	simm.s32 $_size__tile_overlayer_lowered;
	s6 =	simm.s32 $_tile_overlayer_lowered  }
0x9b: {  	s22 =	simm.s32 $0x1BFF;
	s21 =	sshll.u32 s6, $0x1;
	s3 =	sadd.s32 s4, s19  }
0x9c: {  	s7 =	simm.s32 $0x0;
	s20 =	sshll.u32 s5, $0x1;
	s5 =	sadd.s32 s21, s3  }
0x9d: {  	[timem:s7], [sflag:s22] =	dma.local [hbm:s5], s20  }
0x9e: {  	_ =	swait.ge [sflag:s22], s20  }
0x9f: {  	s4 =	ssub.s32 $0x0, s20;
	[sflag:s22] =	ssyncset.done $0x0  }
0xa0: {  	[sflag:s22] =	ssyncadd.s32 s4;
	_ =	sdelay $0x1  }
0xa1: {  	s23 =	simm.s32 $0x1B8B  }
0xa2: {  	_ =	swait.ge [sflag:s23], $0x1  }
0xa3: {  	[sflag:s23] =	ssyncset.done $0x0  }
0xa4: {  	s25 =	simm.s32 $0x1B8E;
	s24 =	sld [smem:$0x3FFE];
	[sflag:s23] =	ssyncadd.s32 $0xFFFFFFFF  }
0xa5: {  	s26 =	simm.s32 $execute0_lowered;
	[smem:$0x3FD2] =	sst s25  }
0xa6: {  	s5 =	sshll.u32 s26, $0x1;
	_ =	strace $0x8000004C;
	[dreg:$0x1] =	wrdreg $0xFFFFFFFF  }
0xa7: {  	s28 =	simm.s32 $_size_execute0_lowered;
	s3 =	sadd.s32 s3, s5;
	[dreg:$0x0] =	wrdreg $0x0  }
0xa8: {  	s5 =	sshll.u32 s28, $0x1;
	[dreg:$0x2] =	wrdreg s3  }
0xa9: {  	[dreg:$0x3] =	wrdreg s5  }
0xaa: {  	[dreg:$0x4] =	wrdreg $0xC0  }
0xab: {  	_ =	task [dreg:s7], $0x5FFFF  }
0xac: {  	[dreg:$0x1] =	wrdreg $0xFFFFFFFF  }
0xad: {  	[dreg:$0x0] =	wrdreg $0x60  }
0xae: {  	[dreg:$0x2] =	wrdreg s2  }
0xaf: {  	[dreg:$0x3] =	wrdreg s24  }
0xb0: {  	[dreg:$0x4] =	wrdreg $0x170000  }
0xb1: {  	[dreg:$0x5] =	wrdreg $0x9  }
0xb2: {  	_ =	task.clear_ibuf [dreg:s7], $0x6FFFF;
	_ =	strace $0x9000004C  }
0xb3: {  	s29 =	simm.s32 $0x9;
	_ =	strace $0x8000004E  }
0xb4: {  	_ =	swait.ge [sflag:s29], $0x1  }
0xb5: {  	[sflag:s29] =	ssyncadd.s32 $0xFFFFFFFF  }
0xb6: {  	_ =	strace $0x9000004E  }
0xb7: {  	_ =	sfence  }
0xb8: {  	s30 =	sld [smem:$0x0];
	_ =	sdelay $0x2  }
0xb9: {  	s31 =	sshll.u32 s1, $0xD;
	s1 =	sshrl.u32 s1, $0x2  }
0xba: {  	s3 =	sand.u32 $0x4000, s31;
	s1 =	sadd.s32 s1, s30  }
0xbb: {  	s0 =	sor.u32 s3, s0;
	s1 =	sshll.u32 s1, $0x11  }
0xbc: {  	s0 =	sor.u32 s1, s0  }
0xbd: {  	s0 =	sadd.s32 $0x8F2B, s0  }
0xbe: {  	[sflag:s0] =	ssyncadd.remote.s32 $0x1  }
0xbf: {  	_ =	sfence.sel $0xFFFF  }
0xc0: {  	[dreg:$0x0] =	wrdreg $0xFFFFFFFF;
	(pc) =	sbr.abs _section_cstart, $3  }
0xc1: {  	[dreg:$0x1] =	wrdreg $0xFFFFFFFF  }
0xc2: {  	_ =	task.clear_ibuf [dreg:s7], $0x2FFFF;
	_ =	strace $0x9FFFFFFF  }
0xc3: {  	(tm) =	ssettm $0x7FFFFFFF  }
tec
execute0_lowered:
.L_overlay_start_1:
0x0: {  	(tag) =	ssettag $0x1  }
0x1: {  	s2 =	rddreg [dreg:$0x0]  }
0x2: {  	s6 =	rddreg [dreg:$0x1]  }
0x3: {  	s3 =	rddreg [dreg:$0x2]  }
0x4: {  	s1 =	stileid.u32;
	s0 =	rddreg [dreg:$0x3]  }
0x5: {  	s4 =	simm.s32 $0x0;
	s25 =	srdreg.scid;
	s16 =	simm.s32 $0x5000  }
0x6: {  	s17 =	simm.s32 $0x7D;
	s18 =	simm.s32 $0xA000;
	s19 =	simm.s32 $0x80  }
0x7: {  	s20 =	simm.s32 $0xE000;
	s21 =	simm.s32 $0x1;
	s22 =	simm.s32 $0x2  }
0x8: {  	s23 =	simm.s32 $0x9F00;
	s24 =	simm.s32 $0x9F80;
	s5 =	smul.u32 $0xA00, s1  }
0x9: {  	[smem:$0x7FF] =	sst s4;
	s11 =	sadd.s32 $0x3E800, s6;
	s9 =	smul.u32 $0xA0, s1  }
0xa: {  	s8 =	sand.u32 $0x1, s25;
	s12 =	sadd.s32 $0xC200, s6;
	s13 =	smul.u32 $0x14000, s1  }
0xb: {  	s30 =	sshll.u32 s1, $0xA;
	s25 =	simm.s32 $0x0;
	_ =	strace $0x8000004D  }
0xc: {  	s10 =	ssub.s32 $0x2, s8;
	s8 =	smul.u32 $0xA00, s8;
	s7 =	sadd.s32 s5, s6  }
0xd: {  	s5 =	sadd.s32 $0x1200, s6;
	s26 =	sshrl.u32 s10, $0x1;
	s29 =	sshrl.u32 s13, $0x2  }
0xe: {  	s14 =	ssub.s32 s10, s26;
	s6 =	sadd.s32 $0x2200, s7;
	s28 =	sadd.s32 s9, s8  }
0xf: {  	s8 =	sadd.s32 s29, s3;
	s9 =	sadd.s32 s30, s3;
	s15 =	sshll.u32 s28, $0x4  }
0x10: {  	s9 =	sadd.s32 $0x50000, s9;
	s13 =	smax.u32 s14, $0x1;
	s14 =	simm.s32 $0x3  }
0x11: {  	s7 =	sadd.s32 s11, s15;
	s10 =	sadd.s32 s12, s15;
	s31 =	sadd.s32 $0x14000, s15  }
0x12: {  	s15 =	simm.s32 $0x12000;
	s11 =	sadd.s32 s11, s31;
	s12 =	sadd.s32 s12, s31  }
.LBB2_1:
0x13: {  	[tilespmem:s4], [sflag:$0x3] =	stream.linear.gather [hbm4b:s6+s4], $0x5000, $0x38;
	[tilespmem:$0x1C400] =	vst v63  }
0x14: {  	_ =	swait.ge [sflag:s14], $0x5000  }
0x15: {  	[sflag:s14] =	ssyncset.done $0x0  }
0x16: {  	[sflag:s14] =	ssyncadd.s32 $0xFFFFB000  }
0x17: {  	[tilespmem:s15], [sflag:$0x3] =	stream.linear.gather [hbm4b:s5+s4], $0x5000, $0x38;
	[tilespmem:$0x1C400] =	vst v63  }
0x18: {  	_ =	swait.ge [sflag:s14], $0x5000  }
0x19: {  	[sflag:s14] =	ssyncset.done $0x0  }
0x1a: {  	[sflag:s14] =	ssyncadd.s32 $0xFFFFB000  }
0x1b: {  	[tilespmem:s16], [sflag:$0x3] =	stream.linear.gather [hbm4b:s7+s4], $0x5000, $0x38;
	[tilespmem:$0x1C400] =	vst v63  }
0x1c: {  	_ =	swait.ge [sflag:s14], $0x5000  }
0x1d: {  	[sflag:s14] =	ssyncset.done $0x0  }
0x1e: {  	[sflag:s14] =	ssyncadd.s32 $0xFFFFB000  }
0x1f: {  	[spmem:s8] =	stream.linear.scatter [tilespmem:s15], [sflag:$0x3], $0x5000, $0x38;
	[tilespmem:$0x1C400] =	vst v63  }
0x20: {  	_ =	swait.ge [sflag:s14], $0x5000  }
0x21: {  	[sflag:s14] =	ssyncset.done $0x0  }
0x22: {  	[sflag:s14] =	ssyncadd.s32 $0xFFFFB000  }
0x23: {  	[spmem:s9] =	stream.linear.scatter [tilespmem:s15], [sflag:$0x3], $0x400, $0x38;
	[tilespmem:$0x1C400] =	vst v63  }
0x24: {  	_ =	swait.ge [sflag:s14], $0x400  }
0x25: {  	[sflag:s14] =	ssyncset.done $0x0  }
0x26: {  	[sflag:s14] =	ssyncadd.s32 $0xFFFFFC00  }
0x27: {  	[bflag:$0x0] =	sbarrier.arrive $0xFFFF  }
0x28: {  	[tilespmem:s18], [sflag:$0x1] =	stream.indirect.gather [hbm4b:s2+s17], $0x80, s4, s17, $0xb8;
	[tilespmem:$0x1C400] =	vst v63  }
0x29: {  	_ = 	snop  }
0x2a: {  	[tilespmem:s20], [sflag:$0x2] =	stream.indirect.gather [hbm4b:s2+s17], $0x80, s19, s17, $0xb8;
	[tilespmem:$0x1C400] =	vst v63  }
0x2b: {  	_ =	swait.ge [sflag:s21], $0x3E80  }
0x2c: {  	[sflag:s21] =	ssyncset.done $0x0  }
0x2d: {  	s26 =	simm.s32 $0x5000;
	[sflag:s21] =	ssyncadd.s32 $0xFFFFC180  }
0x2e: {  	[spmem:s3] =	stream.indirect.scatter.add.f32 [tilespmem:s18], [sflag:$0x3], $0x80, s26, s17, $0xb8;
	[tilespmem:$0x1C400] =	vst v63  }
0x2f: {  	_ =	swait.ge [sflag:s14], $0x3E80  }
0x30: {  	[sflag:s14] =	ssyncset.done $0x0  }
0x31: {  	s30 =	simm.s32 $0x100;
	[sflag:s14] =	ssyncadd.s32 $0xFFFFC180  }
0x32: {  	[tilespmem:s18], [sflag:$0x1] =	stream.indirect.gather [hbm4b:s2+s17], $0x80, s30, s17, $0xb8;
	[tilespmem:$0x1C400] =	vst v63  }
0x33: {  	_ =	swait.ge [sflag:s22], $0x3E80  }
0x34: {  	[sflag:s22] =	ssyncset.done $0x0  }
0x35: {  	s31 =	simm.s32 $0x5080;
	[sflag:s22] =	ssyncadd.s32 $0xFFFFC180  }
0x36: {  	[spmem:s3] =	stream.indirect.scatter.add.f32 [tilespmem:s20], [sflag:$0x3], $0x80, s31, s17, $0xb8;
	[tilespmem:$0x1C400] =	vst v63  }
0x37: {  	_ =	swait.ge [sflag:s14], $0x3E80  }
0x38: {  	[sflag:s14] =	ssyncset.done $0x0  }
0x39: {  	s28 =	simm.s32 $0x180;
	s26 =	simm.s32 $0x400;
	[sflag:s14] =	ssyncadd.s32 $0xFFFFC180  }
.LBB2_2:
0x3a: {  	[tilespmem:s20], [sflag:$0x2] =	stream.indirect.gather [hbm4b:s2+s17], $0x80, s28, s17, $0xb8;
	[tilespmem:$0x1C400] =	vst v63  }
0x3b: {  	s28 =	smov.u32 s26  }
0x3c: {  	p0 =	sne.s32 s26, $0x13800;
	s26 =	sadd.s32 $0x400, s26;
	_ =	swait.ge [sflag:s21], $0x3E80  }
0x3d: {  	s28 =	sshra.s32 s28, $0x2;
	[sflag:s21] =	ssyncset.done $0x0  }
0x3e: {  	s29 =	sadd.s32 $0x5000, s28;
	[sflag:s21] =	ssyncadd.s32 $0xFFFFC180  }
0x3f: {  	[spmem:s3] =	stream.indirect.scatter.add.f32 [tilespmem:s18], [sflag:$0x3], $0x80, s29, s17, $0xb8;
	[tilespmem:$0x1C400] =	vst v63  }
0x40: {  	_ =	swait.ge [sflag:s14], $0x3E80  }
0x41: {  	[sflag:s14] =	ssyncset.done $0x0  }
0x42: {  	s29 =	sadd.s32 $0x100, s28;
	[sflag:s14] =	ssyncadd.s32 $0xFFFFC180  }
0x43: {  	[tilespmem:s18], [sflag:$0x1] =	stream.indirect.gather [hbm4b:s2+s17], $0x80, s29, s17, $0xb8;
	[tilespmem:$0x1C400] =	vst v63  }
0x44: {  	_ =	swait.ge [sflag:s22], $0x3E80  }
0x45: {  	[sflag:s22] =	ssyncset.done $0x0  }
.Ltmp0:
0x46: {  	s29 =	sadd.s32 $0x5080, s28;
	[sflag:s22] =	ssyncadd.s32 $0xFFFFC180;
	(pc) =	sbr.rel @p0 .LBB2_2-.Ltmp0, $4  }
0x47: {  	[spmem:s3] =	stream.indirect.scatter.add.f32 [tilespmem:s20], [sflag:$0x3], $0x80, s29, s17, $0xb8;
	[tilespmem:$0x1C400] =	vst v63  }
0x48: {  	_ =	swait.ge [sflag:s14], $0x3E80  }
0x49: {  	[sflag:s14] =	ssyncset.done $0x0  }
0x4a: {  	s28 =	sadd.s32 $0x180, s28;
	[sflag:s14] =	ssyncadd.s32 $0xFFFFC180  }
0x4b: {  	[tilespmem:s20], [sflag:$0x2] =	stream.indirect.gather [hbm4b:s2+s17], $0x80, s28, s17, $0xb8;
	[tilespmem:$0x1C400] =	vst v63  }
0x4c: {  	_ =	swait.ge [sflag:s21], $0x3E80  }
0x4d: {  	[sflag:s21] =	ssyncset.done $0x0  }
0x4e: {  	[sflag:s21] =	ssyncadd.s32 $0xFFFFC180  }
0x4f: {  	[spmem:s3] =	stream.indirect.scatter.add.f32 [tilespmem:s18], [sflag:$0x3], $0x80, s23, s17, $0xb8;
	[tilespmem:$0x1C400] =	vst v63  }
0x50: {  	_ =	swait.ge [sflag:s14], $0x3E80  }
0x51: {  	[sflag:s14] =	ssyncset.done $0x0  }
0x52: {  	[sflag:s14] =	ssyncadd.s32 $0xFFFFC180  }
0x53: {  	_ =	swait.ge [sflag:s22], $0x3E80  }
0x54: {  	[sflag:s22] =	ssyncset.done $0x0  }
0x55: {  	[sflag:s22] =	ssyncadd.s32 $0xFFFFC180  }
0x56: {  	[spmem:s3] =	stream.indirect.scatter.add.f32 [tilespmem:s20], [sflag:$0x3], $0x80, s24, s17, $0xb8;
	[tilespmem:$0x1C400] =	vst v63  }
0x57: {  	_ =	swait.ge [sflag:s14], $0x3E80  }
0x58: {  	[sflag:s14] =	ssyncset.done $0x0  }
0x59: {  	[sflag:s14] =	ssyncadd.s32 $0xFFFFC180  }
0x5a: {  	[bflag:$0x0] =	sbarrier.arrive $0xFFFF  }
0x5b: {  	[tilespmem:s15], [sflag:$0x3] =	stream.linear.gather [spmem:s8], $0x5000, $0x38;
	[tilespmem:$0x1C400] =	vst v63  }
0x5c: {  	_ =	swait.ge [sflag:s14], $0x5000  }
0x5d: {  	[sflag:s14] =	ssyncset.done $0x0  }
0x5e: {  	s26 =	simm.s32 $0x0;
	[sflag:s14] =	ssyncadd.s32 $0xFFFFB000  }
0x5f: {  	[hbm4b:s10+s26] =	stream.linear.scatter [tilespmem:s15], [sflag:$0x3], $0x5000, $0x38;
	[tilespmem:$0x1C400] =	vst v63  }
0x60: {  	_ =	swait.ge [sflag:s14], $0x5000  }
0x61: {  	[sflag:s14] =	ssyncset.done $0x0  }
0x62: {  	[sflag:s14] =	ssyncadd.s32 $0xFFFFB000  }
0x63: {  	[tilespmem:s15], [sflag:$0x3] =	stream.linear.gather [hbm4b:s5+s26], $0x5000, $0x38;
	[tilespmem:$0x1C400] =	vst v63  }
0x64: {  	_ =	swait.ge [sflag:s14], $0x5000  }
0x65: {  	[sflag:s14] =	ssyncset.done $0x0  }
0x66: {  	[sflag:s14] =	ssyncadd.s32 $0xFFFFB000  }
0x67: {  	[tilespmem:s16], [sflag:$0x3] =	stream.linear.gather [hbm4b:s11+s26], $0x5000, $0x38;
	[tilespmem:$0x1C400] =	vst v63  }
0x68: {  	_ =	swait.ge [sflag:s14], $0x5000  }
0x69: {  	[sflag:s14] =	ssyncset.done $0x0  }
0x6a: {  	[sflag:s14] =	ssyncadd.s32 $0xFFFFB000  }
0x6b: {  	[spmem:s8] =	stream.linear.scatter [tilespmem:s15], [sflag:$0x3], $0x5000, $0x38;
	[tilespmem:$0x1C400] =	vst v63  }
0x6c: {  	_ =	swait.ge [sflag:s14], $0x5000  }
0x6d: {  	[sflag:s14] =	ssyncset.done $0x0  }
0x6e: {  	[sflag:s14] =	ssyncadd.s32 $0xFFFFB000  }
0x6f: {  	[spmem:s9] =	stream.linear.scatter [tilespmem:s15], [sflag:$0x3], $0x400, $0x38;
	[tilespmem:$0x1C400] =	vst v63  }
0x70: {  	_ =	swait.ge [sflag:s14], $0x400  }
0x71: {  	[sflag:s14] =	ssyncset.done $0x0  }
0x72: {  	[sflag:s14] =	ssyncadd.s32 $0xFFFFFC00  }
0x73: {  	[bflag:$0x0] =	sbarrier.arrive $0xFFFF  }
0x74: {  	[tilespmem:s18], [sflag:$0x1] =	stream.indirect.gather [hbm4b:s2+s17], $0x80, s26, s17, $0xb8;
	[tilespmem:$0x1C400] =	vst v63  }
0x75: {  	_ = 	snop  }
0x76: {  	[tilespmem:s20], [sflag:$0x2] =	stream.indirect.gather [hbm4b:s2+s17], $0x80, s19, s17, $0xb8;
	[tilespmem:$0x1C400] =	vst v63  }
0x77: {  	_ =	swait.ge [sflag:s21], $0x3E80  }
0x78: {  	[sflag:s21] =	ssyncset.done $0x0  }
0x79: {  	s29 =	simm.s32 $0x5000;
	[sflag:s21] =	ssyncadd.s32 $0xFFFFC180  }
0x7a: {  	[spmem:s3] =	stream.indirect.scatter.add.f32 [tilespmem:s18], [sflag:$0x3], $0x80, s29, s17, $0xb8;
	[tilespmem:$0x1C400] =	vst v63  }
0x7b: {  	_ =	swait.ge [sflag:s14], $0x3E80  }
0x7c: {  	[sflag:s14] =	ssyncset.done $0x0  }
0x7d: {  	s30 =	simm.s32 $0x100;
	[sflag:s14] =	ssyncadd.s32 $0xFFFFC180  }
0x7e: {  	[tilespmem:s18], [sflag:$0x1] =	stream.indirect.gather [hbm4b:s2+s17], $0x80, s30, s17, $0xb8;
	[tilespmem:$0x1C400] =	vst v63  }
0x7f: {  	_ =	swait.ge [sflag:s22], $0x3E80  }
0x80: {  	[sflag:s22] =	ssyncset.done $0x0  }
0x81: {  	s31 =	simm.s32 $0x5080;
	[sflag:s22] =	ssyncadd.s32 $0xFFFFC180  }
0x82: {  	[spmem:s3] =	stream.indirect.scatter.add.f32 [tilespmem:s20], [sflag:$0x3], $0x80, s31, s17, $0xb8;
	[tilespmem:$0x1C400] =	vst v63  }
0x83: {  	_ =	swait.ge [sflag:s14], $0x3E80  }
0x84: {  	[sflag:s14] =	ssyncset.done $0x0  }
0x85: {  	s28 =	simm.s32 $0x180;
	s26 =	simm.s32 $0x400;
	[sflag:s14] =	ssyncadd.s32 $0xFFFFC180  }
.LBB2_4:
0x86: {  	[tilespmem:s20], [sflag:$0x2] =	stream.indirect.gather [hbm4b:s2+s17], $0x80, s28, s17, $0xb8;
	[tilespmem:$0x1C400] =	vst v63  }
0x87: {  	s28 =	smov.u32 s26  }
0x88: {  	p0 =	sne.s32 s26, $0x13800;
	s26 =	sadd.s32 $0x400, s26;
	_ =	swait.ge [sflag:s21], $0x3E80  }
0x89: {  	s28 =	sshra.s32 s28, $0x2;
	[sflag:s21] =	ssyncset.done $0x0  }
0x8a: {  	s29 =	sadd.s32 $0x5000, s28;
	[sflag:s21] =	ssyncadd.s32 $0xFFFFC180  }
0x8b: {  	[spmem:s3] =	stream.indirect.scatter.add.f32 [tilespmem:s18], [sflag:$0x3], $0x80, s29, s17, $0xb8;
	[tilespmem:$0x1C400] =	vst v63  }
0x8c: {  	_ =	swait.ge [sflag:s14], $0x3E80  }
0x8d: {  	[sflag:s14] =	ssyncset.done $0x0  }
0x8e: {  	s29 =	sadd.s32 $0x100, s28;
	[sflag:s14] =	ssyncadd.s32 $0xFFFFC180  }
0x8f: {  	[tilespmem:s18], [sflag:$0x1] =	stream.indirect.gather [hbm4b:s2+s17], $0x80, s29, s17, $0xb8;
	[tilespmem:$0x1C400] =	vst v63  }
0x90: {  	_ =	swait.ge [sflag:s22], $0x3E80  }
0x91: {  	[sflag:s22] =	ssyncset.done $0x0  }
.Ltmp1:
0x92: {  	s29 =	sadd.s32 $0x5080, s28;
	[sflag:s22] =	ssyncadd.s32 $0xFFFFC180;
	(pc) =	sbr.rel @p0 .LBB2_4-.Ltmp1, $4  }
0x93: {  	[spmem:s3] =	stream.indirect.scatter.add.f32 [tilespmem:s20], [sflag:$0x3], $0x80, s29, s17, $0xb8;
	[tilespmem:$0x1C400] =	vst v63  }
0x94: {  	_ =	swait.ge [sflag:s14], $0x3E80  }
0x95: {  	[sflag:s14] =	ssyncset.done $0x0  }
0x96: {  	s28 =	sadd.s32 $0x180, s28;
	[sflag:s14] =	ssyncadd.s32 $0xFFFFC180  }
0x97: {  	[tilespmem:s20], [sflag:$0x2] =	stream.indirect.gather [hbm4b:s2+s17], $0x80, s28, s17, $0xb8;
	[tilespmem:$0x1C400] =	vst v63  }
0x98: {  	_ =	swait.ge [sflag:s21], $0x3E80  }
0x99: {  	[sflag:s21] =	ssyncset.done $0x0  }
0x9a: {  	[sflag:s21] =	ssyncadd.s32 $0xFFFFC180  }
0x9b: {  	[spmem:s3] =	stream.indirect.scatter.add.f32 [tilespmem:s18], [sflag:$0x3], $0x80, s23, s17, $0xb8;
	[tilespmem:$0x1C400] =	vst v63  }
0x9c: {  	_ =	swait.ge [sflag:s14], $0x3E80  }
0x9d: {  	[sflag:s14] =	ssyncset.done $0x0  }
0x9e: {  	[sflag:s14] =	ssyncadd.s32 $0xFFFFC180  }
0x9f: {  	_ =	swait.ge [sflag:s22], $0x3E80  }
0xa0: {  	[sflag:s22] =	ssyncset.done $0x0  }
0xa1: {  	[sflag:s22] =	ssyncadd.s32 $0xFFFFC180  }
0xa2: {  	[spmem:s3] =	stream.indirect.scatter.add.f32 [tilespmem:s20], [sflag:$0x3], $0x80, s24, s17, $0xb8;
	[tilespmem:$0x1C400] =	vst v63  }
0xa3: {  	_ =	swait.ge [sflag:s14], $0x3E80  }
0xa4: {  	[sflag:s14] =	ssyncset.done $0x0  }
0xa5: {  	[sflag:s14] =	ssyncadd.s32 $0xFFFFC180  }
0xa6: {  	[bflag:$0x0] =	sbarrier.arrive $0xFFFF  }
0xa7: {  	[tilespmem:s15], [sflag:$0x3] =	stream.linear.gather [spmem:s8], $0x5000, $0x38;
	[tilespmem:$0x1C400] =	vst v63  }
0xa8: {  	_ =	swait.ge [sflag:s14], $0x5000  }
0xa9: {  	[sflag:s14] =	ssyncset.done $0x0  }
0xaa: {  	[sflag:s14] =	ssyncadd.s32 $0xFFFFB000  }
0xab: {  	[hbm4b:s12+s4] =	stream.linear.scatter [tilespmem:s15], [sflag:$0x3], $0x5000, $0x38;
	[tilespmem:$0x1C400] =	vst v63  }
0xac: {  	s25 =	sadd.s32 $0x1, s25;
	_ =	swait.ge [sflag:s14], $0x5000  }
0xad: {  	p0 =	sne.s32 s25, s13;
	[sflag:s14] =	ssyncset.done $0x0  }
.Ltmp2:
0xae: {  	[sflag:s14] =	ssyncadd.s32 $0xFFFFB000;
	(pc) =	sbr.rel @p0 .LBB2_1-.Ltmp2, $4  }
0xaf: {  	[tilespmem:s15], [sflag:$0x3] =	stream.linear.gather [hbm4b:s5+s4], $0x5000, $0x38;
	[tilespmem:$0x1C400] =	vst v63  }
0xb0: {  	_ =	swait.ge [sflag:s14], $0x5000  }
0xb1: {  	[sflag:s14] =	ssyncset.done $0x0  }
0xb2: {  	[sflag:s14] =	ssyncadd.s32 $0xFFFFB000  }
0xb3: {  	_ =	sfence.sel $0x180000  }
0xb4: {  	[bflag:$0x0] =	sbarrier.arrive $0xFFFF  }
0xb5: {  	p0 =	sne.s32 s1, $0x0;
	_ =	strace $0x9000004D  }
0xb6: {  	s0 =	sadd.s32 @!p0 $0x100000, s0;
	[bflag:$0x2] =	sbarrier.arrive $0xFFFF  }
0xb7: {  	[sflag:s0] =	ssyncadd.tile.s32 @!p0 $0x1;
	_ =	shalt  }
.Lfunc_end2:
_tile_overlayer_lowered:
.L_overlay_start_2:
0xb8: {  	(tag) =	ssettag $0x2  }
0xb9: {  	s0 =	rddreg [dreg:$0x0];
	s2 =	stileid.u32  }
0xba: {  	s1 =	rddreg [dreg:$0x1];
	p0 =	sne.s32 s2, $0x0  }
0xbb: {  	s3 =	rddreg [dreg:$0x2];
	[bflag:$0x3] =	sbarrier.arrive $0xFFFF;
	s2 =	simm.s32 @!p0 $0x1C03  }
0xbc: {  	[timem:s3], [sflag:s2] =	dma.local @!p0 [hbm:s0], s1  }
0xbd: {  	s0 =	simm.s32 @!p0 $0x3  }
0xbe: {  	_ =	swait.ge @!p0 [sflag:s0], s1  }
0xbf: {  	s1 =	ssub.s32 @!p0 $0x0, s1;
	[sflag:s0] =	ssyncset.done @!p0 $0x0  }
0xc0: {  	[sflag:s0] =	ssyncadd.s32 @!p0 s1  }
0xc1: {  	[bflag:$0x3] =	sbarrier.arrive $0xFFFF  }
0xc2: {  	_ =	shalt  }

// kernel: kernel.8.cloned.1.call-start
scs
__scs_entry_jumppad:
0x0: {  	(pc) =	sbr.rel $0x88, $3  }
0x1: {  	(tag) =	ssettag $0x0;
	lr =	simm.s32 $0x1  }
0x2: {  	[smem:$0x3F9B] =	sst lr;
	_ =	strace $0xD0000000  }
0x3: {  	_ = 	snop  }
0x4: {  	_ = 	snop  }
0x5: {  	_ = 	snop  }
0x6: {  	_ = 	snop  }
0x7: {  	_ = 	snop  }
__scs_overlays_trampoline_lowered:
0x8: {  	[smem:$0x3FAA] =	sst s0  }
0x9: {  	[smem:$0x3FAB] =	sst s1  }
0xa: {  	[smem:$0x3FAC] =	sst s2  }
0xb: {  	[smem:$0x3FAD] =	sst s3  }
0xc: {  	[smem:$0x3FAE] =	sst s4  }
0xd: {  	[smem:$0x3FAF] =	sst s5  }
0xe: {  	[smem:$0x3FB0] =	sst s6  }
0xf: {  	[smem:$0x3FB1] =	sst s7  }
0x10: {  	[smem:$0x3FB2] =	sst s8  }
0x11: {  	[smem:$0x3FB3] =	sst s9;
	s0 =	simm.s32 @!p0 $0x0  }
0x12: {  	s1 =	sld [smem:$0x3F99];
	s0 =	simm.s32 @p0 $0x1  }
0x13: {  	[smem:$0x3FB4] =	sst s0;
	s0 =	simm.s32 @!p1 $0x0  }
0x14: {  	s2 =	sld [smem:$0x3F98];
	s0 =	simm.s32 @p1 $0x1  }
0x15: {  	[smem:$0x3FB5] =	sst s0;
	s0 =	simm.s32 @!p2 $0x0  }
0x16: {  	s3 =	sld [smem:$0x3FDB];
	s0 =	simm.s32 @p2 $0x1  }
0x17: {  	s4 =	simm.s32 $0x1BF5;
	[smem:$0x3FB7] =	sst s0  }
0x18: {  	s0 =	sld [smem:$0x3F9A];
	_ =	swait.ge [sflag:s4], $0x0  }
0x19: {  	s7 =	sld [smem:$0x3F9B]  }
0x1a: {  	s8 =	sadd.s32 $0xFFFFE003, lr  }
0x1b: {  	s9 =	sadd.s32 $0xFFFFFEF7, lr;
	s5 =	simm.s32 $0xFFFFFFFF;
	p2 =	slt.u32 s8, $0xFFFFF086  }
0x1c: {  	p1 =	slt.u32 s9, $0xF7A;
	s5 =	simm.s32 @!p2 $0x0  }
0x1d: {  	s5 =	simm.s32 @p1 $0x1;
	p0 =	seq.s32 s7, s2  }
0x1e: {  	s7 =	smul.u32 @!p0 $0xF7A, s2;
	p2 =	seq.s32 @!p0 s5, $0x0  }
0x1f: {  	s9 =	smul.u32 $0xF7A, s1;
	s8 =	simm.s32 @!p0 $0x1BF5;
	p2 =	por !p2, p0  }
0x20: {  	[sflag:s8] =	ssyncset.s32 @!p0 $0xFFFFF086;
	s6 =	sadd.s32 @!p0 s3, s7;
	s7 =	simm.s32 @!p0 $0x108  }
0x21: {  	s3 =	sadd.s32 s3, s9;
	s6 =	sadd.s32 @!p0 $0x88, s6;
	s7 =	simm.s32 @p2 $0x1082  }
0x22: {  	[simem:s7], [sflag:s8] =	dma.local @!p0 [hbm:s6], $0xF7A  }
0x23: {  	s9 =	sor.u32 $0xD0000000, s2;
	s6 =	simm.s32 $0x108;
	_ =	swait.ge @!p0 [sflag:s8], $0x0  }
0x24: {  	s3 =	sadd.s32 $0x88, s3;
	s6 =	simm.s32 @!p1 $0x1082;
	[sflag:s4] =	ssyncset.s32 $0xFFFFF086  }
0x25: {  	[simem:s6], [sflag:s4] =	dma.local [hbm:s3], $0xF7A  }
0x26: {  	[smem:$0x3F9B] =	sst s1;
	(tag) =	ssettag s2;
	_ =	strace s9  }
0x27: {  	s1 =	sld [smem:$0x3FAB]  }
0x28: {  	s2 =	sld [smem:$0x3FAC]  }
0x29: {  	s4 =	sld [smem:$0x3FAE]  }
0x2a: {  	p0 =	seq.s32 s5, $0x0;
	s5 =	sld [smem:$0x3FAF]  }
0x2b: {  	s6 =	sld [smem:$0x3FB0]  }
0x2c: {  	s7 =	sld [smem:$0x3FB1]  }
0x2d: {  	s3 =	simm.s32 $0x108;
	s8 =	sld [smem:$0x3FB2]  }
0x2e: {  	s3 =	simm.s32 @!p0 $0x1082;
	s9 =	sld [smem:$0x3FB3]  }
0x2f: {  	lr =	sadd.s32 s0, s3;
	s0 =	sld [smem:$0x3FAA]  }
0x30: {  	s3 =	sld [smem:$0x3FAD]  }
0x31: {  	[smem:$0x3FB6] =	sst s10  }
0x32: {  	s10 =	sld [smem:$0x3FB4];
	_ =	sdelay $0x3  }
0x33: {  	p0 =	seq.s32 s10, $0x1;
	s10 =	sld [smem:$0x3FB6];
	_ =	sdelay $0x3  }
0x34: {  	[smem:$0x3FB6] =	sst s10  }
0x35: {  	s10 =	sld [smem:$0x3FB5];
	_ =	sdelay $0x3  }
0x36: {  	p1 =	seq.s32 s10, $0x1;
	s10 =	sld [smem:$0x3FB6];
	_ =	sdelay $0x3  }
0x37: {  	[smem:$0x3FB6] =	sst s10  }
0x38: {  	s10 =	sld [smem:$0x3FB7]  }
0x39: {  	_ = 	snop;
	(pc) =	sbr.ind lr, $3  }
0x3a: {  	_ = 	snop  }
0x3b: {  	_ = 	snop  }
0x3c: {  	p2 =	seq.s32 s10, $0x1;
	s10 =	sld [smem:$0x3FB6]  }
0x3d: {  	_ =	shalt  }
0x3e: {  	_ =	shalt  }
0x3f: {  	_ =	shalt  }
0x40: {  	_ =	shalt  }
0x41: {  	_ =	shalt  }
0x42: {  	_ =	shalt  }
0x43: {  	_ =	shalt  }
0x44: {  	_ =	shalt  }
0x45: {  	_ =	shalt  }
0x46: {  	_ =	shalt  }
0x47: {  	_ =	shalt  }
0x48: {  	_ =	shalt  }
0x49: {  	_ =	shalt  }
0x4a: {  	_ =	shalt  }
0x4b: {  	_ =	shalt  }
0x4c: {  	_ =	shalt  }
0x4d: {  	_ =	shalt  }
0x4e: {  	_ =	shalt  }
0x4f: {  	_ =	shalt  }
0x50: {  	_ =	shalt  }
0x51: {  	_ =	shalt  }
0x52: {  	_ =	shalt  }
0x53: {  	_ =	shalt  }
0x54: {  	_ =	shalt  }
0x55: {  	_ =	shalt  }
0x56: {  	_ =	shalt  }
0x57: {  	_ =	shalt  }
0x58: {  	_ =	shalt  }
0x59: {  	_ =	shalt  }
0x5a: {  	_ =	shalt  }
0x5b: {  	_ =	shalt  }
0x5c: {  	_ =	shalt  }
0x5d: {  	_ =	shalt  }
0x5e: {  	_ =	shalt  }
0x5f: {  	_ =	shalt  }
0x60: {  	_ =	shalt  }
0x61: {  	_ =	shalt  }
0x62: {  	_ =	shalt  }
0x63: {  	_ =	shalt  }
0x64: {  	_ =	shalt  }
0x65: {  	_ =	shalt  }
0x66: {  	_ =	shalt  }
0x67: {  	_ =	shalt  }
0x68: {  	_ =	shalt  }
0x69: {  	_ =	shalt  }
0x6a: {  	_ =	shalt  }
0x6b: {  	_ =	shalt  }
0x6c: {  	_ =	shalt  }
0x6d: {  	_ =	shalt  }
0x6e: {  	_ =	shalt  }
0x6f: {  	_ =	shalt  }
0x70: {  	_ =	shalt  }
0x71: {  	_ =	shalt  }
0x72: {  	_ =	shalt  }
0x73: {  	_ =	shalt  }
0x74: {  	_ =	shalt  }
0x75: {  	_ =	shalt  }
0x76: {  	_ =	shalt  }
0x77: {  	_ =	shalt  }
0x78: {  	_ =	shalt  }
0x79: {  	_ =	shalt  }
0x7a: {  	_ =	shalt  }
0x7b: {  	_ =	shalt  }
0x7c: {  	_ =	shalt  }
0x7d: {  	_ =	shalt  }
0x7e: {  	_ =	shalt  }
0x7f: {  	_ =	shalt  }
0x80: {  	_ =	shalt  }
0x81: {  	_ =	shalt  }
0x82: {  	_ =	shalt  }
0x83: {  	_ =	shalt  }
0x84: {  	_ =	shalt  }
0x85: {  	_ =	shalt  }
0x86: {  	_ =	shalt  }
0x87: {  	_ =	shalt  }
.Lfunc_end0:
.L_simem_size_0:
called_computation_lowered:
.L_overlay_start_0:
0x88: {  	s2 =	sld [smem:$0x3FD9]  }
0x89: {  	s3 =	sld [smem:$0x3FFE];
	_ =	sdelay $0x1  }
0x8a: {  	s1 =	srdreg.scid  }
0x8b: {  	s0 =	sand.u32 $0x1, s1  }
0x8c: {  	s17 =	sshll.u32 s0, $0xA;
	s2 =	sadd.s32 s3, s2  }
0x8d: {  	s2 =	sadd.s32 s2, s17  }
0x8e: {  	[smem:$0x3FC2] =	sst s2  }
0x8f: {  	_ = 	snop  }
0x90: {  	s2 =	sld [smem:$0x3FD0];
	(tm) =	ssettm $0x1  }
0x91: {  	s18 =	sld [smem:$0x3FFB];
	_ =	sdelay $0x3  }
0x92: {  	_ =	strace s18  }
0x93: {  	s3 =	sld [smem:$0x3FFC];
	_ =	sdelay $0x3  }
0x94: {  	_ =	strace s3  }
0x95: {  	s3 =	sld [smem:$0x3FFD];
	_ =	sdelay $0x3  }
0x96: {  	_ =	strace s3  }
0x97: {  	_ =	strace $0x8FFFFFFF  }
0x98: {  	s19 =	sld [smem:$0x3FDB];
	_ =	sdelay $0x1  }
0x99: {  	s4 =	simm.s32 $_scs_section_size  }
0x9a: {  	s5 =	simm.s32 $_size__tile_overlayer_lowered;
	s6 =	simm.s32 $_tile_overlayer_lowered  }
0x9b: {  	s22 =	simm.s32 $0x1BFF;
	s21 =	sshll.u32 s6, $0x1;
	s3 =	sadd.s32 s4, s19  }
0x9c: {  	s7 =	simm.s32 $0x0;
	s20 =	sshll.u32 s5, $0x1;
	s5 =	sadd.s32 s21, s3  }
0x9d: {  	[timem:s7], [sflag:s22] =	dma.local [hbm:s5], s20  }
0x9e: {  	_ =	swait.ge [sflag:s22], s20  }
0x9f: {  	s4 =	ssub.s32 $0x0, s20;
	[sflag:s22] =	ssyncset.done $0x0  }
0xa0: {  	[sflag:s22] =	ssyncadd.s32 s4;
	_ =	sdelay $0x1  }
0xa1: {  	s23 =	simm.s32 $0x1B8B  }
0xa2: {  	_ =	swait.ge [sflag:s23], $0x1  }
0xa3: {  	[sflag:s23] =	ssyncset.done $0x0  }
0xa4: {  	s25 =	simm.s32 $0x1B8E;
	s24 =	sld [smem:$0x3FFE];
	[sflag:s23] =	ssyncadd.s32 $0xFFFFFFFF  }
0xa5: {  	s26 =	simm.s32 $execute0_lowered;
	[smem:$0x3FD2] =	sst s25  }
0xa6: {  	s5 =	sshll.u32 s26, $0x1;
	_ =	strace $0x80000046;
	[dreg:$0x1] =	wrdreg $0xFFFFFFFF  }
0xa7: {  	s28 =	simm.s32 $_size_execute0_lowered;
	s3 =	sadd.s32 s3, s5;
	[dreg:$0x0] =	wrdreg $0x0  }
0xa8: {  	s5 =	sshll.u32 s28, $0x1;
	[dreg:$0x2] =	wrdreg s3  }
0xa9: {  	[dreg:$0x3] =	wrdreg s5  }
0xaa: {  	[dreg:$0x4] =	wrdreg $0xC0  }
0xab: {  	_ =	task [dreg:s7], $0x5FFFF  }
0xac: {  	[dreg:$0x1] =	wrdreg $0xFFFFFFFF  }
0xad: {  	[dreg:$0x0] =	wrdreg $0x60  }
0xae: {  	[dreg:$0x2] =	wrdreg s24  }
0xaf: {  	[dreg:$0x3] =	wrdreg s2  }
0xb0: {  	[dreg:$0x4] =	wrdreg $0xF8000  }
0xb1: {  	[dreg:$0x5] =	wrdreg $0x9  }
0xb2: {  	_ =	task.clear_ibuf [dreg:s7], $0x6FFFF;
	_ =	strace $0x90000046  }
0xb3: {  	s29 =	simm.s32 $0x9;
	_ =	strace $0x80000048  }
0xb4: {  	_ =	swait.ge [sflag:s29], $0x1  }
0xb5: {  	[sflag:s29] =	ssyncadd.s32 $0xFFFFFFFF  }
0xb6: {  	_ =	strace $0x90000048  }
0xb7: {  	_ =	sfence  }
0xb8: {  	s30 =	sld [smem:$0x0];
	_ =	sdelay $0x2  }
0xb9: {  	s31 =	sshll.u32 s1, $0xD;
	s1 =	sshrl.u32 s1, $0x2  }
0xba: {  	s3 =	sand.u32 $0x4000, s31;
	s1 =	sadd.s32 s1, s30  }
0xbb: {  	s0 =	sor.u32 s3, s0;
	s1 =	sshll.u32 s1, $0x11  }
0xbc: {  	s0 =	sor.u32 s1, s0  }
0xbd: {  	s0 =	sadd.s32 $0x8F2B, s0  }
0xbe: {  	[sflag:s0] =	ssyncadd.remote.s32 $0x1  }
0xbf: {  	_ =	sfence.sel $0xFFFF  }
0xc0: {  	[dreg:$0x0] =	wrdreg $0xFFFFFFFF;
	(pc) =	sbr.abs _section_cstart, $3  }
0xc1: {  	[dreg:$0x1] =	wrdreg $0xFFFFFFFF  }
0xc2: {  	_ =	task.clear_ibuf [dreg:s7], $0x2FFFF;
	_ =	strace $0x9FFFFFFF  }
0xc3: {  	(tm) =	ssettm $0x7FFFFFFF  }
tec
execute0_lowered:
.L_overlay_start_1:
0x0: {  	(tag) =	ssettag $0x1  }
0x1: {  	s1 =	srdreg.scid;
	s6 =	rddreg [dreg:$0x0]  }
0x2: {  	s0 =	stileid.u32;
	s11 =	rddreg [dreg:$0x1]  }
0x3: {  	s2 =	rddreg [dreg:$0x2];
	s3 =	simm.s32 $0x0;
	s16 =	simm.s32 $0xD000  }
0x4: {  	s17 =	simm.s32 $0x7D;
	s18 =	simm.s32 $0x5000;
	s19 =	simm.s32 $0x80  }
0x5: {  	s20 =	simm.s32 $0x9000;
	s21 =	simm.s32 $0x1;
	s22 =	simm.s32 $0x2  }
0x6: {  	s23 =	simm.s32 $0x4F00;
	s24 =	simm.s32 $0x4F80;
	s25 =	simm.s32 $0x0  }
0x7: {  	s5 =	sand.u32 $0x1, s1;
	s29 =	sshll.u32 s0, $0x1;
	s7 =	smul.u32 $0x50, s0  }
0x8: {  	[smem:$0x7FF] =	sst s3;
	s4 =	sadd.s32 $0x1200, s6;
	s13 =	smul.u32 $0xA000, s0  }
0x9: {  	s1 =	sor.u32 s5, s29;
	s8 =	smul.u32 $0x500, s5;
	s30 =	ssub.s32 $0x2, s5  }
0xa: {  	s5 =	sadd.s32 $0x2A200, s6;
	s12 =	smul.u32 $0x500, s1;
	s1 =	rddreg [dreg:$0x3]  }
0xb: {  	_ =	strace $0x80000047;
	s9 =	sshrl.u32 s30, $0x1;
	s31 =	sshrl.u32 s13, $0x2  }
0xc: {  	s7 =	sadd.s32 s7, s8;
	s15 =	ssub.s32 s30, s9;
	s8 =	sadd.s32 s31, s2  }
0xd: {  	s10 =	sadd.s32 s12, s6;
	s7 =	sshll.u32 s7, $0x4;
	s11 =	sadd.s32 s11, s12  }
0xe: {  	s13 =	smax.u32 s15, $0x1;
	s15 =	simm.s32 $0x2800;
	s14 =	sadd.s32 s7, s6  }
0xf: {  	s6 =	sadd.s32 $0x16200, s10;
	s7 =	sadd.s32 $0x20200, s10;
	s10 =	sadd.s32 $0xC200, s10  }
0x10: {  	s9 =	sadd.s32 $0x2A800, s14;
	s12 =	sadd.s32 $0x34800, s14;
	s14 =	simm.s32 $0x3  }
.LBB2_1:
0x11: {  	[tilespmem:s3], [sflag:$0x3] =	stream.linear.gather [hbm4b:s6+s3], $0x2800, $0x38;
	[tilespmem:$0x12000] =	vst v63  }
0x12: {  	_ =	swait.ge [sflag:s14], $0x2800  }
0x13: {  	[sflag:s14] =	ssyncset.done $0x0  }
0x14: {  	[sflag:s14] =	ssyncadd.s32 $0xFFFFD800  }
0x15: {  	[tilespmem:s15], [sflag:$0x3] =	stream.linear.gather [hbm4b:s7+s3], $0x2800, $0x38;
	[tilespmem:$0x12000] =	vst v63  }
0x16: {  	_ =	swait.ge [sflag:s14], $0x2800  }
0x17: {  	[sflag:s14] =	ssyncset.done $0x0  }
0x18: {  	[sflag:s14] =	ssyncadd.s32 $0xFFFFD800  }
0x19: {  	[tilespmem:s16], [sflag:$0x3] =	stream.linear.gather [hbm4b:s5+s3], $0x2800, $0x38;
	[tilespmem:$0x12000] =	vst v63  }
0x1a: {  	_ =	swait.ge [sflag:s14], $0x2800  }
0x1b: {  	[sflag:s14] =	ssyncset.done $0x0  }
0x1c: {  	[sflag:s14] =	ssyncadd.s32 $0xFFFFD800  }
0x1d: {  	[spmem:s8] =	stream.linear.scatter [tilespmem:s16], [sflag:$0x3], $0x2800, $0x38;
	[tilespmem:$0x12000] =	vst v63  }
0x1e: {  	_ =	swait.ge [sflag:s14], $0x2800  }
0x1f: {  	[sflag:s14] =	ssyncset.done $0x0  }
0x20: {  	[sflag:s14] =	ssyncadd.s32 $0xFFFFD800  }
0x21: {  	[bflag:$0x0] =	sbarrier.arrive $0xFFFF  }
0x22: {  	[tilespmem:s18], [sflag:$0x1] =	stream.indirect.gather [hbm4b:s4+s17], $0x80, s3, s17, $0xb8;
	[tilespmem:$0x12000] =	vst v63  }
0x23: {  	_ = 	snop  }
0x24: {  	[tilespmem:s20], [sflag:$0x2] =	stream.indirect.gather [hbm4b:s4+s17], $0x80, s19, s17, $0xb8;
	[tilespmem:$0x12000] =	vst v63  }
0x25: {  	_ =	swait.ge [sflag:s21], $0x3E80  }
0x26: {  	[sflag:s21] =	ssyncset.done $0x0  }
0x27: {  	s26 =	simm.s32 $0x2800;
	[sflag:s21] =	ssyncadd.s32 $0xFFFFC180  }
0x28: {  	[spmem:s2] =	stream.indirect.scatter.add.f32 [tilespmem:s18], [sflag:$0x3], $0x80, s26, s17, $0xb8;
	[tilespmem:$0x12000] =	vst v63  }
0x29: {  	_ =	swait.ge [sflag:s14], $0x3E80  }
0x2a: {  	[sflag:s14] =	ssyncset.done $0x0  }
0x2b: {  	s30 =	simm.s32 $0x100;
	[sflag:s14] =	ssyncadd.s32 $0xFFFFC180  }
0x2c: {  	[tilespmem:s18], [sflag:$0x1] =	stream.indirect.gather [hbm4b:s4+s17], $0x80, s30, s17, $0xb8;
	[tilespmem:$0x12000] =	vst v63  }
0x2d: {  	_ =	swait.ge [sflag:s22], $0x3E80  }
0x2e: {  	[sflag:s22] =	ssyncset.done $0x0  }
0x2f: {  	s31 =	simm.s32 $0x2880;
	[sflag:s22] =	ssyncadd.s32 $0xFFFFC180  }
0x30: {  	[spmem:s2] =	stream.indirect.scatter.add.f32 [tilespmem:s20], [sflag:$0x3], $0x80, s31, s17, $0xb8;
	[tilespmem:$0x12000] =	vst v63  }
0x31: {  	_ =	swait.ge [sflag:s14], $0x3E80  }
0x32: {  	[sflag:s14] =	ssyncset.done $0x0  }
0x33: {  	s28 =	simm.s32 $0x180;
	s26 =	simm.s32 $0x400;
	[sflag:s14] =	ssyncadd.s32 $0xFFFFC180  }
.LBB2_2:
0x34: {  	[tilespmem:s20], [sflag:$0x2] =	stream.indirect.gather [hbm4b:s4+s17], $0x80, s28, s17, $0xb8;
	[tilespmem:$0x12000] =	vst v63  }
0x35: {  	s28 =	smov.u32 s26  }
0x36: {  	p0 =	sne.s32 s26, $0x9800;
	s26 =	sadd.s32 $0x400, s26;
	_ =	swait.ge [sflag:s21], $0x3E80  }
0x37: {  	s28 =	sshra.s32 s28, $0x2;
	[sflag:s21] =	ssyncset.done $0x0  }
0x38: {  	s29 =	sadd.s32 $0x2800, s28;
	[sflag:s21] =	ssyncadd.s32 $0xFFFFC180  }
0x39: {  	[spmem:s2] =	stream.indirect.scatter.add.f32 [tilespmem:s18], [sflag:$0x3], $0x80, s29, s17, $0xb8;
	[tilespmem:$0x12000] =	vst v63  }
0x3a: {  	_ =	swait.ge [sflag:s14], $0x3E80  }
0x3b: {  	[sflag:s14] =	ssyncset.done $0x0  }
0x3c: {  	s29 =	sadd.s32 $0x100, s28;
	[sflag:s14] =	ssyncadd.s32 $0xFFFFC180  }
0x3d: {  	[tilespmem:s18], [sflag:$0x1] =	stream.indirect.gather [hbm4b:s4+s17], $0x80, s29, s17, $0xb8;
	[tilespmem:$0x12000] =	vst v63  }
0x3e: {  	_ =	swait.ge [sflag:s22], $0x3E80  }
0x3f: {  	[sflag:s22] =	ssyncset.done $0x0  }
.Ltmp0:
0x40: {  	s29 =	sadd.s32 $0x2880, s28;
	[sflag:s22] =	ssyncadd.s32 $0xFFFFC180;
	(pc) =	sbr.rel @p0 .LBB2_2-.Ltmp0, $4  }
0x41: {  	[spmem:s2] =	stream.indirect.scatter.add.f32 [tilespmem:s20], [sflag:$0x3], $0x80, s29, s17, $0xb8;
	[tilespmem:$0x12000] =	vst v63  }
0x42: {  	_ =	swait.ge [sflag:s14], $0x3E80  }
0x43: {  	[sflag:s14] =	ssyncset.done $0x0  }
0x44: {  	s28 =	sadd.s32 $0x180, s28;
	[sflag:s14] =	ssyncadd.s32 $0xFFFFC180  }
0x45: {  	[tilespmem:s20], [sflag:$0x2] =	stream.indirect.gather [hbm4b:s4+s17], $0x80, s28, s17, $0xb8;
	[tilespmem:$0x12000] =	vst v63  }
0x46: {  	_ =	swait.ge [sflag:s21], $0x3E80  }
0x47: {  	[sflag:s21] =	ssyncset.done $0x0  }
0x48: {  	[sflag:s21] =	ssyncadd.s32 $0xFFFFC180  }
0x49: {  	[spmem:s2] =	stream.indirect.scatter.add.f32 [tilespmem:s18], [sflag:$0x3], $0x80, s23, s17, $0xb8;
	[tilespmem:$0x12000] =	vst v63  }
0x4a: {  	_ =	swait.ge [sflag:s14], $0x3E80  }
0x4b: {  	[sflag:s14] =	ssyncset.done $0x0  }
0x4c: {  	[sflag:s14] =	ssyncadd.s32 $0xFFFFC180  }
0x4d: {  	_ =	swait.ge [sflag:s22], $0x3E80  }
0x4e: {  	[sflag:s22] =	ssyncset.done $0x0  }
0x4f: {  	[sflag:s22] =	ssyncadd.s32 $0xFFFFC180  }
0x50: {  	[spmem:s2] =	stream.indirect.scatter.add.f32 [tilespmem:s20], [sflag:$0x3], $0x80, s24, s17, $0xb8;
	[tilespmem:$0x12000] =	vst v63  }
0x51: {  	_ =	swait.ge [sflag:s14], $0x3E80  }
0x52: {  	[sflag:s14] =	ssyncset.done $0x0  }
0x53: {  	[sflag:s14] =	ssyncadd.s32 $0xFFFFC180  }
0x54: {  	[bflag:$0x0] =	sbarrier.arrive $0xFFFF  }
0x55: {  	[tilespmem:s16], [sflag:$0x3] =	stream.linear.gather [spmem:s8], $0x2800, $0x38;
	[tilespmem:$0x12000] =	vst v63  }
0x56: {  	_ =	swait.ge [sflag:s14], $0x2800  }
0x57: {  	[sflag:s14] =	ssyncset.done $0x0  }
0x58: {  	s26 =	simm.s32 $0x0;
	[sflag:s14] =	ssyncadd.s32 $0xFFFFD800  }
0x59: {  	[hbm4b:s9+s26] =	stream.linear.scatter [tilespmem:s16], [sflag:$0x3], $0x2800, $0x38;
	[tilespmem:$0x12000] =	vst v63  }
0x5a: {  	_ =	swait.ge [sflag:s14], $0x2800  }
0x5b: {  	[sflag:s14] =	ssyncset.done $0x0  }
0x5c: {  	[sflag:s14] =	ssyncadd.s32 $0xFFFFD800  }
0x5d: {  	[tilespmem:s26], [sflag:$0x3] =	stream.linear.gather [hbm4b:s10+s26], $0x2800, $0x38;
	[tilespmem:$0x12000] =	vst v63  }
0x5e: {  	_ =	swait.ge [sflag:s14], $0x2800  }
0x5f: {  	[sflag:s14] =	ssyncset.done $0x0  }
0x60: {  	[sflag:s14] =	ssyncadd.s32 $0xFFFFD800  }
0x61: {  	[tilespmem:s15], [sflag:$0x3] =	stream.linear.gather [hbm4b:s11+s26], $0x2800, $0x38;
	[tilespmem:$0x12000] =	vst v63  }
0x62: {  	_ =	swait.ge [sflag:s14], $0x2800  }
0x63: {  	[sflag:s14] =	ssyncset.done $0x0  }
0x64: {  	[sflag:s14] =	ssyncadd.s32 $0xFFFFD800  }
0x65: {  	[tilespmem:s16], [sflag:$0x3] =	stream.linear.gather [hbm4b:s5+s26], $0x2800, $0x38;
	[tilespmem:$0x12000] =	vst v63  }
0x66: {  	_ =	swait.ge [sflag:s14], $0x2800  }
0x67: {  	[sflag:s14] =	ssyncset.done $0x0  }
0x68: {  	[sflag:s14] =	ssyncadd.s32 $0xFFFFD800  }
0x69: {  	[spmem:s8] =	stream.linear.scatter [tilespmem:s16], [sflag:$0x3], $0x2800, $0x38;
	[tilespmem:$0x12000] =	vst v63  }
0x6a: {  	_ =	swait.ge [sflag:s14], $0x2800  }
0x6b: {  	[sflag:s14] =	ssyncset.done $0x0  }
0x6c: {  	[sflag:s14] =	ssyncadd.s32 $0xFFFFD800  }
0x6d: {  	[bflag:$0x0] =	sbarrier.arrive $0xFFFF  }
0x6e: {  	[tilespmem:s18], [sflag:$0x1] =	stream.indirect.gather [hbm4b:s4+s17], $0x80, s26, s17, $0xb8;
	[tilespmem:$0x12000] =	vst v63  }
0x6f: {  	_ = 	snop  }
0x70: {  	[tilespmem:s20], [sflag:$0x2] =	stream.indirect.gather [hbm4b:s4+s17], $0x80, s19, s17, $0xb8;
	[tilespmem:$0x12000] =	vst v63  }
0x71: {  	_ =	swait.ge [sflag:s21], $0x3E80  }
0x72: {  	[sflag:s21] =	ssyncset.done $0x0  }
0x73: {  	s29 =	simm.s32 $0x2800;
	[sflag:s21] =	ssyncadd.s32 $0xFFFFC180  }
0x74: {  	[spmem:s2] =	stream.indirect.scatter.add.f32 [tilespmem:s18], [sflag:$0x3], $0x80, s29, s17, $0xb8;
	[tilespmem:$0x12000] =	vst v63  }
0x75: {  	_ =	swait.ge [sflag:s14], $0x3E80  }
0x76: {  	[sflag:s14] =	ssyncset.done $0x0  }
0x77: {  	s30 =	simm.s32 $0x100;
	[sflag:s14] =	ssyncadd.s32 $0xFFFFC180  }
0x78: {  	[tilespmem:s18], [sflag:$0x1] =	stream.indirect.gather [hbm4b:s4+s17], $0x80, s30, s17, $0xb8;
	[tilespmem:$0x12000] =	vst v63  }
0x79: {  	_ =	swait.ge [sflag:s22], $0x3E80  }
0x7a: {  	[sflag:s22] =	ssyncset.done $0x0  }
0x7b: {  	s31 =	simm.s32 $0x2880;
	[sflag:s22] =	ssyncadd.s32 $0xFFFFC180  }
0x7c: {  	[spmem:s2] =	stream.indirect.scatter.add.f32 [tilespmem:s20], [sflag:$0x3], $0x80, s31, s17, $0xb8;
	[tilespmem:$0x12000] =	vst v63  }
0x7d: {  	_ =	swait.ge [sflag:s14], $0x3E80  }
0x7e: {  	[sflag:s14] =	ssyncset.done $0x0  }
0x7f: {  	s28 =	simm.s32 $0x180;
	s26 =	simm.s32 $0x400;
	[sflag:s14] =	ssyncadd.s32 $0xFFFFC180  }
.LBB2_4:
0x80: {  	[tilespmem:s20], [sflag:$0x2] =	stream.indirect.gather [hbm4b:s4+s17], $0x80, s28, s17, $0xb8;
	[tilespmem:$0x12000] =	vst v63  }
0x81: {  	s28 =	smov.u32 s26  }
0x82: {  	p0 =	sne.s32 s26, $0x9800;
	s26 =	sadd.s32 $0x400, s26;
	_ =	swait.ge [sflag:s21], $0x3E80  }
0x83: {  	s28 =	sshra.s32 s28, $0x2;
	[sflag:s21] =	ssyncset.done $0x0  }
0x84: {  	s29 =	sadd.s32 $0x2800, s28;
	[sflag:s21] =	ssyncadd.s32 $0xFFFFC180  }
0x85: {  	[spmem:s2] =	stream.indirect.scatter.add.f32 [tilespmem:s18], [sflag:$0x3], $0x80, s29, s17, $0xb8;
	[tilespmem:$0x12000] =	vst v63  }
0x86: {  	_ =	swait.ge [sflag:s14], $0x3E80  }
0x87: {  	[sflag:s14] =	ssyncset.done $0x0  }
0x88: {  	s29 =	sadd.s32 $0x100, s28;
	[sflag:s14] =	ssyncadd.s32 $0xFFFFC180  }
0x89: {  	[tilespmem:s18], [sflag:$0x1] =	stream.indirect.gather [hbm4b:s4+s17], $0x80, s29, s17, $0xb8;
	[tilespmem:$0x12000] =	vst v63  }
0x8a: {  	_ =	swait.ge [sflag:s22], $0x3E80  }
0x8b: {  	[sflag:s22] =	ssyncset.done $0x0  }
.Ltmp1:
0x8c: {  	s29 =	sadd.s32 $0x2880, s28;
	[sflag:s22] =	ssyncadd.s32 $0xFFFFC180;
	(pc) =	sbr.rel @p0 .LBB2_4-.Ltmp1, $4  }
0x8d: {  	[spmem:s2] =	stream.indirect.scatter.add.f32 [tilespmem:s20], [sflag:$0x3], $0x80, s29, s17, $0xb8;
	[tilespmem:$0x12000] =	vst v63  }
0x8e: {  	_ =	swait.ge [sflag:s14], $0x3E80  }
0x8f: {  	[sflag:s14] =	ssyncset.done $0x0  }
0x90: {  	s28 =	sadd.s32 $0x180, s28;
	[sflag:s14] =	ssyncadd.s32 $0xFFFFC180  }
0x91: {  	[tilespmem:s20], [sflag:$0x2] =	stream.indirect.gather [hbm4b:s4+s17], $0x80, s28, s17, $0xb8;
	[tilespmem:$0x12000] =	vst v63  }
0x92: {  	_ =	swait.ge [sflag:s21], $0x3E80  }
0x93: {  	[sflag:s21] =	ssyncset.done $0x0  }
0x94: {  	[sflag:s21] =	ssyncadd.s32 $0xFFFFC180  }
0x95: {  	[spmem:s2] =	stream.indirect.scatter.add.f32 [tilespmem:s18], [sflag:$0x3], $0x80, s23, s17, $0xb8;
	[tilespmem:$0x12000] =	vst v63  }
0x96: {  	_ =	swait.ge [sflag:s14], $0x3E80  }
0x97: {  	[sflag:s14] =	ssyncset.done $0x0  }
0x98: {  	[sflag:s14] =	ssyncadd.s32 $0xFFFFC180  }
0x99: {  	_ =	swait.ge [sflag:s22], $0x3E80  }
0x9a: {  	[sflag:s22] =	ssyncset.done $0x0  }
0x9b: {  	[sflag:s22] =	ssyncadd.s32 $0xFFFFC180  }
0x9c: {  	[spmem:s2] =	stream.indirect.scatter.add.f32 [tilespmem:s20], [sflag:$0x3], $0x80, s24, s17, $0xb8;
	[tilespmem:$0x12000] =	vst v63  }
0x9d: {  	_ =	swait.ge [sflag:s14], $0x3E80  }
0x9e: {  	[sflag:s14] =	ssyncset.done $0x0  }
0x9f: {  	[sflag:s14] =	ssyncadd.s32 $0xFFFFC180  }
0xa0: {  	[bflag:$0x0] =	sbarrier.arrive $0xFFFF  }
0xa1: {  	[tilespmem:s16], [sflag:$0x3] =	stream.linear.gather [spmem:s8], $0x2800, $0x38;
	[tilespmem:$0x12000] =	vst v63  }
0xa2: {  	s25 =	sadd.s32 $0x1, s25;
	_ =	swait.ge [sflag:s14], $0x2800  }
0xa3: {  	p0 =	sne.s32 s25, s13;
	[sflag:s14] =	ssyncset.done $0x0  }
.Ltmp2:
0xa4: {  	[sflag:s14] =	ssyncadd.s32 $0xFFFFD800;
	(pc) =	sbr.rel @p0 .LBB2_1-.Ltmp2, $4  }
0xa5: {  	[hbm4b:s12+s3] =	stream.linear.scatter [tilespmem:s16], [sflag:$0x3], $0x2800, $0x38;
	[tilespmem:$0x12000] =	vst v63  }
0xa6: {  	_ =	swait.ge [sflag:s14], $0x2800  }
0xa7: {  	[sflag:s14] =	ssyncset.done $0x0  }
0xa8: {  	[sflag:s14] =	ssyncadd.s32 $0xFFFFD800  }
0xa9: {  	_ =	sfence.sel $0x180000  }
0xaa: {  	[bflag:$0x0] =	sbarrier.arrive $0xFFFF  }
0xab: {  	p0 =	sne.s32 s0, $0x0;
	_ =	strace $0x90000047  }
0xac: {  	s0 =	sadd.s32 @!p0 $0x100000, s1;
	[bflag:$0x2] =	sbarrier.arrive $0xFFFF  }
0xad: {  	[sflag:s0] =	ssyncadd.tile.s32 @!p0 $0x1;
	_ =	shalt  }
.Lfunc_end2:
_tile_overlayer_lowered:
.L_overlay_start_2:
0xae: {  	(tag) =	ssettag $0x2  }
0xaf: {  	s0 =	rddreg [dreg:$0x0];
	s2 =	stileid.u32  }
0xb0: {  	s1 =	rddreg [dreg:$0x1];
	p0 =	sne.s32 s2, $0x0  }
0xb1: {  	s3 =	rddreg [dreg:$0x2];
	[bflag:$0x3] =	sbarrier.arrive $0xFFFF;
	s2 =	simm.s32 @!p0 $0x1C03  }
0xb2: {  	[timem:s3], [sflag:s2] =	dma.local @!p0 [hbm:s0], s1  }
0xb3: {  	s0 =	simm.s32 @!p0 $0x3  }
0xb4: {  	_ =	swait.ge @!p0 [sflag:s0], s1  }
0xb5: {  	s1 =	ssub.s32 @!p0 $0x0, s1;
	[sflag:s0] =	ssyncset.done @!p0 $0x0  }
0xb6: {  	[sflag:s0] =	ssyncadd.s32 @!p0 s1  }
0xb7: {  	[bflag:$0x3] =	sbarrier.arrive $0xFFFF  }
0xb8: {  	_ =	shalt  }

</sc_bundles>
